<compile_context>
chip_gen: v7x
topology: tpu7x:2x2x1
jax: 0.10.2.dev20260603
libtpu: 0.0.44.dev20260713+nightly
codegen_flags: <defaults>
</compile_context>

<pallas_src>
import functools

import jax
import jax.numpy as jnp
from jax import lax
from jax.experimental import pallas as pl
from jax.experimental.pallas import tpu as pltpu
from jax.experimental.pallas import tpu_sc as plsc

_BATCH = 16384
_FEATURES = 64
_CLASSES = 1000000

_INFO = plsc.get_sparse_core_info()
_NC = _INFO.num_cores
_NS = _INFO.num_subcores
_NW = _NC * _NS
_COLS = (_CLASSES + 127) // 128
_RPW = (_COLS + _NW - 1) // _NW
_CPC = 4
_NCHUNK = (_RPW + _CPC - 1) // _CPC
_NPAIR = (_NCHUNK + 1) // 2
_NGRP = _BATCH // 16
_RING = 8
_SENT = 0x7FFF0000


@functools.partial(
    pl.kernel,
    out_type=jax.ShapeDtypeStruct((_BATCH, _FEATURES), jnp.float32),
    mesh=plsc.VectorSubcoreMesh(core_axis_name="c", subcore_axis_name="s"),
    scratch_types=[
        pltpu.VMEM((_BATCH,), jnp.int32),
        pltpu.VMEM((_BATCH,), jnp.int32),
        pltpu.VMEM((_BATCH,), jnp.int32),
        pltpu.VMEM((256,), jnp.int32),
        pltpu.VMEM((2, _FEATURES, _CPC * 128), jnp.float32),
        pltpu.VMEM((_RING, 1, _FEATURES), jnp.float32),
        pltpu.SemaphoreType.DMA,
        pltpu.SemaphoreType.DMA,
        pltpu.SemaphoreType.DMA,
    ],
    compiler_params=pltpu.CompilerParams(needs_layout_passes=False),
)
def _embed_gather(cond_hbm, tabt_hbm, out_hbm, idx_all, match_v, match_p,
                  colmap, stage, rowbufs, semb0, semb1, semr):
    wid = lax.axis_index("s") * _NC + lax.axis_index("c")
    lo = wid * _RPW
    hi = jnp.minimum(lo + _RPW, _COLS)
    iota = lax.iota(jnp.int32, 16)
    sems = (semb0, semb1)
    one16 = jnp.full((16,), 1, jnp.int32)

    def fire_col(b, k, off):
        pltpu.async_copy(
            tabt_hbm.at[:, pl.ds(pl.multiple_of(off, 128), 128)],
            stage.at[b, :, pl.ds(k * 128, 128)], sems[b])

    def fire_chunk_uncond(b, c):
        for k in range(_CPC):
            fire_col(b, k, (lo + c * _CPC + k) * 128)
        return _CPC

    def fire_chunk(b, c):
        nf = 0
        for k in range(_CPC):
            flag = plsc.load_gather(
                colmap, [jnp.full((16,), c * _CPC + k, jnp.int32)])[0]

            @pl.when(flag > 0)
            def _():
                fire_col(b, k, (lo + c * _CPC + k) * 128)

            nf = nf + flag
        return nf

    def drain_n(b, n):
        def dbody(j, carry):
            pltpu.make_async_copy(
                tabt_hbm.at[:, pl.ds(0, 128)],
                stage.at[b, :, pl.ds(0, 128)], sems[b]).wait()
            return carry

        lax.fori_loop(0, n, dbody, 0)

    f0 = fire_chunk_uncond(0, 0)
    f1 = fire_chunk_uncond(1, 1)

    pltpu.sync_copy(cond_hbm.at[pl.ds(0, _BATCH)], idx_all)

    def cbody(j, carry):
        colmap[pl.ds(j * 16, 16)] = jnp.full((16,), 0, jnp.int32)
        return carry

    lax.fori_loop(0, 16, cbody, 0)

    def scan_body(g2, cnt):
        for u in range(2):
            g = g2 * 2 + u
            vec = idx_all[pl.ds(g * 16, 16)]
            cols = vec >> 7
            msk = (cols >= lo) & (cols < hi)
            plsc.store_compressed(match_v.at[pl.ds(cnt, 16)], vec, mask=msk)
            plsc.store_compressed(match_p.at[pl.ds(cnt, 16)],
                                  iota + g * 16, mask=msk)
            plsc.store_scatter(colmap, [cols - lo], one16, mask=msk)
            cnt = cnt + plsc.all_reduce_population_count(msk)[0]
        return cnt

    nmatch = lax.fori_loop(0, _NGRP // 2, scan_body, 0)
    ngrp_m = (nmatch + 15) >> 4

    @pl.when(nmatch < _BATCH)
    def _():
        tail_base = (nmatch >> 4) << 4
        tgrp = match_v[pl.ds(tail_base, 16)]
        match_v[pl.ds(tail_base, 16)] = jnp.where(
            iota >= (nmatch & 15), jnp.full((16,), _SENT, jnp.int32), tgrp)

    def process(c, b, fired0):
        c0 = lo + c * _CPC
        base_lane = c0 * 128

        def grp_body(j, fired):
            mv = match_v[pl.ds(j * 16, 16)]
            cols = mv >> 7
            m0 = (cols >= c0) & (cols < c0 + _CPC)

            def w_cond(state):
                m, _ = state
                return plsc.all_reduce_population_count(m)[0] > 0

            def w_body(state):
                m, fired = state
                k = plsc.all_reduce_ffs(m)[0]
                kk = jnp.full((16,), j * 16 + k, jnp.int32)
                vv = plsc.load_gather(match_v, [kk])[0]
                pp = plsc.load_gather(match_p, [kk])[0]
                lane = jnp.full((16,), vv - base_lane, jnp.int32)
                slot = fired & (_RING - 1)

                @pl.when(fired >= _RING)
                def _():
                    pltpu.make_async_copy(
                        rowbufs.at[0],
                        out_hbm.at[pl.ds(0, 1), :], semr).wait()

                for q in range(_FEATURES // 16):
                    vals = plsc.load_gather(
                        stage, [jnp.full((16,), b, jnp.int32),
                                iota + q * 16, lane])
                    rowbufs[slot, 0, pl.ds(q * 16, 16)] = vals
                pltpu.async_copy(
                    rowbufs.at[slot],
                    out_hbm.at[pl.ds(pp, 1), :], semr)
                return m & (iota != k), fired + 1

            m_fin, fired = lax.while_loop(w_cond, w_body, (m0, fired))
            return fired

        return lax.fori_loop(0, ngrp_m, grp_body, fired0)

    def pair_body(i, state):
        fired, f0, f1 = state
        drain_n(0, f0)
        fired = process(2 * i, 0, fired)
        f0 = fire_chunk(0, 2 * i + 2)
        drain_n(1, f1)
        fired = process(2 * i + 1, 1, fired)
        f1 = fire_chunk(1, 2 * i + 3)
        return fired, f0, f1

    fired, f0, f1 = lax.fori_loop(0, _NPAIR, pair_body, (0, f0, f1))
    drain_n(0, f0)
    drain_n(1, f1)

    def rdrain(j, carry):
        pltpu.make_async_copy(
            rowbufs.at[0], out_hbm.at[pl.ds(0, 1), :], semr).wait()
        return carry

    lax.fori_loop(0, jnp.minimum(fired, _RING), rdrain, 0)


def kernel(cond, embedding_table):
    return _embed_gather(cond.astype(jnp.int32), embedding_table.T)

# --- scband reference (transcript-rebuilt; emitter-appended) ---
"""Pipeline reference for scband-condition-embed-70729521430810 (READ-ONLY COPY).

The authoritative reference and input builder live on the scoring server;
editing this copy changes nothing except your own understanding.
"""

import jax, jax.numpy as jnp
import numpy as np

NUM_CLASSES = 1000000
FEATURES = 64
BATCH = 16384

def setup_inputs(seed: int = 0) -> dict:
    key = jax.random.key(seed)
    k_idx, k_emb = jax.random.split(key)
    cond = jax.random.randint(k_idx, (BATCH,), 0, NUM_CLASSES, dtype=jnp.int64 if jax.config.jax_enable_x64 else jnp.int32)
    # embedding table init: normal(stddev=0.02), shape (num_classes + int(use_cfg_embedding), features)
    embedding_table = jax.random.normal(k_emb, (NUM_CLASSES, FEATURES), dtype=jnp.float32) * 0.02
    return {"cond": cond, "embedding_table": embedding_table}

def reference(cond, embedding_table):
    # ConditionEmbed.__call__: with use_cfg_embedding=False and deterministic=True,
    # this is exactly an nn.Embed lookup: embedding_table[cond]
    embedding = jnp.take(embedding_table, cond, axis=0)
    return embedding

if __name__ == "__main__":
    import jax
    _d = setup_inputs()
    print(jax.jit(kernel)(*tuple(_d.values())))

</pallas_src>

<mosaic_0001>
#map = affine_map<(d0, d1) -> (0)>
#map1 = affine_map<(d0, d1) -> (0, 0)>
module attributes {stable_mosaic.version = 14 : i64} {
  func.func @_embed_gather(%arg0: i32, %arg1: i32, %arg2: memref<16384xi32, #tpu.memory_space<hbm>>, %arg3: memref<64x1000000xf32, #tpu.memory_space<hbm>>, %arg4: memref<16384x64xf32, #tpu.memory_space<hbm>>, %arg5: memref<16384xi32, #tpu.memory_space<vmem>>, %arg6: memref<16384xi32, #tpu.memory_space<vmem>>, %arg7: memref<16384xi32, #tpu.memory_space<vmem>>, %arg8: memref<256xi32, #tpu.memory_space<vmem>>, %arg9: memref<2x64x512xf32, #tpu.memory_space<vmem>>, %arg10: memref<8x1x64xf32, #tpu.memory_space<vmem>>, %arg11: memref<!tpu.dma_semaphore, #tpu.memory_space<semaphore_mem>>, %arg12: memref<!tpu.dma_semaphore, #tpu.memory_space<semaphore_mem>>, %arg13: memref<!tpu.dma_semaphore, #tpu.memory_space<semaphore_mem>>) attributes {dimension_semantics = [#tpu.dimension_semantics<core_parallel>, #tpu.dimension_semantics<subcore_parallel>], iteration_bounds = array<i64: 2, 16>, scalar_prefetch = 0 : i64, scratch_operands = 9 : i64, tpu.core_type = #tpu.core_type<sc_vector_subcore>, window_params = [{transform_indices = #map}, {transform_indices = #map1}, {transform_indices = #map1}]} {
    %mul3A = arith.constant 2 : i32
    %mul3A_0 = arith.muli %arg1, %mul3A : i32
    %add3A = arith.addi %mul3A_0, %arg0 : i32
    %mul3A_1 = arith.constant 245 : i32
    %mul3A_2 = arith.muli %add3A, %mul3A_1 : i32
    %add3A_3 = arith.constant 245 : i32
    %add3A_4 = arith.addi %mul3A_2, %add3A_3 : i32
    %min3A = arith.constant 7813 : i32
    %min3A_5 = arith.minsi %add3A_4, %min3A : i32
    %iota3A = tpu.iota {dimensions = array<i32: 0>} : vector<16xi32>
    %broadcast_in_dim3A = arith.constant 1 : i32
    %broadcast_in_dim3A_6 = vector.broadcast %broadcast_in_dim3A : i32 to vector<16xi32>
    %add3A_7 = arith.constant 0 : i32
    %add3A_8 = arith.addi %mul3A_2, %add3A_7 : i32
    %add3A_9 = arith.constant 0 : i32
    %add3A_10 = arith.addi %add3A_8, %add3A_9 : i32
    %mul3A_11 = arith.constant 128 : i32
    %mul3A_12 = arith.muli %add3A_10, %mul3A_11 : i32
    %multiple_of3A = tpu.assume_multiple %mul3A_12, 128 : i32
    %dma_start3A = arith.constant 0 : i32
    %dma_start3A_13 = arith.constant 0 : i32
    %dma_start3A_14 = arith.constant 0 : i32
    %dma_start3A_15 = tpu.memref_slice %arg9[%dma_start3A, %dma_start3A_13, %dma_start3A_14] : memref<2x64x512xf32, #tpu.memory_space<vmem>> -> memref<1x64x128xf32, #tpu.memory_space<vmem>>
    %dma_start3A_16 = tpu.memref_squeeze %dma_start3A_15 : memref<1x64x128xf32, #tpu.memory_space<vmem>> -> memref<64x128xf32, #tpu.memory_space<vmem>>
    %dma_start3A_17 = arith.constant 0 : i32
    %dma_start3A_18 = tpu.memref_slice %arg3[%dma_start3A_17, %multiple_of3A] : memref<64x1000000xf32, #tpu.memory_space<hbm>> -> memref<64x128xf32, #tpu.memory_space<hbm>>
    %dma_start3A_19 = arith.constant 0 : i32
    %dma_start3A_20 = arith.constant 0 : i32
    %dma_start3A_21 = tpu.memref_slice %arg9[%dma_start3A, %dma_start3A_19, %dma_start3A_20] : memref<2x64x512xf32, #tpu.memory_space<vmem>> -> memref<1x64x128xf32, #tpu.memory_space<vmem>>
    %dma_start3A_22 = tpu.memref_squeeze %dma_start3A_21 : memref<1x64x128xf32, #tpu.memory_space<vmem>> -> memref<64x128xf32, #tpu.memory_space<vmem>>
    %dma_start3A_23 = arith.constant 0 : i32
    %dma_start3A_24 = tpu.memref_slice %arg3[%dma_start3A_23, %multiple_of3A] : memref<64x1000000xf32, #tpu.memory_space<hbm>> -> memref<64x128xf32, #tpu.memory_space<hbm>>
    tpu.enqueue_dma source(%dma_start3A_24 : memref<64x128xf32, #tpu.memory_space<hbm>>) target(%dma_start3A_22 : memref<64x128xf32, #tpu.memory_space<vmem>>) target_semaphore(%arg11 : memref<!tpu.dma_semaphore, #tpu.memory_space<semaphore_mem>>)
    %add3A_25 = arith.constant 0 : i32
    %add3A_26 = arith.addi %mul3A_2, %add3A_25 : i32
    %add3A_27 = arith.constant 1 : i32
    %add3A_28 = arith.addi %add3A_26, %add3A_27 : i32
    %mul3A_29 = arith.constant 128 : i32
    %mul3A_30 = arith.muli %add3A_28, %mul3A_29 : i32
    %multiple_of3A_31 = tpu.assume_multiple %mul3A_30, 128 : i32
    %dma_start3A_32 = arith.constant 0 : i32
    %dma_start3A_33 = arith.constant 0 : i32
    %dma_start3A_34 = arith.constant 128 : i32
    %dma_start3A_35 = tpu.memref_slice %arg9[%dma_start3A_32, %dma_start3A_33, %dma_start3A_34] : memref<2x64x512xf32, #tpu.memory_space<vmem>> -> memref<1x64x128xf32, #tpu.memory_space<vmem>>
    %dma_start3A_36 = tpu.memref_squeeze %dma_start3A_35 : memref<1x64x128xf32, #tpu.memory_space<vmem>> -> memref<64x128xf32, #tpu.memory_space<vmem>>
    %dma_start3A_37 = arith.constant 0 : i32
    %dma_start3A_38 = tpu.memref_slice %arg3[%dma_start3A_37, %multiple_of3A_31] : memref<64x1000000xf32, #tpu.memory_space<hbm>> -> memref<64x128xf32, #tpu.memory_space<hbm>>
    %dma_start3A_39 = arith.constant 0 : i32
    %dma_start3A_40 = arith.constant 128 : i32
    %dma_start3A_41 = tpu.memref_slice %arg9[%dma_start3A_32, %dma_start3A_39, %dma_start3A_40] : memref<2x64x512xf32, #tpu.memory_space<vmem>> -> memref<1x64x128xf32, #tpu.memory_space<vmem>>
    %dma_start3A_42 = tpu.memref_squeeze %dma_start3A_41 : memref<1x64x128xf32, #tpu.memory_space<vmem>> -> memref<64x128xf32, #tpu.memory_space<vmem>>
    %dma_start3A_43 = arith.constant 0 : i32
    %dma_start3A_44 = tpu.memref_slice %arg3[%dma_start3A_43, %multiple_of3A_31] : memref<64x1000000xf32, #tpu.memory_space<hbm>> -> memref<64x128xf32, #tpu.memory_space<hbm>>
    tpu.enqueue_dma source(%dma_start3A_44 : memref<64x128xf32, #tpu.memory_space<hbm>>) target(%dma_start3A_42 : memref<64x128xf32, #tpu.memory_space<vmem>>) target_semaphore(%arg11 : memref<!tpu.dma_semaphore, #tpu.memory_space<semaphore_mem>>)
    %add3A_45 = arith.constant 0 : i32
    %add3A_46 = arith.addi %mul3A_2, %add3A_45 : i32
    %add3A_47 = arith.constant 2 : i32
    %add3A_48 = arith.addi %add3A_46, %add3A_47 : i32
    %mul3A_49 = arith.constant 128 : i32
    %mul3A_50 = arith.muli %add3A_48, %mul3A_49 : i32
    %multiple_of3A_51 = tpu.assume_multiple %mul3A_50, 128 : i32
    %dma_start3A_52 = arith.constant 0 : i32
    %dma_start3A_53 = arith.constant 0 : i32
    %dma_start3A_54 = arith.constant 256 : i32
    %dma_start3A_55 = tpu.memref_slice %arg9[%dma_start3A_52, %dma_start3A_53, %dma_start3A_54] : memref<2x64x512xf32, #tpu.memory_space<vmem>> -> memref<1x64x128xf32, #tpu.memory_space<vmem>>
    %dma_start3A_56 = tpu.memref_squeeze %dma_start3A_55 : memref<1x64x128xf32, #tpu.memory_space<vmem>> -> memref<64x128xf32, #tpu.memory_space<vmem>>
    %dma_start3A_57 = arith.constant 0 : i32
    %dma_start3A_58 = tpu.memref_slice %arg3[%dma_start3A_57, %multiple_of3A_51] : memref<64x1000000xf32, #tpu.memory_space<hbm>> -> memref<64x128xf32, #tpu.memory_space<hbm>>
    %dma_start3A_59 = arith.constant 0 : i32
    %dma_start3A_60 = arith.constant 256 : i32
    %dma_start3A_61 = tpu.memref_slice %arg9[%dma_start3A_52, %dma_start3A_59, %dma_start3A_60] : memref<2x64x512xf32, #tpu.memory_space<vmem>> -> memref<1x64x128xf32, #tpu.memory_space<vmem>>
    %dma_start3A_62 = tpu.memref_squeeze %dma_start3A_61 : memref<1x64x128xf32, #tpu.memory_space<vmem>> -> memref<64x128xf32, #tpu.memory_space<vmem>>
    %dma_start3A_63 = arith.constant 0 : i32
    %dma_start3A_64 = tpu.memref_slice %arg3[%dma_start3A_63, %multiple_of3A_51] : memref<64x1000000xf32, #tpu.memory_space<hbm>> -> memref<64x128xf32, #tpu.memory_space<hbm>>
    tpu.enqueue_dma source(%dma_start3A_64 : memref<64x128xf32, #tpu.memory_space<hbm>>) target(%dma_start3A_62 : memref<64x128xf32, #tpu.memory_space<vmem>>) target_semaphore(%arg11 : memref<!tpu.dma_semaphore, #tpu.memory_space<semaphore_mem>>)
    %add3A_65 = arith.constant 0 : i32
    %add3A_66 = arith.addi %mul3A_2, %add3A_65 : i32
    %add3A_67 = arith.constant 3 : i32
    %add3A_68 = arith.addi %add3A_66, %add3A_67 : i32
    %mul3A_69 = arith.constant 128 : i32
    %mul3A_70 = arith.muli %add3A_68, %mul3A_69 : i32
    %multiple_of3A_71 = tpu.assume_multiple %mul3A_70, 128 : i32
    %dma_start3A_72 = arith.constant 0 : i32
    %dma_start3A_73 = arith.constant 0 : i32
    %dma_start3A_74 = arith.constant 384 : i32
    %dma_start3A_75 = tpu.memref_slice %arg9[%dma_start3A_72, %dma_start3A_73, %dma_start3A_74] : memref<2x64x512xf32, #tpu.memory_space<vmem>> -> memref<1x64x128xf32, #tpu.memory_space<vmem>>
    %dma_start3A_76 = tpu.memref_squeeze %dma_start3A_75 : memref<1x64x128xf32, #tpu.memory_space<vmem>> -> memref<64x128xf32, #tpu.memory_space<vmem>>
    %dma_start3A_77 = arith.constant 0 : i32
    %dma_start3A_78 = tpu.memref_slice %arg3[%dma_start3A_77, %multiple_of3A_71] : memref<64x1000000xf32, #tpu.memory_space<hbm>> -> memref<64x128xf32, #tpu.memory_space<hbm>>
    %dma_start3A_79 = arith.constant 0 : i32
    %dma_start3A_80 = arith.constant 384 : i32
    %dma_start3A_81 = tpu.memref_slice %arg9[%dma_start3A_72, %dma_start3A_79, %dma_start3A_80] : memref<2x64x512xf32, #tpu.memory_space<vmem>> -> memref<1x64x128xf32, #tpu.memory_space<vmem>>
    %dma_start3A_82 = tpu.memref_squeeze %dma_start3A_81 : memref<1x64x128xf32, #tpu.memory_space<vmem>> -> memref<64x128xf32, #tpu.memory_space<vmem>>
    %dma_start3A_83 = arith.constant 0 : i32
    %dma_start3A_84 = tpu.memref_slice %arg3[%dma_start3A_83, %multiple_of3A_71] : memref<64x1000000xf32, #tpu.memory_space<hbm>> -> memref<64x128xf32, #tpu.memory_space<hbm>>
    tpu.enqueue_dma source(%dma_start3A_84 : memref<64x128xf32, #tpu.memory_space<hbm>>) target(%dma_start3A_82 : memref<64x128xf32, #tpu.memory_space<vmem>>) target_semaphore(%arg11 : memref<!tpu.dma_semaphore, #tpu.memory_space<semaphore_mem>>)
    %add3A_85 = arith.constant 4 : i32
    %add3A_86 = arith.addi %mul3A_2, %add3A_85 : i32
    %add3A_87 = arith.constant 0 : i32
    %add3A_88 = arith.addi %add3A_86, %add3A_87 : i32
    %mul3A_89 = arith.constant 128 : i32
    %mul3A_90 = arith.muli %add3A_88, %mul3A_89 : i32
    %multiple_of3A_91 = tpu.assume_multiple %mul3A_90, 128 : i32
    %dma_start3A_92 = arith.constant 1 : i32
    %dma_start3A_93 = arith.constant 0 : i32
    %dma_start3A_94 = arith.constant 0 : i32
    %dma_start3A_95 = tpu.memref_slice %arg9[%dma_start3A_92, %dma_start3A_93, %dma_start3A_94] : memref<2x64x512xf32, #tpu.memory_space<vmem>> -> memref<1x64x128xf32, #tpu.memory_space<vmem>>
    %dma_start3A_96 = tpu.memref_squeeze %dma_start3A_95 : memref<1x64x128xf32, #tpu.memory_space<vmem>> -> memref<64x128xf32, #tpu.memory_space<vmem>>
    %dma_start3A_97 = arith.constant 0 : i32
    %dma_start3A_98 = tpu.memref_slice %arg3[%dma_start3A_97, %multiple_of3A_91] : memref<64x1000000xf32, #tpu.memory_space<hbm>> -> memref<64x128xf32, #tpu.memory_space<hbm>>
    %dma_start3A_99 = arith.constant 0 : i32
    %dma_start3A_100 = arith.constant 0 : i32
    %dma_start3A_101 = tpu.memref_slice %arg9[%dma_start3A_92, %dma_start3A_99, %dma_start3A_100] : memref<2x64x512xf32, #tpu.memory_space<vmem>> -> memref<1x64x128xf32, #tpu.memory_space<vmem>>
    %dma_start3A_102 = tpu.memref_squeeze %dma_start3A_101 : memref<1x64x128xf32, #tpu.memory_space<vmem>> -> memref<64x128xf32, #tpu.memory_space<vmem>>
    %dma_start3A_103 = arith.constant 0 : i32
    %dma_start3A_104 = tpu.memref_slice %arg3[%dma_start3A_103, %multiple_of3A_91] : memref<64x1000000xf32, #tpu.memory_space<hbm>> -> memref<64x128xf32, #tpu.memory_space<hbm>>
    tpu.enqueue_dma source(%dma_start3A_104 : memref<64x128xf32, #tpu.memory_space<hbm>>) target(%dma_start3A_102 : memref<64x128xf32, #tpu.memory_space<vmem>>) target_semaphore(%arg12 : memref<!tpu.dma_semaphore, #tpu.memory_space<semaphore_mem>>)
    %add3A_105 = arith.constant 4 : i32
    %add3A_106 = arith.addi %mul3A_2, %add3A_105 : i32
    %add3A_107 = arith.constant 1 : i32
    %add3A_108 = arith.addi %add3A_106, %add3A_107 : i32
    %mul3A_109 = arith.constant 128 : i32
    %mul3A_110 = arith.muli %add3A_108, %mul3A_109 : i32
    %multiple_of3A_111 = tpu.assume_multiple %mul3A_110, 128 : i32
    %dma_start3A_112 = arith.constant 1 : i32
    %dma_start3A_113 = arith.constant 0 : i32
    %dma_start3A_114 = arith.constant 128 : i32
    %dma_start3A_115 = tpu.memref_slice %arg9[%dma_start3A_112, %dma_start3A_113, %dma_start3A_114] : memref<2x64x512xf32, #tpu.memory_space<vmem>> -> memref<1x64x128xf32, #tpu.memory_space<vmem>>
    %dma_start3A_116 = tpu.memref_squeeze %dma_start3A_115 : memref<1x64x128xf32, #tpu.memory_space<vmem>> -> memref<64x128xf32, #tpu.memory_space<vmem>>
    %dma_start3A_117 = arith.constant 0 : i32
    %dma_start3A_118 = tpu.memref_slice %arg3[%dma_start3A_117, %multiple_of3A_111] : memref<64x1000000xf32, #tpu.memory_space<hbm>> -> memref<64x128xf32, #tpu.memory_space<hbm>>
    %dma_start3A_119 = arith.constant 0 : i32
    %dma_start3A_120 = arith.constant 128 : i32
    %dma_start3A_121 = tpu.memref_slice %arg9[%dma_start3A_112, %dma_start3A_119, %dma_start3A_120] : memref<2x64x512xf32, #tpu.memory_space<vmem>> -> memref<1x64x128xf32, #tpu.memory_space<vmem>>
    %dma_start3A_122 = tpu.memref_squeeze %dma_start3A_121 : memref<1x64x128xf32, #tpu.memory_space<vmem>> -> memref<64x128xf32, #tpu.memory_space<vmem>>
    %dma_start3A_123 = arith.constant 0 : i32
    %dma_start3A_124 = tpu.memref_slice %arg3[%dma_start3A_123, %multiple_of3A_111] : memref<64x1000000xf32, #tpu.memory_space<hbm>> -> memref<64x128xf32, #tpu.memory_space<hbm>>
    tpu.enqueue_dma source(%dma_start3A_124 : memref<64x128xf32, #tpu.memory_space<hbm>>) target(%dma_start3A_122 : memref<64x128xf32, #tpu.memory_space<vmem>>) target_semaphore(%arg12 : memref<!tpu.dma_semaphore, #tpu.memory_space<semaphore_mem>>)
    %add3A_125 = arith.constant 4 : i32
    %add3A_126 = arith.addi %mul3A_2, %add3A_125 : i32
    %add3A_127 = arith.constant 2 : i32
    %add3A_128 = arith.addi %add3A_126, %add3A_127 : i32
    %mul3A_129 = arith.constant 128 : i32
    %mul3A_130 = arith.muli %add3A_128, %mul3A_129 : i32
    %multiple_of3A_131 = tpu.assume_multiple %mul3A_130, 128 : i32
    %dma_start3A_132 = arith.constant 1 : i32
    %dma_start3A_133 = arith.constant 0 : i32
    %dma_start3A_134 = arith.constant 256 : i32
    %dma_start3A_135 = tpu.memref_slice %arg9[%dma_start3A_132, %dma_start3A_133, %dma_start3A_134] : memref<2x64x512xf32, #tpu.memory_space<vmem>> -> memref<1x64x128xf32, #tpu.memory_space<vmem>>
    %dma_start3A_136 = tpu.memref_squeeze %dma_start3A_135 : memref<1x64x128xf32, #tpu.memory_space<vmem>> -> memref<64x128xf32, #tpu.memory_space<vmem>>
    %dma_start3A_137 = arith.constant 0 : i32
    %dma_start3A_138 = tpu.memref_slice %arg3[%dma_start3A_137, %multiple_of3A_131] : memref<64x1000000xf32, #tpu.memory_space<hbm>> -> memref<64x128xf32, #tpu.memory_space<hbm>>
    %dma_start3A_139 = arith.constant 0 : i32
    %dma_start3A_140 = arith.constant 256 : i32
    %dma_start3A_141 = tpu.memref_slice %arg9[%dma_start3A_132, %dma_start3A_139, %dma_start3A_140] : memref<2x64x512xf32, #tpu.memory_space<vmem>> -> memref<1x64x128xf32, #tpu.memory_space<vmem>>
    %dma_start3A_142 = tpu.memref_squeeze %dma_start3A_141 : memref<1x64x128xf32, #tpu.memory_space<vmem>> -> memref<64x128xf32, #tpu.memory_space<vmem>>
    %dma_start3A_143 = arith.constant 0 : i32
    %dma_start3A_144 = tpu.memref_slice %arg3[%dma_start3A_143, %multiple_of3A_131] : memref<64x1000000xf32, #tpu.memory_space<hbm>> -> memref<64x128xf32, #tpu.memory_space<hbm>>
    tpu.enqueue_dma source(%dma_start3A_144 : memref<64x128xf32, #tpu.memory_space<hbm>>) target(%dma_start3A_142 : memref<64x128xf32, #tpu.memory_space<vmem>>) target_semaphore(%arg12 : memref<!tpu.dma_semaphore, #tpu.memory_space<semaphore_mem>>)
    %add3A_145 = arith.constant 4 : i32
    %add3A_146 = arith.addi %mul3A_2, %add3A_145 : i32
    %add3A_147 = arith.constant 3 : i32
    %add3A_148 = arith.addi %add3A_146, %add3A_147 : i32
    %mul3A_149 = arith.constant 128 : i32
    %mul3A_150 = arith.muli %add3A_148, %mul3A_149 : i32
    %multiple_of3A_151 = tpu.assume_multiple %mul3A_150, 128 : i32
    %dma_start3A_152 = arith.constant 1 : i32
    %dma_start3A_153 = arith.constant 0 : i32
    %dma_start3A_154 = arith.constant 384 : i32
    %dma_start3A_155 = tpu.memref_slice %arg9[%dma_start3A_152, %dma_start3A_153, %dma_start3A_154] : memref<2x64x512xf32, #tpu.memory_space<vmem>> -> memref<1x64x128xf32, #tpu.memory_space<vmem>>
    %dma_start3A_156 = tpu.memref_squeeze %dma_start3A_155 : memref<1x64x128xf32, #tpu.memory_space<vmem>> -> memref<64x128xf32, #tpu.memory_space<vmem>>
    %dma_start3A_157 = arith.constant 0 : i32
    %dma_start3A_158 = tpu.memref_slice %arg3[%dma_start3A_157, %multiple_of3A_151] : memref<64x1000000xf32, #tpu.memory_space<hbm>> -> memref<64x128xf32, #tpu.memory_space<hbm>>
    %dma_start3A_159 = arith.constant 0 : i32
    %dma_start3A_160 = arith.constant 384 : i32
    %dma_start3A_161 = tpu.memref_slice %arg9[%dma_start3A_152, %dma_start3A_159, %dma_start3A_160] : memref<2x64x512xf32, #tpu.memory_space<vmem>> -> memref<1x64x128xf32, #tpu.memory_space<vmem>>
    %dma_start3A_162 = tpu.memref_squeeze %dma_start3A_161 : memref<1x64x128xf32, #tpu.memory_space<vmem>> -> memref<64x128xf32, #tpu.memory_space<vmem>>
    %dma_start3A_163 = arith.constant 0 : i32
    %dma_start3A_164 = tpu.memref_slice %arg3[%dma_start3A_163, %multiple_of3A_151] : memref<64x1000000xf32, #tpu.memory_space<hbm>> -> memref<64x128xf32, #tpu.memory_space<hbm>>
    tpu.enqueue_dma source(%dma_start3A_164 : memref<64x128xf32, #tpu.memory_space<hbm>>) target(%dma_start3A_162 : memref<64x128xf32, #tpu.memory_space<vmem>>) target_semaphore(%arg12 : memref<!tpu.dma_semaphore, #tpu.memory_space<semaphore_mem>>)
    "tpu.region"() ({
      %run_scoped3A = tpu.sem_alloc : memref<!tpu.dma_semaphore, #tpu.memory_space<semaphore_mem>>
      %dma_start3A_222 = arith.constant 0 : i32
      %dma_start3A_223 = tpu.memref_slice %arg2[%dma_start3A_222] : memref<16384xi32, #tpu.memory_space<hbm>> -> memref<16384xi32, #tpu.memory_space<hbm>>
      %dma_start3A_224 = arith.constant 0 : i32
      %dma_start3A_225 = tpu.memref_slice %arg2[%dma_start3A_224] : memref<16384xi32, #tpu.memory_space<hbm>> -> memref<16384xi32, #tpu.memory_space<hbm>>
      tpu.enqueue_dma source(%dma_start3A_225 : memref<16384xi32, #tpu.memory_space<hbm>>) target(%arg5 : memref<16384xi32, #tpu.memory_space<vmem>>) target_semaphore(%run_scoped3A : memref<!tpu.dma_semaphore, #tpu.memory_space<semaphore_mem>>)
      %dma_wait3A = arith.constant 0 : i32
      %dma_wait3A_226 = tpu.memref_slice %arg2[%dma_wait3A] : memref<16384xi32, #tpu.memory_space<hbm>> -> memref<16384xi32, #tpu.memory_space<hbm>>
      %dma_wait3A_227 = arith.constant 0 : i32
      %dma_wait3A_228 = tpu.memref_slice %arg2[%dma_wait3A_227] : memref<16384xi32, #tpu.memory_space<hbm>> -> memref<16384xi32, #tpu.memory_space<hbm>>
      tpu.wait_dma2 semaphore(%run_scoped3A : memref<!tpu.dma_semaphore, #tpu.memory_space<semaphore_mem>>) src(%dma_wait3A_228 : memref<16384xi32, #tpu.memory_space<hbm>>) dst(%arg5 : memref<16384xi32, #tpu.memory_space<vmem>>)
      tpu.yield
    }) : () -> ()
    %scan3A = arith.constant 0 : i32
    %scan3A_165 = arith.constant 0 : i32
    %scan3A_166 = arith.constant 16 : i32
    %scan3A_167 = arith.addi %scan3A_165, %scan3A_166 : i32
    %scan3A_168 = arith.constant 1 : i32
    scf.for %scan3A_222 = %scan3A_165 to %scan3A_167 step %scan3A_168  : i32 {
      %broadcast_in_dim3A_223 = arith.constant 0 : i32
      %broadcast_in_dim3A_224 = vector.broadcast %broadcast_in_dim3A_223 : i32 to vector<16xi32>
      %mul3A_225 = arith.constant 16 : i32
      %mul3A_226 = arith.muli %scan3A_222, %mul3A_225 : i32
      %swap3A = arith.index_cast %mul3A_226 : i32 to index
      %swap3A_227 = tpu.vector_load %arg8[%swap3A] {strides = array<i32>} : memref<256xi32, #tpu.memory_space<vmem>>, vector<16xi32>,
      tpu.vector_store %arg8[%swap3A], %broadcast_in_dim3A_224 {strides = array<i32>} : memref<256xi32, #tpu.memory_space<vmem>>, vector<16xi32>,
    }
    %scan3A_169 = arith.constant 16 : i32
    %scan3A_170 = arith.constant 0 : i32
    %scan3A_171 = arith.constant 0 : i32
    %scan3A_172 = arith.constant 512 : i32
    %scan3A_173 = arith.addi %scan3A_171, %scan3A_172 : i32
    %scan3A_174 = arith.constant 1 : i32
    %scan3A_175 = scf.for %scan3A_222 = %scan3A_171 to %scan3A_173 step %scan3A_174 iter_args(%scan3A_223 = %scan3A_170) -> (i32)  : i32 {
      %mul3A_224 = arith.constant 2 : i32
      %mul3A_225 = arith.muli %scan3A_222, %mul3A_224 : i32
      %add3A_226 = arith.constant 0 : i32
      %add3A_227 = arith.addi %mul3A_225, %add3A_226 : i32
      %mul3A_228 = arith.constant 16 : i32
      %mul3A_229 = arith.muli %add3A_227, %mul3A_228 : i32
      %get3A = arith.index_cast %mul3A_229 : i32 to index
      %get3A_230 = tpu.vector_load %arg5[%get3A] {strides = array<i32>} : memref<16384xi32, #tpu.memory_space<vmem>>, vector<16xi32>,
      %shift_right_arithmetic3A_231 = arith.constant 7 : i32
      %shift_right_arithmetic3A_232 = vector.broadcast %shift_right_arithmetic3A_231 : i32 to vector<16xi32>
      %shift_right_arithmetic3A_233 = arith.shrsi %get3A_230, %shift_right_arithmetic3A_232 : vector<16xi32>
      %ge3A = vector.broadcast %mul3A_2 : i32 to vector<16xi32>
      %ge3A_234 = arith.cmpi sge, %shift_right_arithmetic3A_233, %ge3A : vector<16xi32>
      %lt3A_235 = vector.broadcast %min3A_5 : i32 to vector<16xi32>
      %lt3A_236 = arith.cmpi slt, %shift_right_arithmetic3A_233, %lt3A_235 : vector<16xi32>
      %and3A = arith.andi %ge3A_234, %lt3A_236 : vector<16xi1>
      %swap3A = arith.index_cast %scan3A_223 : i32 to index
      %swap3A_237 = tpu.vector_load %arg6[%swap3A] masked %and3A {strides = array<i32>} : memref<16384xi32, #tpu.memory_space<vmem>>, vector<16xi32>, vector<16xi1>
      tpu.vector_store %arg6[%swap3A], %get3A_230 masked %and3A {strides = array<i32>} : memref<16384xi32, #tpu.memory_space<vmem>>, vector<16xi32>, vector<16xi1>
      %mul3A_238 = arith.constant 16 : i32
      %mul3A_239 = arith.muli %add3A_227, %mul3A_238 : i32
      %add3A_240 = vector.broadcast %mul3A_239 : i32 to vector<16xi32>
      %add3A_241 = arith.addi %iota3A, %add3A_240 : vector<16xi32>
      %swap3A_242 = arith.index_cast %scan3A_223 : i32 to index
      %swap3A_243 = tpu.vector_load %arg7[%swap3A_242] masked %and3A {strides = array<i32>} : memref<16384xi32, #tpu.memory_space<vmem>>, vector<16xi32>, vector<16xi1>
      tpu.vector_store %arg7[%swap3A_242], %add3A_241 masked %and3A {strides = array<i32>} : memref<16384xi32, #tpu.memory_space<vmem>>, vector<16xi32>, vector<16xi1>
      %sub3A = vector.broadcast %mul3A_2 : i32 to vector<16xi32>
      %sub3A_244 = arith.subi %shift_right_arithmetic3A_233, %sub3A : vector<16xi32>
      tpu.vector_store_idx %arg8[%sub3A_244], %broadcast_in_dim3A_6 masked %and3A : memref<256xi32, #tpu.memory_space<vmem>>[vector<16xi32>], vector<16xi32>, vector<16xi1>
      %all_reduce_population_count3A = tpu.all_reduce %and3A {dim = 0 : i64, kind = #tpu.reduction_kind<sum>} : vector<16xi1> -> vector<16xi32>
      %slice3A = vector.extract_strided_slice %all_reduce_population_count3A {offsets = [0], sizes = [1], strides = [1]} : vector<16xi32> to vector<1xi32>
      %squeeze3A = vector.extract %slice3A[0] : i32 from vector<1xi32>
      %add3A_245 = arith.addi %scan3A_223, %squeeze3A : i32
      %mul3A_246 = arith.constant 2 : i32
      %mul3A_247 = arith.muli %scan3A_222, %mul3A_246 : i32
      %add3A_248 = arith.constant 1 : i32
      %add3A_249 = arith.addi %mul3A_247, %add3A_248 : i32
      %mul3A_250 = arith.constant 16 : i32
      %mul3A_251 = arith.muli %add3A_249, %mul3A_250 : i32
      %get3A_252 = arith.index_cast %mul3A_251 : i32 to index
      %get3A_253 = tpu.vector_load %arg5[%get3A_252] {strides = array<i32>} : memref<16384xi32, #tpu.memory_space<vmem>>, vector<16xi32>,
      %shift_right_arithmetic3A_254 = arith.constant 7 : i32
      %shift_right_arithmetic3A_255 = vector.broadcast %shift_right_arithmetic3A_254 : i32 to vector<16xi32>
      %shift_right_arithmetic3A_256 = arith.shrsi %get3A_253, %shift_right_arithmetic3A_255 : vector<16xi32>
      %ge3A_257 = vector.broadcast %mul3A_2 : i32 to vector<16xi32>
      %ge3A_258 = arith.cmpi sge, %shift_right_arithmetic3A_256, %ge3A_257 : vector<16xi32>
      %lt3A_259 = vector.broadcast %min3A_5 : i32 to vector<16xi32>
      %lt3A_260 = arith.cmpi slt, %shift_right_arithmetic3A_256, %lt3A_259 : vector<16xi32>
      %and3A_261 = arith.andi %ge3A_258, %lt3A_260 : vector<16xi1>
      %swap3A_262 = arith.index_cast %add3A_245 : i32 to index
      %swap3A_263 = tpu.vector_load %arg6[%swap3A_262] masked %and3A_261 {strides = array<i32>} : memref<16384xi32, #tpu.memory_space<vmem>>, vector<16xi32>, vector<16xi1>
      tpu.vector_store %arg6[%swap3A_262], %get3A_253 masked %and3A_261 {strides = array<i32>} : memref<16384xi32, #tpu.memory_space<vmem>>, vector<16xi32>, vector<16xi1>
      %mul3A_264 = arith.constant 16 : i32
      %mul3A_265 = arith.muli %add3A_249, %mul3A_264 : i32
      %add3A_266 = vector.broadcast %mul3A_265 : i32 to vector<16xi32>
      %add3A_267 = arith.addi %iota3A, %add3A_266 : vector<16xi32>
      %swap3A_268 = arith.index_cast %add3A_245 : i32 to index
      %swap3A_269 = tpu.vector_load %arg7[%swap3A_268] masked %and3A_261 {strides = array<i32>} : memref<16384xi32, #tpu.memory_space<vmem>>, vector<16xi32>, vector<16xi1>
      tpu.vector_store %arg7[%swap3A_268], %add3A_267 masked %and3A_261 {strides = array<i32>} : memref<16384xi32, #tpu.memory_space<vmem>>, vector<16xi32>, vector<16xi1>
      %sub3A_270 = vector.broadcast %mul3A_2 : i32 to vector<16xi32>
      %sub3A_271 = arith.subi %shift_right_arithmetic3A_256, %sub3A_270 : vector<16xi32>
      tpu.vector_store_idx %arg8[%sub3A_271], %broadcast_in_dim3A_6 masked %and3A_261 : memref<256xi32, #tpu.memory_space<vmem>>[vector<16xi32>], vector<16xi32>, vector<16xi1>
      %all_reduce_population_count3A_272 = tpu.all_reduce %and3A_261 {dim = 0 : i64, kind = #tpu.reduction_kind<sum>} : vector<16xi1> -> vector<16xi32>
      %slice3A_273 = vector.extract_strided_slice %all_reduce_population_count3A_272 {offsets = [0], sizes = [1], strides = [1]} : vector<16xi32> to vector<1xi32>
      %squeeze3A_274 = vector.extract %slice3A_273[0] : i32 from vector<1xi32>
      %add3A_275 = arith.addi %add3A_245, %squeeze3A_274 : i32
      scf.yield %add3A_275 : i32
    }
    %scan3A_176 = arith.constant 512 : i32
    %add3A_177 = arith.constant 15 : i32
    %add3A_178 = arith.addi %scan3A_175, %add3A_177 : i32
    %shift_right_arithmetic3A = arith.constant 4 : i32
    %shift_right_arithmetic3A_179 = arith.shrsi %add3A_178, %shift_right_arithmetic3A : i32
    %lt3A = arith.constant 16384 : i32
    %lt3A_180 = arith.cmpi slt, %scan3A_175, %lt3A : i32
    %convert_element_type3A = arith.extui %lt3A_180 : i1 to i32
    %cond3A = arith.constant 0 : i32
    %cond3A_181 = arith.cmpi ne, %convert_element_type3A, %cond3A : i32
    scf.if %cond3A_181 {
      %shift_right_arithmetic3A_222 = arith.constant 4 : i32
      %shift_right_arithmetic3A_223 = arith.shrsi %scan3A_175, %shift_right_arithmetic3A_222 : i32
      %shift_left3A = arith.constant 4 : i32
      %shift_left3A_224 = arith.shli %shift_right_arithmetic3A_223, %shift_left3A : i32
      %get3A = arith.index_cast %shift_left3A_224 : i32 to index
      %get3A_225 = tpu.vector_load %arg6[%get3A] {strides = array<i32>} : memref<16384xi32, #tpu.memory_space<vmem>>, vector<16xi32>,
      %and3A = arith.constant 15 : i32
      %and3A_226 = arith.andi %scan3A_175, %and3A : i32
      %ge3A = vector.broadcast %and3A_226 : i32 to vector<16xi32>
      %ge3A_227 = arith.cmpi sge, %iota3A, %ge3A : vector<16xi32>
      %broadcast_in_dim3A_228 = arith.constant 2147418112 : i32
      %broadcast_in_dim3A_229 = vector.broadcast %broadcast_in_dim3A_228 : i32 to vector<16xi32>
      %select_n3A = arith.select %ge3A_227, %broadcast_in_dim3A_229, %get3A_225 : vector<16xi1>, vector<16xi32>
      %swap3A = arith.index_cast %shift_left3A_224 : i32 to index
      %swap3A_230 = tpu.vector_load %arg6[%swap3A] {strides = array<i32>} : memref<16384xi32, #tpu.memory_space<vmem>>, vector<16xi32>,
      tpu.vector_store %arg6[%swap3A], %select_n3A {strides = array<i32>} : memref<16384xi32, #tpu.memory_space<vmem>>, vector<16xi32>,
    } else {
    }
    %scan3A_182 = arith.constant 0 : i32
    %scan3A_183 = arith.constant 4 : i32
    %scan3A_184 = arith.constant 4 : i32
    %scan3A_185 = arith.constant 0 : i32
    %scan3A_186 = arith.constant 31 : i32
    %scan3A_187 = arith.addi %scan3A_185, %scan3A_186 : i32
    %scan3A_188 = arith.constant 1 : i32
    %scan3A_189:3 = scf.for %scan3A_222 = %scan3A_185 to %scan3A_187 step %scan3A_188 iter_args(%scan3A_223 = %scan3A_182, %scan3A_224 = %scan3A_183, %scan3A_225 = %scan3A_184) -> (i32, i32, i32)  : i32 {
      %while3A_226 = arith.constant 0 : i32
      %while3A_227 = arith.constant 0 : i32
      %while3A_228 = arith.subi %scan3A_224, %while3A_227 : i32
      %while3A_229 = arith.addi %while3A_227, %while3A_228 : i32
      %while3A_230 = arith.constant 1 : i32
      %while3A_231 = arith.divsi %while3A_228, %while3A_230 : i32
      %while3A_232 = arith.muli %while3A_231, %while3A_230 : i32
      %while3A_233 = arith.addi %while3A_227, %while3A_232 : i32
      %while3A_234 = arith.constant 1 : i32
      scf.for %while3A_402 = %while3A_227 to %while3A_233 step %while3A_234  : i32 {
        %dma_wait3A = arith.constant 0 : i32
        %dma_wait3A_403 = arith.constant 0 : i32
        %dma_wait3A_404 = arith.constant 0 : i32
        %dma_wait3A_405 = tpu.memref_slice %arg9[%dma_wait3A, %dma_wait3A_403, %dma_wait3A_404] : memref<2x64x512xf32, #tpu.memory_space<vmem>> -> memref<1x64x128xf32, #tpu.memory_space<vmem>>
        %dma_wait3A_406 = tpu.memref_squeeze %dma_wait3A_405 : memref<1x64x128xf32, #tpu.memory_space<vmem>> -> memref<64x128xf32, #tpu.memory_space<vmem>>
        %dma_wait3A_407 = arith.constant 0 : i32
        %dma_wait3A_408 = arith.constant 0 : i32
        %dma_wait3A_409 = tpu.memref_slice %arg3[%dma_wait3A_407, %dma_wait3A_408] : memref<64x1000000xf32, #tpu.memory_space<hbm>> -> memref<64x128xf32, #tpu.memory_space<hbm>>
        %dma_wait3A_410 = arith.constant 0 : i32
        %dma_wait3A_411 = arith.constant 0 : i32
        %dma_wait3A_412 = tpu.memref_slice %arg9[%dma_wait3A, %dma_wait3A_410, %dma_wait3A_411] : memref<2x64x512xf32, #tpu.memory_space<vmem>> -> memref<1x64x128xf32, #tpu.memory_space<vmem>>
        %dma_wait3A_413 = tpu.memref_squeeze %dma_wait3A_412 : memref<1x64x128xf32, #tpu.memory_space<vmem>> -> memref<64x128xf32, #tpu.memory_space<vmem>>
        %dma_wait3A_414 = arith.constant 0 : i32
        %dma_wait3A_415 = arith.constant 0 : i32
        %dma_wait3A_416 = tpu.memref_slice %arg3[%dma_wait3A_414, %dma_wait3A_415] : memref<64x1000000xf32, #tpu.memory_space<hbm>> -> memref<64x128xf32, #tpu.memory_space<hbm>>
        tpu.wait_dma2 semaphore(%arg11 : memref<!tpu.dma_semaphore, #tpu.memory_space<semaphore_mem>>) src(%dma_wait3A_416 : memref<64x128xf32, #tpu.memory_space<hbm>>) dst(%dma_wait3A_413 : memref<64x128xf32, #tpu.memory_space<vmem>>)
      }
      %while3A_235 = arith.constant 1 : i32
      scf.for %while3A_402 = %while3A_233 to %while3A_229 step %while3A_235  : i32 {
        %dma_wait3A = arith.constant 0 : i32
        %dma_wait3A_403 = arith.constant 0 : i32
        %dma_wait3A_404 = arith.constant 0 : i32
        %dma_wait3A_405 = tpu.memref_slice %arg9[%dma_wait3A, %dma_wait3A_403, %dma_wait3A_404] : memref<2x64x512xf32, #tpu.memory_space<vmem>> -> memref<1x64x128xf32, #tpu.memory_space<vmem>>
        %dma_wait3A_406 = tpu.memref_squeeze %dma_wait3A_405 : memref<1x64x128xf32, #tpu.memory_space<vmem>> -> memref<64x128xf32, #tpu.memory_space<vmem>>
        %dma_wait3A_407 = arith.constant 0 : i32
        %dma_wait3A_408 = arith.constant 0 : i32
        %dma_wait3A_409 = tpu.memref_slice %arg3[%dma_wait3A_407, %dma_wait3A_408] : memref<64x1000000xf32, #tpu.memory_space<hbm>> -> memref<64x128xf32, #tpu.memory_space<hbm>>
        %dma_wait3A_410 = arith.constant 0 : i32
        %dma_wait3A_411 = arith.constant 0 : i32
        %dma_wait3A_412 = tpu.memref_slice %arg9[%dma_wait3A, %dma_wait3A_410, %dma_wait3A_411] : memref<2x64x512xf32, #tpu.memory_space<vmem>> -> memref<1x64x128xf32, #tpu.memory_space<vmem>>
        %dma_wait3A_413 = tpu.memref_squeeze %dma_wait3A_412 : memref<1x64x128xf32, #tpu.memory_space<vmem>> -> memref<64x128xf32, #tpu.memory_space<vmem>>
        %dma_wait3A_414 = arith.constant 0 : i32
        %dma_wait3A_415 = arith.constant 0 : i32
        %dma_wait3A_416 = tpu.memref_slice %arg3[%dma_wait3A_414, %dma_wait3A_415] : memref<64x1000000xf32, #tpu.memory_space<hbm>> -> memref<64x128xf32, #tpu.memory_space<hbm>>
        tpu.wait_dma2 semaphore(%arg11 : memref<!tpu.dma_semaphore, #tpu.memory_space<semaphore_mem>>) src(%dma_wait3A_416 : memref<64x128xf32, #tpu.memory_space<hbm>>) dst(%dma_wait3A_413 : memref<64x128xf32, #tpu.memory_space<vmem>>)
      }
      %mul3A_236 = arith.constant 2 : i32
      %mul3A_237 = arith.muli %mul3A_236, %scan3A_222 : i32
      %mul3A_238 = arith.constant 4 : i32
      %mul3A_239 = arith.muli %mul3A_237, %mul3A_238 : i32
      %add3A_240 = arith.addi %mul3A_2, %mul3A_239 : i32
      %mul3A_241 = arith.constant 128 : i32
      %mul3A_242 = arith.muli %add3A_240, %mul3A_241 : i32
      %while3A_243 = arith.constant 0 : i32
      %while3A_244 = arith.subi %shift_right_arithmetic3A_179, %while3A_243 : i32
      %while3A_245 = arith.addi %while3A_243, %while3A_244 : i32
      %while3A_246 = arith.constant 1 : i32
      %while3A_247 = arith.divsi %while3A_244, %while3A_246 : i32
      %while3A_248 = arith.muli %while3A_247, %while3A_246 : i32
      %while3A_249 = arith.addi %while3A_243, %while3A_248 : i32
      %while3A_250 = arith.constant 1 : i32
      %while3A_251 = scf.for %while3A_402 = %while3A_243 to %while3A_249 step %while3A_250 iter_args(%while3A_403 = %scan3A_223) -> (i32)  : i32 {
        %mul3A_404 = arith.constant 16 : i32
        %mul3A_405 = arith.muli %while3A_402, %mul3A_404 : i32
        %get3A = arith.index_cast %mul3A_405 : i32 to index
        %get3A_406 = tpu.vector_load %arg6[%get3A] {strides = array<i32>} : memref<16384xi32, #tpu.memory_space<vmem>>, vector<16xi32>,
        %shift_right_arithmetic3A_407 = arith.constant 7 : i32
        %shift_right_arithmetic3A_408 = vector.broadcast %shift_right_arithmetic3A_407 : i32 to vector<16xi32>
        %shift_right_arithmetic3A_409 = arith.shrsi %get3A_406, %shift_right_arithmetic3A_408 : vector<16xi32>
        %ge3A = vector.broadcast %add3A_240 : i32 to vector<16xi32>
        %ge3A_410 = arith.cmpi sge, %shift_right_arithmetic3A_409, %ge3A : vector<16xi32>
        %add3A_411 = arith.constant 4 : i32
        %add3A_412 = arith.addi %add3A_240, %add3A_411 : i32
        %lt3A_413 = vector.broadcast %add3A_412 : i32 to vector<16xi32>
        %lt3A_414 = arith.cmpi slt, %shift_right_arithmetic3A_409, %lt3A_413 : vector<16xi32>
        %and3A = arith.andi %ge3A_410, %lt3A_414 : vector<16xi1>
        %while3A_415:2 = scf.while (%while3A_416 = %and3A, %while3A_417 = %while3A_403) : (vector<16xi1>, i32) -> (vector<16xi1>, i32) {
          %all_reduce_population_count3A = tpu.all_reduce %while3A_416 {dim = 0 : i64, kind = #tpu.reduction_kind<sum>} : vector<16xi1> -> vector<16xi32>
          %slice3A_418 = vector.extract_strided_slice %all_reduce_population_count3A {offsets = [0], sizes = [1], strides = [1]} : vector<16xi32> to vector<1xi32>
          %squeeze3A_419 = vector.extract %slice3A_418[0] : i32 from vector<1xi32>
          %gt3A_420 = arith.constant 0 : i32
          %gt3A_421 = arith.cmpi sgt, %squeeze3A_419, %gt3A_420 : i32
          scf.condition(%gt3A_421) %while3A_416, %while3A_417 : vector<16xi1>, i32
        } do {
        ^bb0(%while3A_416: vector<16xi1>, %while3A_417: i32):
          %all_reduce_ffs3A = tpu.all_reduce %while3A_416 {dim = 0 : i64, kind = #tpu.reduction_kind<find_first_set>} : vector<16xi1> -> vector<16xi32>
          %slice3A_418 = vector.extract_strided_slice %all_reduce_ffs3A {offsets = [0], sizes = [1], strides = [1]} : vector<16xi32> to vector<1xi32>
          %squeeze3A_419 = vector.extract %slice3A_418[0] : i32 from vector<1xi32>
          %mul3A_420 = arith.constant 16 : i32
          %mul3A_421 = arith.muli %while3A_402, %mul3A_420 : i32
          %add3A_422 = arith.addi %mul3A_421, %squeeze3A_419 : i32
          %broadcast_in_dim3A_423 = vector.broadcast %add3A_422 : i32 to vector<16xi32>
          %gather3A_424 = tpu.vector_load_idx %arg6[%broadcast_in_dim3A_423] : memref<16384xi32, #tpu.memory_space<vmem>>[vector<16xi32>], vector<16xi32>,
          %slice3A_425 = vector.extract_strided_slice %gather3A_424 {offsets = [0], sizes = [1], strides = [1]} : vector<16xi32> to vector<1xi32>
          %squeeze3A_426 = vector.extract %slice3A_425[0] : i32 from vector<1xi32>
          %gather3A_427 = tpu.vector_load_idx %arg7[%broadcast_in_dim3A_423] : memref<16384xi32, #tpu.memory_space<vmem>>[vector<16xi32>], vector<16xi32>,
          %slice3A_428 = vector.extract_strided_slice %gather3A_427 {offsets = [0], sizes = [1], strides = [1]} : vector<16xi32> to vector<1xi32>
          %squeeze3A_429 = vector.extract %slice3A_428[0] : i32 from vector<1xi32>
          %sub3A = arith.subi %squeeze3A_426, %mul3A_242 : i32
          %broadcast_in_dim3A_430 = vector.broadcast %sub3A : i32 to vector<16xi32>
          %and3A_431 = arith.constant 7 : i32
          %and3A_432 = arith.andi %while3A_417, %and3A_431 : i32
          %ge3A_433 = arith.constant 8 : i32
          %ge3A_434 = arith.cmpi sge, %while3A_417, %ge3A_433 : i32
          %convert_element_type3A_435 = arith.extui %ge3A_434 : i1 to i32
          %cond3A_436 = arith.constant 0 : i32
          %cond3A_437 = arith.cmpi ne, %convert_element_type3A_435, %cond3A_436 : i32
          scf.if %cond3A_437 {
            %dma_wait3A = arith.constant 0 : i32
            %dma_wait3A_497 = arith.constant 0 : i32
            %dma_wait3A_498 = arith.constant 0 : i32
            %dma_wait3A_499 = tpu.memref_slice %arg10[%dma_wait3A, %dma_wait3A_497, %dma_wait3A_498] : memref<8x1x64xf32, #tpu.memory_space<vmem>> -> memref<1x1x64xf32, #tpu.memory_space<vmem>>
            %dma_wait3A_500 = tpu.memref_squeeze %dma_wait3A_499 : memref<1x1x64xf32, #tpu.memory_space<vmem>> -> memref<1x64xf32, #tpu.memory_space<vmem>>
            %dma_wait3A_501 = arith.constant 0 : i32
            %dma_wait3A_502 = arith.constant 0 : i32
            %dma_wait3A_503 = tpu.memref_slice %arg4[%dma_wait3A_501, %dma_wait3A_502] : memref<16384x64xf32, #tpu.memory_space<hbm>> -> memref<1x64xf32, #tpu.memory_space<hbm>>
            %dma_wait3A_504 = arith.constant 0 : i32
            %dma_wait3A_505 = arith.constant 0 : i32
            %dma_wait3A_506 = tpu.memref_slice %arg4[%dma_wait3A_504, %dma_wait3A_505] : memref<16384x64xf32, #tpu.memory_space<hbm>> -> memref<1x64xf32, #tpu.memory_space<hbm>>
            %dma_wait3A_507 = arith.constant 0 : i32
            %dma_wait3A_508 = arith.constant 0 : i32
            %dma_wait3A_509 = tpu.memref_slice %arg10[%dma_wait3A, %dma_wait3A_507, %dma_wait3A_508] : memref<8x1x64xf32, #tpu.memory_space<vmem>> -> memref<1x1x64xf32, #tpu.memory_space<vmem>>
            %dma_wait3A_510 = tpu.memref_squeeze %dma_wait3A_509 : memref<1x1x64xf32, #tpu.memory_space<vmem>> -> memref<1x64xf32, #tpu.memory_space<vmem>>
            tpu.wait_dma2 semaphore(%arg13 : memref<!tpu.dma_semaphore, #tpu.memory_space<semaphore_mem>>) src(%dma_wait3A_510 : memref<1x64xf32, #tpu.memory_space<vmem>>) dst(%dma_wait3A_506 : memref<1x64xf32, #tpu.memory_space<hbm>>)
          } else {
          }
          %broadcast_in_dim3A_438 = arith.constant 0 : i32
          %broadcast_in_dim3A_439 = vector.broadcast %broadcast_in_dim3A_438 : i32 to vector<16xi32>
          %add3A_440 = arith.constant 0 : i32
          %add3A_441 = vector.broadcast %add3A_440 : i32 to vector<16xi32>
          %add3A_442 = arith.addi %iota3A, %add3A_441 : vector<16xi32>
          %gather3A_443 = tpu.vector_load_idx %arg9[%broadcast_in_dim3A_439, %add3A_442, %broadcast_in_dim3A_430] : memref<2x64x512xf32, #tpu.memory_space<vmem>>[vector<16xi32>, vector<16xi32>, vector<16xi32>], vector<16xf32>,
          %swap3A = arith.constant 0 : i32
          %swap3A_444 = arith.index_cast %and3A_432 : i32 to index
          %swap3A_445 = arith.index_cast %swap3A : i32 to index
          %swap3A_446 = arith.constant 0 : index
          %swap3A_447 = tpu.vector_load %arg10[%swap3A_444, %swap3A_445, %swap3A_446] {strides = array<i32>} : memref<8x1x64xf32, #tpu.memory_space<vmem>>, vector<16xf32>,
          tpu.vector_store %arg10[%swap3A_444, %swap3A_445, %swap3A_446], %gather3A_443 {strides = array<i32>} : memref<8x1x64xf32, #tpu.memory_space<vmem>>, vector<16xf32>,
          %broadcast_in_dim3A_448 = arith.constant 0 : i32
          %broadcast_in_dim3A_449 = vector.broadcast %broadcast_in_dim3A_448 : i32 to vector<16xi32>
          %add3A_450 = arith.constant 16 : i32
          %add3A_451 = vector.broadcast %add3A_450 : i32 to vector<16xi32>
          %add3A_452 = arith.addi %iota3A, %add3A_451 : vector<16xi32>
          %gather3A_453 = tpu.vector_load_idx %arg9[%broadcast_in_dim3A_449, %add3A_452, %broadcast_in_dim3A_430] : memref<2x64x512xf32, #tpu.memory_space<vmem>>[vector<16xi32>, vector<16xi32>, vector<16xi32>], vector<16xf32>,
          %swap3A_454 = arith.constant 0 : i32
          %swap3A_455 = arith.index_cast %and3A_432 : i32 to index
          %swap3A_456 = arith.index_cast %swap3A_454 : i32 to index
          %swap3A_457 = arith.constant 16 : index
          %swap3A_458 = tpu.vector_load %arg10[%swap3A_455, %swap3A_456, %swap3A_457] {strides = array<i32>} : memref<8x1x64xf32, #tpu.memory_space<vmem>>, vector<16xf32>,
          tpu.vector_store %arg10[%swap3A_455, %swap3A_456, %swap3A_457], %gather3A_453 {strides = array<i32>} : memref<8x1x64xf32, #tpu.memory_space<vmem>>, vector<16xf32>,
          %broadcast_in_dim3A_459 = arith.constant 0 : i32
          %broadcast_in_dim3A_460 = vector.broadcast %broadcast_in_dim3A_459 : i32 to vector<16xi32>
          %add3A_461 = arith.constant 32 : i32
          %add3A_462 = vector.broadcast %add3A_461 : i32 to vector<16xi32>
          %add3A_463 = arith.addi %iota3A, %add3A_462 : vector<16xi32>
          %gather3A_464 = tpu.vector_load_idx %arg9[%broadcast_in_dim3A_460, %add3A_463, %broadcast_in_dim3A_430] : memref<2x64x512xf32, #tpu.memory_space<vmem>>[vector<16xi32>, vector<16xi32>, vector<16xi32>], vector<16xf32>,
          %swap3A_465 = arith.constant 0 : i32
          %swap3A_466 = arith.index_cast %and3A_432 : i32 to index
          %swap3A_467 = arith.index_cast %swap3A_465 : i32 to index
          %swap3A_468 = arith.constant 32 : index
          %swap3A_469 = tpu.vector_load %arg10[%swap3A_466, %swap3A_467, %swap3A_468] {strides = array<i32>} : memref<8x1x64xf32, #tpu.memory_space<vmem>>, vector<16xf32>,
          tpu.vector_store %arg10[%swap3A_466, %swap3A_467, %swap3A_468], %gather3A_464 {strides = array<i32>} : memref<8x1x64xf32, #tpu.memory_space<vmem>>, vector<16xf32>,
          %broadcast_in_dim3A_470 = arith.constant 0 : i32
          %broadcast_in_dim3A_471 = vector.broadcast %broadcast_in_dim3A_470 : i32 to vector<16xi32>
          %add3A_472 = arith.constant 48 : i32
          %add3A_473 = vector.broadcast %add3A_472 : i32 to vector<16xi32>
          %add3A_474 = arith.addi %iota3A, %add3A_473 : vector<16xi32>
          %gather3A_475 = tpu.vector_load_idx %arg9[%broadcast_in_dim3A_471, %add3A_474, %broadcast_in_dim3A_430] : memref<2x64x512xf32, #tpu.memory_space<vmem>>[vector<16xi32>, vector<16xi32>, vector<16xi32>], vector<16xf32>,
          %swap3A_476 = arith.constant 0 : i32
          %swap3A_477 = arith.index_cast %and3A_432 : i32 to index
          %swap3A_478 = arith.index_cast %swap3A_476 : i32 to index
          %swap3A_479 = arith.constant 48 : index
          %swap3A_480 = tpu.vector_load %arg10[%swap3A_477, %swap3A_478, %swap3A_479] {strides = array<i32>} : memref<8x1x64xf32, #tpu.memory_space<vmem>>, vector<16xf32>,
          tpu.vector_store %arg10[%swap3A_477, %swap3A_478, %swap3A_479], %gather3A_475 {strides = array<i32>} : memref<8x1x64xf32, #tpu.memory_space<vmem>>, vector<16xf32>,
          %dma_start3A_481 = arith.constant 0 : i32
          %dma_start3A_482 = arith.constant 0 : i32
          %dma_start3A_483 = tpu.memref_slice %arg10[%and3A_432, %dma_start3A_481, %dma_start3A_482] : memref<8x1x64xf32, #tpu.memory_space<vmem>> -> memref<1x1x64xf32, #tpu.memory_space<vmem>>
          %dma_start3A_484 = tpu.memref_squeeze %dma_start3A_483 : memref<1x1x64xf32, #tpu.memory_space<vmem>> -> memref<1x64xf32, #tpu.memory_space<vmem>>
          %dma_start3A_485 = arith.constant 0 : i32
          %dma_start3A_486 = tpu.memref_slice %arg4[%squeeze3A_429, %dma_start3A_485] : memref<16384x64xf32, #tpu.memory_space<hbm>> -> memref<1x64xf32, #tpu.memory_space<hbm>>
          %dma_start3A_487 = arith.constant 0 : i32
          %dma_start3A_488 = tpu.memref_slice %arg4[%squeeze3A_429, %dma_start3A_487] : memref<16384x64xf32, #tpu.memory_space<hbm>> -> memref<1x64xf32, #tpu.memory_space<hbm>>
          %dma_start3A_489 = arith.constant 0 : i32
          %dma_start3A_490 = arith.constant 0 : i32
          %dma_start3A_491 = tpu.memref_slice %arg10[%and3A_432, %dma_start3A_489, %dma_start3A_490] : memref<8x1x64xf32, #tpu.memory_space<vmem>> -> memref<1x1x64xf32, #tpu.memory_space<vmem>>
          %dma_start3A_492 = tpu.memref_squeeze %dma_start3A_491 : memref<1x1x64xf32, #tpu.memory_space<vmem>> -> memref<1x64xf32, #tpu.memory_space<vmem>>
          tpu.enqueue_dma source(%dma_start3A_492 : memref<1x64xf32, #tpu.memory_space<vmem>>) target(%dma_start3A_488 : memref<1x64xf32, #tpu.memory_space<hbm>>) target_semaphore(%arg13 : memref<!tpu.dma_semaphore, #tpu.memory_space<semaphore_mem>>)
          %ne3A = vector.broadcast %squeeze3A_419 : i32 to vector<16xi32>
          %ne3A_493 = arith.cmpi ne, %iota3A, %ne3A : vector<16xi32>
          %and3A_494 = arith.andi %while3A_416, %ne3A_493 : vector<16xi1>
          %add3A_495 = arith.constant 1 : i32
          %add3A_496 = arith.addi %while3A_417, %add3A_495 : i32
          scf.yield %and3A_494, %add3A_496 : vector<16xi1>, i32
        }
        scf.yield %while3A_415#1 : i32
      }
      %while3A_252 = arith.constant 1 : i32
      %while3A_253 = scf.for %while3A_402 = %while3A_249 to %while3A_245 step %while3A_252 iter_args(%while3A_403 = %while3A_251) -> (i32)  : i32 {
        %mul3A_404 = arith.constant 16 : i32
        %mul3A_405 = arith.muli %while3A_402, %mul3A_404 : i32
        %get3A = arith.index_cast %mul3A_405 : i32 to index
        %get3A_406 = tpu.vector_load %arg6[%get3A] {strides = array<i32>} : memref<16384xi32, #tpu.memory_space<vmem>>, vector<16xi32>,
        %shift_right_arithmetic3A_407 = arith.constant 7 : i32
        %shift_right_arithmetic3A_408 = vector.broadcast %shift_right_arithmetic3A_407 : i32 to vector<16xi32>
        %shift_right_arithmetic3A_409 = arith.shrsi %get3A_406, %shift_right_arithmetic3A_408 : vector<16xi32>
        %ge3A = vector.broadcast %add3A_240 : i32 to vector<16xi32>
        %ge3A_410 = arith.cmpi sge, %shift_right_arithmetic3A_409, %ge3A : vector<16xi32>
        %add3A_411 = arith.constant 4 : i32
        %add3A_412 = arith.addi %add3A_240, %add3A_411 : i32
        %lt3A_413 = vector.broadcast %add3A_412 : i32 to vector<16xi32>
        %lt3A_414 = arith.cmpi slt, %shift_right_arithmetic3A_409, %lt3A_413 : vector<16xi32>
        %and3A = arith.andi %ge3A_410, %lt3A_414 : vector<16xi1>
        %while3A_415:2 = scf.while (%while3A_416 = %and3A, %while3A_417 = %while3A_403) : (vector<16xi1>, i32) -> (vector<16xi1>, i32) {
          %all_reduce_population_count3A = tpu.all_reduce %while3A_416 {dim = 0 : i64, kind = #tpu.reduction_kind<sum>} : vector<16xi1> -> vector<16xi32>
          %slice3A_418 = vector.extract_strided_slice %all_reduce_population_count3A {offsets = [0], sizes = [1], strides = [1]} : vector<16xi32> to vector<1xi32>
          %squeeze3A_419 = vector.extract %slice3A_418[0] : i32 from vector<1xi32>
          %gt3A_420 = arith.constant 0 : i32
          %gt3A_421 = arith.cmpi sgt, %squeeze3A_419, %gt3A_420 : i32
          scf.condition(%gt3A_421) %while3A_416, %while3A_417 : vector<16xi1>, i32
        } do {
        ^bb0(%while3A_416: vector<16xi1>, %while3A_417: i32):
          %all_reduce_ffs3A = tpu.all_reduce %while3A_416 {dim = 0 : i64, kind = #tpu.reduction_kind<find_first_set>} : vector<16xi1> -> vector<16xi32>
          %slice3A_418 = vector.extract_strided_slice %all_reduce_ffs3A {offsets = [0], sizes = [1], strides = [1]} : vector<16xi32> to vector<1xi32>
          %squeeze3A_419 = vector.extract %slice3A_418[0] : i32 from vector<1xi32>
          %mul3A_420 = arith.constant 16 : i32
          %mul3A_421 = arith.muli %while3A_402, %mul3A_420 : i32
          %add3A_422 = arith.addi %mul3A_421, %squeeze3A_419 : i32
          %broadcast_in_dim3A_423 = vector.broadcast %add3A_422 : i32 to vector<16xi32>
          %gather3A_424 = tpu.vector_load_idx %arg6[%broadcast_in_dim3A_423] : memref<16384xi32, #tpu.memory_space<vmem>>[vector<16xi32>], vector<16xi32>,
          %slice3A_425 = vector.extract_strided_slice %gather3A_424 {offsets = [0], sizes = [1], strides = [1]} : vector<16xi32> to vector<1xi32>
          %squeeze3A_426 = vector.extract %slice3A_425[0] : i32 from vector<1xi32>
          %gather3A_427 = tpu.vector_load_idx %arg7[%broadcast_in_dim3A_423] : memref<16384xi32, #tpu.memory_space<vmem>>[vector<16xi32>], vector<16xi32>,
          %slice3A_428 = vector.extract_strided_slice %gather3A_427 {offsets = [0], sizes = [1], strides = [1]} : vector<16xi32> to vector<1xi32>
          %squeeze3A_429 = vector.extract %slice3A_428[0] : i32 from vector<1xi32>
          %sub3A = arith.subi %squeeze3A_426, %mul3A_242 : i32
          %broadcast_in_dim3A_430 = vector.broadcast %sub3A : i32 to vector<16xi32>
          %and3A_431 = arith.constant 7 : i32
          %and3A_432 = arith.andi %while3A_417, %and3A_431 : i32
          %ge3A_433 = arith.constant 8 : i32
          %ge3A_434 = arith.cmpi sge, %while3A_417, %ge3A_433 : i32
          %convert_element_type3A_435 = arith.extui %ge3A_434 : i1 to i32
          %cond3A_436 = arith.constant 0 : i32
          %cond3A_437 = arith.cmpi ne, %convert_element_type3A_435, %cond3A_436 : i32
          scf.if %cond3A_437 {
            %dma_wait3A = arith.constant 0 : i32
            %dma_wait3A_497 = arith.constant 0 : i32
            %dma_wait3A_498 = arith.constant 0 : i32
            %dma_wait3A_499 = tpu.memref_slice %arg10[%dma_wait3A, %dma_wait3A_497, %dma_wait3A_498] : memref<8x1x64xf32, #tpu.memory_space<vmem>> -> memref<1x1x64xf32, #tpu.memory_space<vmem>>
            %dma_wait3A_500 = tpu.memref_squeeze %dma_wait3A_499 : memref<1x1x64xf32, #tpu.memory_space<vmem>> -> memref<1x64xf32, #tpu.memory_space<vmem>>
            %dma_wait3A_501 = arith.constant 0 : i32
            %dma_wait3A_502 = arith.constant 0 : i32
            %dma_wait3A_503 = tpu.memref_slice %arg4[%dma_wait3A_501, %dma_wait3A_502] : memref<16384x64xf32, #tpu.memory_space<hbm>> -> memref<1x64xf32, #tpu.memory_space<hbm>>
            %dma_wait3A_504 = arith.constant 0 : i32
            %dma_wait3A_505 = arith.constant 0 : i32
            %dma_wait3A_506 = tpu.memref_slice %arg4[%dma_wait3A_504, %dma_wait3A_505] : memref<16384x64xf32, #tpu.memory_space<hbm>> -> memref<1x64xf32, #tpu.memory_space<hbm>>
            %dma_wait3A_507 = arith.constant 0 : i32
            %dma_wait3A_508 = arith.constant 0 : i32
            %dma_wait3A_509 = tpu.memref_slice %arg10[%dma_wait3A, %dma_wait3A_507, %dma_wait3A_508] : memref<8x1x64xf32, #tpu.memory_space<vmem>> -> memref<1x1x64xf32, #tpu.memory_space<vmem>>
            %dma_wait3A_510 = tpu.memref_squeeze %dma_wait3A_509 : memref<1x1x64xf32, #tpu.memory_space<vmem>> -> memref<1x64xf32, #tpu.memory_space<vmem>>
            tpu.wait_dma2 semaphore(%arg13 : memref<!tpu.dma_semaphore, #tpu.memory_space<semaphore_mem>>) src(%dma_wait3A_510 : memref<1x64xf32, #tpu.memory_space<vmem>>) dst(%dma_wait3A_506 : memref<1x64xf32, #tpu.memory_space<hbm>>)
          } else {
          }
          %broadcast_in_dim3A_438 = arith.constant 0 : i32
          %broadcast_in_dim3A_439 = vector.broadcast %broadcast_in_dim3A_438 : i32 to vector<16xi32>
          %add3A_440 = arith.constant 0 : i32
          %add3A_441 = vector.broadcast %add3A_440 : i32 to vector<16xi32>
          %add3A_442 = arith.addi %iota3A, %add3A_441 : vector<16xi32>
          %gather3A_443 = tpu.vector_load_idx %arg9[%broadcast_in_dim3A_439, %add3A_442, %broadcast_in_dim3A_430] : memref<2x64x512xf32, #tpu.memory_space<vmem>>[vector<16xi32>, vector<16xi32>, vector<16xi32>], vector<16xf32>,
          %swap3A = arith.constant 0 : i32
          %swap3A_444 = arith.index_cast %and3A_432 : i32 to index
          %swap3A_445 = arith.index_cast %swap3A : i32 to index
          %swap3A_446 = arith.constant 0 : index
          %swap3A_447 = tpu.vector_load %arg10[%swap3A_444, %swap3A_445, %swap3A_446] {strides = array<i32>} : memref<8x1x64xf32, #tpu.memory_space<vmem>>, vector<16xf32>,
          tpu.vector_store %arg10[%swap3A_444, %swap3A_445, %swap3A_446], %gather3A_443 {strides = array<i32>} : memref<8x1x64xf32, #tpu.memory_space<vmem>>, vector<16xf32>,
          %broadcast_in_dim3A_448 = arith.constant 0 : i32
          %broadcast_in_dim3A_449 = vector.broadcast %broadcast_in_dim3A_448 : i32 to vector<16xi32>
          %add3A_450 = arith.constant 16 : i32
          %add3A_451 = vector.broadcast %add3A_450 : i32 to vector<16xi32>
          %add3A_452 = arith.addi %iota3A, %add3A_451 : vector<16xi32>
          %gather3A_453 = tpu.vector_load_idx %arg9[%broadcast_in_dim3A_449, %add3A_452, %broadcast_in_dim3A_430] : memref<2x64x512xf32, #tpu.memory_space<vmem>>[vector<16xi32>, vector<16xi32>, vector<16xi32>], vector<16xf32>,
          %swap3A_454 = arith.constant 0 : i32
          %swap3A_455 = arith.index_cast %and3A_432 : i32 to index
          %swap3A_456 = arith.index_cast %swap3A_454 : i32 to index
          %swap3A_457 = arith.constant 16 : index
          %swap3A_458 = tpu.vector_load %arg10[%swap3A_455, %swap3A_456, %swap3A_457] {strides = array<i32>} : memref<8x1x64xf32, #tpu.memory_space<vmem>>, vector<16xf32>,
          tpu.vector_store %arg10[%swap3A_455, %swap3A_456, %swap3A_457], %gather3A_453 {strides = array<i32>} : memref<8x1x64xf32, #tpu.memory_space<vmem>>, vector<16xf32>,
          %broadcast_in_dim3A_459 = arith.constant 0 : i32
          %broadcast_in_dim3A_460 = vector.broadcast %broadcast_in_dim3A_459 : i32 to vector<16xi32>
          %add3A_461 = arith.constant 32 : i32
          %add3A_462 = vector.broadcast %add3A_461 : i32 to vector<16xi32>
          %add3A_463 = arith.addi %iota3A, %add3A_462 : vector<16xi32>
          %gather3A_464 = tpu.vector_load_idx %arg9[%broadcast_in_dim3A_460, %add3A_463, %broadcast_in_dim3A_430] : memref<2x64x512xf32, #tpu.memory_space<vmem>>[vector<16xi32>, vector<16xi32>, vector<16xi32>], vector<16xf32>,
          %swap3A_465 = arith.constant 0 : i32
          %swap3A_466 = arith.index_cast %and3A_432 : i32 to index
          %swap3A_467 = arith.index_cast %swap3A_465 : i32 to index
          %swap3A_468 = arith.constant 32 : index
          %swap3A_469 = tpu.vector_load %arg10[%swap3A_466, %swap3A_467, %swap3A_468] {strides = array<i32>} : memref<8x1x64xf32, #tpu.memory_space<vmem>>, vector<16xf32>,
          tpu.vector_store %arg10[%swap3A_466, %swap3A_467, %swap3A_468], %gather3A_464 {strides = array<i32>} : memref<8x1x64xf32, #tpu.memory_space<vmem>>, vector<16xf32>,
          %broadcast_in_dim3A_470 = arith.constant 0 : i32
          %broadcast_in_dim3A_471 = vector.broadcast %broadcast_in_dim3A_470 : i32 to vector<16xi32>
          %add3A_472 = arith.constant 48 : i32
          %add3A_473 = vector.broadcast %add3A_472 : i32 to vector<16xi32>
          %add3A_474 = arith.addi %iota3A, %add3A_473 : vector<16xi32>
          %gather3A_475 = tpu.vector_load_idx %arg9[%broadcast_in_dim3A_471, %add3A_474, %broadcast_in_dim3A_430] : memref<2x64x512xf32, #tpu.memory_space<vmem>>[vector<16xi32>, vector<16xi32>, vector<16xi32>], vector<16xf32>,
          %swap3A_476 = arith.constant 0 : i32
          %swap3A_477 = arith.index_cast %and3A_432 : i32 to index
          %swap3A_478 = arith.index_cast %swap3A_476 : i32 to index
          %swap3A_479 = arith.constant 48 : index
          %swap3A_480 = tpu.vector_load %arg10[%swap3A_477, %swap3A_478, %swap3A_479] {strides = array<i32>} : memref<8x1x64xf32, #tpu.memory_space<vmem>>, vector<16xf32>,
          tpu.vector_store %arg10[%swap3A_477, %swap3A_478, %swap3A_479], %gather3A_475 {strides = array<i32>} : memref<8x1x64xf32, #tpu.memory_space<vmem>>, vector<16xf32>,
          %dma_start3A_481 = arith.constant 0 : i32
          %dma_start3A_482 = arith.constant 0 : i32
          %dma_start3A_483 = tpu.memref_slice %arg10[%and3A_432, %dma_start3A_481, %dma_start3A_482] : memref<8x1x64xf32, #tpu.memory_space<vmem>> -> memref<1x1x64xf32, #tpu.memory_space<vmem>>
          %dma_start3A_484 = tpu.memref_squeeze %dma_start3A_483 : memref<1x1x64xf32, #tpu.memory_space<vmem>> -> memref<1x64xf32, #tpu.memory_space<vmem>>
          %dma_start3A_485 = arith.constant 0 : i32
          %dma_start3A_486 = tpu.memref_slice %arg4[%squeeze3A_429, %dma_start3A_485] : memref<16384x64xf32, #tpu.memory_space<hbm>> -> memref<1x64xf32, #tpu.memory_space<hbm>>
          %dma_start3A_487 = arith.constant 0 : i32
          %dma_start3A_488 = tpu.memref_slice %arg4[%squeeze3A_429, %dma_start3A_487] : memref<16384x64xf32, #tpu.memory_space<hbm>> -> memref<1x64xf32, #tpu.memory_space<hbm>>
          %dma_start3A_489 = arith.constant 0 : i32
          %dma_start3A_490 = arith.constant 0 : i32
          %dma_start3A_491 = tpu.memref_slice %arg10[%and3A_432, %dma_start3A_489, %dma_start3A_490] : memref<8x1x64xf32, #tpu.memory_space<vmem>> -> memref<1x1x64xf32, #tpu.memory_space<vmem>>
          %dma_start3A_492 = tpu.memref_squeeze %dma_start3A_491 : memref<1x1x64xf32, #tpu.memory_space<vmem>> -> memref<1x64xf32, #tpu.memory_space<vmem>>
          tpu.enqueue_dma source(%dma_start3A_492 : memref<1x64xf32, #tpu.memory_space<vmem>>) target(%dma_start3A_488 : memref<1x64xf32, #tpu.memory_space<hbm>>) target_semaphore(%arg13 : memref<!tpu.dma_semaphore, #tpu.memory_space<semaphore_mem>>)
          %ne3A = vector.broadcast %squeeze3A_419 : i32 to vector<16xi32>
          %ne3A_493 = arith.cmpi ne, %iota3A, %ne3A : vector<16xi32>
          %and3A_494 = arith.andi %while3A_416, %ne3A_493 : vector<16xi1>
          %add3A_495 = arith.constant 1 : i32
          %add3A_496 = arith.addi %while3A_417, %add3A_495 : i32
          scf.yield %and3A_494, %add3A_496 : vector<16xi1>, i32
        }
        scf.yield %while3A_415#1 : i32
      }
      %mul3A_254 = arith.constant 2 : i32
      %mul3A_255 = arith.muli %mul3A_254, %scan3A_222 : i32
      %add3A_256 = arith.constant 2 : i32
      %add3A_257 = arith.addi %mul3A_255, %add3A_256 : i32
      %mul3A_258 = arith.constant 4 : i32
      %mul3A_259 = arith.muli %add3A_257, %mul3A_258 : i32
      %add3A_260 = arith.constant 0 : i32
      %add3A_261 = arith.addi %mul3A_259, %add3A_260 : i32
      %broadcast_in_dim3A_262 = vector.broadcast %add3A_261 : i32 to vector<16xi32>
      %gather3A = tpu.vector_load_idx %arg8[%broadcast_in_dim3A_262] : memref<256xi32, #tpu.memory_space<vmem>>[vector<16xi32>], vector<16xi32>,
      %slice3A = vector.extract_strided_slice %gather3A {offsets = [0], sizes = [1], strides = [1]} : vector<16xi32> to vector<1xi32>
      %squeeze3A = vector.extract %slice3A[0] : i32 from vector<1xi32>
      %gt3A = arith.constant 0 : i32
      %gt3A_263 = arith.cmpi sgt, %squeeze3A, %gt3A : i32
      %convert_element_type3A_264 = arith.extui %gt3A_263 : i1 to i32
      %cond3A_265 = arith.constant 0 : i32
      %cond3A_266 = arith.cmpi ne, %convert_element_type3A_264, %cond3A_265 : i32
      scf.if %cond3A_266 {
        %mul3A_402 = arith.constant 4 : i32
        %mul3A_403 = arith.muli %add3A_257, %mul3A_402 : i32
        %add3A_404 = arith.addi %mul3A_2, %mul3A_403 : i32
        %add3A_405 = arith.constant 0 : i32
        %add3A_406 = arith.addi %add3A_404, %add3A_405 : i32
        %mul3A_407 = arith.constant 128 : i32
        %mul3A_408 = arith.muli %add3A_406, %mul3A_407 : i32
        %multiple_of3A_409 = tpu.assume_multiple %mul3A_408, 128 : i32
        %dma_start3A_410 = arith.constant 0 : i32
        %dma_start3A_411 = arith.constant 0 : i32
        %dma_start3A_412 = arith.constant 0 : i32
        %dma_start3A_413 = tpu.memref_slice %arg9[%dma_start3A_410, %dma_start3A_411, %dma_start3A_412] : memref<2x64x512xf32, #tpu.memory_space<vmem>> -> memref<1x64x128xf32, #tpu.memory_space<vmem>>
        %dma_start3A_414 = tpu.memref_squeeze %dma_start3A_413 : memref<1x64x128xf32, #tpu.memory_space<vmem>> -> memref<64x128xf32, #tpu.memory_space<vmem>>
        %dma_start3A_415 = arith.constant 0 : i32
        %dma_start3A_416 = tpu.memref_slice %arg3[%dma_start3A_415, %multiple_of3A_409] : memref<64x1000000xf32, #tpu.memory_space<hbm>> -> memref<64x128xf32, #tpu.memory_space<hbm>>
        %dma_start3A_417 = arith.constant 0 : i32
        %dma_start3A_418 = arith.constant 0 : i32
        %dma_start3A_419 = tpu.memref_slice %arg9[%dma_start3A_410, %dma_start3A_417, %dma_start3A_418] : memref<2x64x512xf32, #tpu.memory_space<vmem>> -> memref<1x64x128xf32, #tpu.memory_space<vmem>>
        %dma_start3A_420 = tpu.memref_squeeze %dma_start3A_419 : memref<1x64x128xf32, #tpu.memory_space<vmem>> -> memref<64x128xf32, #tpu.memory_space<vmem>>
        %dma_start3A_421 = arith.constant 0 : i32
        %dma_start3A_422 = tpu.memref_slice %arg3[%dma_start3A_421, %multiple_of3A_409] : memref<64x1000000xf32, #tpu.memory_space<hbm>> -> memref<64x128xf32, #tpu.memory_space<hbm>>
        tpu.enqueue_dma source(%dma_start3A_422 : memref<64x128xf32, #tpu.memory_space<hbm>>) target(%dma_start3A_420 : memref<64x128xf32, #tpu.memory_space<vmem>>) target_semaphore(%arg11 : memref<!tpu.dma_semaphore, #tpu.memory_space<semaphore_mem>>)
      } else {
      }
      %add3A_267 = arith.constant 0 : i32
      %add3A_268 = arith.addi %add3A_267, %squeeze3A : i32
      %mul3A_269 = arith.constant 4 : i32
      %mul3A_270 = arith.muli %add3A_257, %mul3A_269 : i32
      %add3A_271 = arith.constant 1 : i32
      %add3A_272 = arith.addi %mul3A_270, %add3A_271 : i32
      %broadcast_in_dim3A_273 = vector.broadcast %add3A_272 : i32 to vector<16xi32>
      %gather3A_274 = tpu.vector_load_idx %arg8[%broadcast_in_dim3A_273] : memref<256xi32, #tpu.memory_space<vmem>>[vector<16xi32>], vector<16xi32>,
      %slice3A_275 = vector.extract_strided_slice %gather3A_274 {offsets = [0], sizes = [1], strides = [1]} : vector<16xi32> to vector<1xi32>
      %squeeze3A_276 = vector.extract %slice3A_275[0] : i32 from vector<1xi32>
      %gt3A_277 = arith.constant 0 : i32
      %gt3A_278 = arith.cmpi sgt, %squeeze3A_276, %gt3A_277 : i32
      %convert_element_type3A_279 = arith.extui %gt3A_278 : i1 to i32
      %cond3A_280 = arith.constant 0 : i32
      %cond3A_281 = arith.cmpi ne, %convert_element_type3A_279, %cond3A_280 : i32
      scf.if %cond3A_281 {
        %mul3A_402 = arith.constant 4 : i32
        %mul3A_403 = arith.muli %add3A_257, %mul3A_402 : i32
        %add3A_404 = arith.addi %mul3A_2, %mul3A_403 : i32
        %add3A_405 = arith.constant 1 : i32
        %add3A_406 = arith.addi %add3A_404, %add3A_405 : i32
        %mul3A_407 = arith.constant 128 : i32
        %mul3A_408 = arith.muli %add3A_406, %mul3A_407 : i32
        %multiple_of3A_409 = tpu.assume_multiple %mul3A_408, 128 : i32
        %dma_start3A_410 = arith.constant 0 : i32
        %dma_start3A_411 = arith.constant 0 : i32
        %dma_start3A_412 = arith.constant 128 : i32
        %dma_start3A_413 = tpu.memref_slice %arg9[%dma_start3A_410, %dma_start3A_411, %dma_start3A_412] : memref<2x64x512xf32, #tpu.memory_space<vmem>> -> memref<1x64x128xf32, #tpu.memory_space<vmem>>
        %dma_start3A_414 = tpu.memref_squeeze %dma_start3A_413 : memref<1x64x128xf32, #tpu.memory_space<vmem>> -> memref<64x128xf32, #tpu.memory_space<vmem>>
        %dma_start3A_415 = arith.constant 0 : i32
        %dma_start3A_416 = tpu.memref_slice %arg3[%dma_start3A_415, %multiple_of3A_409] : memref<64x1000000xf32, #tpu.memory_space<hbm>> -> memref<64x128xf32, #tpu.memory_space<hbm>>
        %dma_start3A_417 = arith.constant 0 : i32
        %dma_start3A_418 = arith.constant 128 : i32
        %dma_start3A_419 = tpu.memref_slice %arg9[%dma_start3A_410, %dma_start3A_417, %dma_start3A_418] : memref<2x64x512xf32, #tpu.memory_space<vmem>> -> memref<1x64x128xf32, #tpu.memory_space<vmem>>
        %dma_start3A_420 = tpu.memref_squeeze %dma_start3A_419 : memref<1x64x128xf32, #tpu.memory_space<vmem>> -> memref<64x128xf32, #tpu.memory_space<vmem>>
        %dma_start3A_421 = arith.constant 0 : i32
        %dma_start3A_422 = tpu.memref_slice %arg3[%dma_start3A_421, %multiple_of3A_409] : memref<64x1000000xf32, #tpu.memory_space<hbm>> -> memref<64x128xf32, #tpu.memory_space<hbm>>
        tpu.enqueue_dma source(%dma_start3A_422 : memref<64x128xf32, #tpu.memory_space<hbm>>) target(%dma_start3A_420 : memref<64x128xf32, #tpu.memory_space<vmem>>) target_semaphore(%arg11 : memref<!tpu.dma_semaphore, #tpu.memory_space<semaphore_mem>>)
      } else {
      }
      %add3A_282 = arith.addi %add3A_268, %squeeze3A_276 : i32
      %mul3A_283 = arith.constant 4 : i32
      %mul3A_284 = arith.muli %add3A_257, %mul3A_283 : i32
      %add3A_285 = arith.constant 2 : i32
      %add3A_286 = arith.addi %mul3A_284, %add3A_285 : i32
      %broadcast_in_dim3A_287 = vector.broadcast %add3A_286 : i32 to vector<16xi32>
      %gather3A_288 = tpu.vector_load_idx %arg8[%broadcast_in_dim3A_287] : memref<256xi32, #tpu.memory_space<vmem>>[vector<16xi32>], vector<16xi32>,
      %slice3A_289 = vector.extract_strided_slice %gather3A_288 {offsets = [0], sizes = [1], strides = [1]} : vector<16xi32> to vector<1xi32>
      %squeeze3A_290 = vector.extract %slice3A_289[0] : i32 from vector<1xi32>
      %gt3A_291 = arith.constant 0 : i32
      %gt3A_292 = arith.cmpi sgt, %squeeze3A_290, %gt3A_291 : i32
      %convert_element_type3A_293 = arith.extui %gt3A_292 : i1 to i32
      %cond3A_294 = arith.constant 0 : i32
      %cond3A_295 = arith.cmpi ne, %convert_element_type3A_293, %cond3A_294 : i32
      scf.if %cond3A_295 {
        %mul3A_402 = arith.constant 4 : i32
        %mul3A_403 = arith.muli %add3A_257, %mul3A_402 : i32
        %add3A_404 = arith.addi %mul3A_2, %mul3A_403 : i32
        %add3A_405 = arith.constant 2 : i32
        %add3A_406 = arith.addi %add3A_404, %add3A_405 : i32
        %mul3A_407 = arith.constant 128 : i32
        %mul3A_408 = arith.muli %add3A_406, %mul3A_407 : i32
        %multiple_of3A_409 = tpu.assume_multiple %mul3A_408, 128 : i32
        %dma_start3A_410 = arith.constant 0 : i32
        %dma_start3A_411 = arith.constant 0 : i32
        %dma_start3A_412 = arith.constant 256 : i32
        %dma_start3A_413 = tpu.memref_slice %arg9[%dma_start3A_410, %dma_start3A_411, %dma_start3A_412] : memref<2x64x512xf32, #tpu.memory_space<vmem>> -> memref<1x64x128xf32, #tpu.memory_space<vmem>>
        %dma_start3A_414 = tpu.memref_squeeze %dma_start3A_413 : memref<1x64x128xf32, #tpu.memory_space<vmem>> -> memref<64x128xf32, #tpu.memory_space<vmem>>
        %dma_start3A_415 = arith.constant 0 : i32
        %dma_start3A_416 = tpu.memref_slice %arg3[%dma_start3A_415, %multiple_of3A_409] : memref<64x1000000xf32, #tpu.memory_space<hbm>> -> memref<64x128xf32, #tpu.memory_space<hbm>>
        %dma_start3A_417 = arith.constant 0 : i32
        %dma_start3A_418 = arith.constant 256 : i32
        %dma_start3A_419 = tpu.memref_slice %arg9[%dma_start3A_410, %dma_start3A_417, %dma_start3A_418] : memref<2x64x512xf32, #tpu.memory_space<vmem>> -> memref<1x64x128xf32, #tpu.memory_space<vmem>>
        %dma_start3A_420 = tpu.memref_squeeze %dma_start3A_419 : memref<1x64x128xf32, #tpu.memory_space<vmem>> -> memref<64x128xf32, #tpu.memory_space<vmem>>
        %dma_start3A_421 = arith.constant 0 : i32
        %dma_start3A_422 = tpu.memref_slice %arg3[%dma_start3A_421, %multiple_of3A_409] : memref<64x1000000xf32, #tpu.memory_space<hbm>> -> memref<64x128xf32, #tpu.memory_space<hbm>>
        tpu.enqueue_dma source(%dma_start3A_422 : memref<64x128xf32, #tpu.memory_space<hbm>>) target(%dma_start3A_420 : memref<64x128xf32, #tpu.memory_space<vmem>>) target_semaphore(%arg11 : memref<!tpu.dma_semaphore, #tpu.memory_space<semaphore_mem>>)
      } else {
      }
      %add3A_296 = arith.addi %add3A_282, %squeeze3A_290 : i32
      %mul3A_297 = arith.constant 4 : i32
      %mul3A_298 = arith.muli %add3A_257, %mul3A_297 : i32
      %add3A_299 = arith.constant 3 : i32
      %add3A_300 = arith.addi %mul3A_298, %add3A_299 : i32
      %broadcast_in_dim3A_301 = vector.broadcast %add3A_300 : i32 to vector<16xi32>
      %gather3A_302 = tpu.vector_load_idx %arg8[%broadcast_in_dim3A_301] : memref<256xi32, #tpu.memory_space<vmem>>[vector<16xi32>], vector<16xi32>,
      %slice3A_303 = vector.extract_strided_slice %gather3A_302 {offsets = [0], sizes = [1], strides = [1]} : vector<16xi32> to vector<1xi32>
      %squeeze3A_304 = vector.extract %slice3A_303[0] : i32 from vector<1xi32>
      %gt3A_305 = arith.constant 0 : i32
      %gt3A_306 = arith.cmpi sgt, %squeeze3A_304, %gt3A_305 : i32
      %convert_element_type3A_307 = arith.extui %gt3A_306 : i1 to i32
      %cond3A_308 = arith.constant 0 : i32
      %cond3A_309 = arith.cmpi ne, %convert_element_type3A_307, %cond3A_308 : i32
      scf.if %cond3A_309 {
        %mul3A_402 = arith.constant 4 : i32
        %mul3A_403 = arith.muli %add3A_257, %mul3A_402 : i32
        %add3A_404 = arith.addi %mul3A_2, %mul3A_403 : i32
        %add3A_405 = arith.constant 3 : i32
        %add3A_406 = arith.addi %add3A_404, %add3A_405 : i32
        %mul3A_407 = arith.constant 128 : i32
        %mul3A_408 = arith.muli %add3A_406, %mul3A_407 : i32
        %multiple_of3A_409 = tpu.assume_multiple %mul3A_408, 128 : i32
        %dma_start3A_410 = arith.constant 0 : i32
        %dma_start3A_411 = arith.constant 0 : i32
        %dma_start3A_412 = arith.constant 384 : i32
        %dma_start3A_413 = tpu.memref_slice %arg9[%dma_start3A_410, %dma_start3A_411, %dma_start3A_412] : memref<2x64x512xf32, #tpu.memory_space<vmem>> -> memref<1x64x128xf32, #tpu.memory_space<vmem>>
        %dma_start3A_414 = tpu.memref_squeeze %dma_start3A_413 : memref<1x64x128xf32, #tpu.memory_space<vmem>> -> memref<64x128xf32, #tpu.memory_space<vmem>>
        %dma_start3A_415 = arith.constant 0 : i32
        %dma_start3A_416 = tpu.memref_slice %arg3[%dma_start3A_415, %multiple_of3A_409] : memref<64x1000000xf32, #tpu.memory_space<hbm>> -> memref<64x128xf32, #tpu.memory_space<hbm>>
        %dma_start3A_417 = arith.constant 0 : i32
        %dma_start3A_418 = arith.constant 384 : i32
        %dma_start3A_419 = tpu.memref_slice %arg9[%dma_start3A_410, %dma_start3A_417, %dma_start3A_418] : memref<2x64x512xf32, #tpu.memory_space<vmem>> -> memref<1x64x128xf32, #tpu.memory_space<vmem>>
        %dma_start3A_420 = tpu.memref_squeeze %dma_start3A_419 : memref<1x64x128xf32, #tpu.memory_space<vmem>> -> memref<64x128xf32, #tpu.memory_space<vmem>>
        %dma_start3A_421 = arith.constant 0 : i32
        %dma_start3A_422 = tpu.memref_slice %arg3[%dma_start3A_421, %multiple_of3A_409] : memref<64x1000000xf32, #tpu.memory_space<hbm>> -> memref<64x128xf32, #tpu.memory_space<hbm>>
        tpu.enqueue_dma source(%dma_start3A_422 : memref<64x128xf32, #tpu.memory_space<hbm>>) target(%dma_start3A_420 : memref<64x128xf32, #tpu.memory_space<vmem>>) target_semaphore(%arg11 : memref<!tpu.dma_semaphore, #tpu.memory_space<semaphore_mem>>)
      } else {
      }
      %add3A_310 = arith.addi %add3A_296, %squeeze3A_304 : i32
      %while3A_311 = arith.constant 0 : i32
      %while3A_312 = arith.constant 0 : i32
      %while3A_313 = arith.subi %scan3A_225, %while3A_312 : i32
      %while3A_314 = arith.addi %while3A_312, %while3A_313 : i32
      %while3A_315 = arith.constant 1 : i32
      %while3A_316 = arith.divsi %while3A_313, %while3A_315 : i32
      %while3A_317 = arith.muli %while3A_316, %while3A_315 : i32
      %while3A_318 = arith.addi %while3A_312, %while3A_317 : i32
      %while3A_319 = arith.constant 1 : i32
      scf.for %while3A_402 = %while3A_312 to %while3A_318 step %while3A_319  : i32 {
        %dma_wait3A = arith.constant 1 : i32
        %dma_wait3A_403 = arith.constant 0 : i32
        %dma_wait3A_404 = arith.constant 0 : i32
        %dma_wait3A_405 = tpu.memref_slice %arg9[%dma_wait3A, %dma_wait3A_403, %dma_wait3A_404] : memref<2x64x512xf32, #tpu.memory_space<vmem>> -> memref<1x64x128xf32, #tpu.memory_space<vmem>>
        %dma_wait3A_406 = tpu.memref_squeeze %dma_wait3A_405 : memref<1x64x128xf32, #tpu.memory_space<vmem>> -> memref<64x128xf32, #tpu.memory_space<vmem>>
        %dma_wait3A_407 = arith.constant 0 : i32
        %dma_wait3A_408 = arith.constant 0 : i32
        %dma_wait3A_409 = tpu.memref_slice %arg3[%dma_wait3A_407, %dma_wait3A_408] : memref<64x1000000xf32, #tpu.memory_space<hbm>> -> memref<64x128xf32, #tpu.memory_space<hbm>>
        %dma_wait3A_410 = arith.constant 0 : i32
        %dma_wait3A_411 = arith.constant 0 : i32
        %dma_wait3A_412 = tpu.memref_slice %arg9[%dma_wait3A, %dma_wait3A_410, %dma_wait3A_411] : memref<2x64x512xf32, #tpu.memory_space<vmem>> -> memref<1x64x128xf32, #tpu.memory_space<vmem>>
        %dma_wait3A_413 = tpu.memref_squeeze %dma_wait3A_412 : memref<1x64x128xf32, #tpu.memory_space<vmem>> -> memref<64x128xf32, #tpu.memory_space<vmem>>
        %dma_wait3A_414 = arith.constant 0 : i32
        %dma_wait3A_415 = arith.constant 0 : i32
        %dma_wait3A_416 = tpu.memref_slice %arg3[%dma_wait3A_414, %dma_wait3A_415] : memref<64x1000000xf32, #tpu.memory_space<hbm>> -> memref<64x128xf32, #tpu.memory_space<hbm>>
        tpu.wait_dma2 semaphore(%arg12 : memref<!tpu.dma_semaphore, #tpu.memory_space<semaphore_mem>>) src(%dma_wait3A_416 : memref<64x128xf32, #tpu.memory_space<hbm>>) dst(%dma_wait3A_413 : memref<64x128xf32, #tpu.memory_space<vmem>>)
      }
      %while3A_320 = arith.constant 1 : i32
      scf.for %while3A_402 = %while3A_318 to %while3A_314 step %while3A_320  : i32 {
        %dma_wait3A = arith.constant 1 : i32
        %dma_wait3A_403 = arith.constant 0 : i32
        %dma_wait3A_404 = arith.constant 0 : i32
        %dma_wait3A_405 = tpu.memref_slice %arg9[%dma_wait3A, %dma_wait3A_403, %dma_wait3A_404] : memref<2x64x512xf32, #tpu.memory_space<vmem>> -> memref<1x64x128xf32, #tpu.memory_space<vmem>>
        %dma_wait3A_406 = tpu.memref_squeeze %dma_wait3A_405 : memref<1x64x128xf32, #tpu.memory_space<vmem>> -> memref<64x128xf32, #tpu.memory_space<vmem>>
        %dma_wait3A_407 = arith.constant 0 : i32
        %dma_wait3A_408 = arith.constant 0 : i32
        %dma_wait3A_409 = tpu.memref_slice %arg3[%dma_wait3A_407, %dma_wait3A_408] : memref<64x1000000xf32, #tpu.memory_space<hbm>> -> memref<64x128xf32, #tpu.memory_space<hbm>>
        %dma_wait3A_410 = arith.constant 0 : i32
        %dma_wait3A_411 = arith.constant 0 : i32
        %dma_wait3A_412 = tpu.memref_slice %arg9[%dma_wait3A, %dma_wait3A_410, %dma_wait3A_411] : memref<2x64x512xf32, #tpu.memory_space<vmem>> -> memref<1x64x128xf32, #tpu.memory_space<vmem>>
        %dma_wait3A_413 = tpu.memref_squeeze %dma_wait3A_412 : memref<1x64x128xf32, #tpu.memory_space<vmem>> -> memref<64x128xf32, #tpu.memory_space<vmem>>
        %dma_wait3A_414 = arith.constant 0 : i32
        %dma_wait3A_415 = arith.constant 0 : i32
        %dma_wait3A_416 = tpu.memref_slice %arg3[%dma_wait3A_414, %dma_wait3A_415] : memref<64x1000000xf32, #tpu.memory_space<hbm>> -> memref<64x128xf32, #tpu.memory_space<hbm>>
        tpu.wait_dma2 semaphore(%arg12 : memref<!tpu.dma_semaphore, #tpu.memory_space<semaphore_mem>>) src(%dma_wait3A_416 : memref<64x128xf32, #tpu.memory_space<hbm>>) dst(%dma_wait3A_413 : memref<64x128xf32, #tpu.memory_space<vmem>>)
      }
      %mul3A_321 = arith.constant 2 : i32
      %mul3A_322 = arith.muli %mul3A_321, %scan3A_222 : i32
      %add3A_323 = arith.constant 1 : i32
      %add3A_324 = arith.addi %mul3A_322, %add3A_323 : i32
      %mul3A_325 = arith.constant 4 : i32
      %mul3A_326 = arith.muli %add3A_324, %mul3A_325 : i32
      %add3A_327 = arith.addi %mul3A_2, %mul3A_326 : i32
      %mul3A_328 = arith.constant 128 : i32
      %mul3A_329 = arith.muli %add3A_327, %mul3A_328 : i32
      %while3A_330 = arith.constant 0 : i32
      %while3A_331 = arith.subi %shift_right_arithmetic3A_179, %while3A_330 : i32
      %while3A_332 = arith.addi %while3A_330, %while3A_331 : i32
      %while3A_333 = arith.constant 1 : i32
      %while3A_334 = arith.divsi %while3A_331, %while3A_333 : i32
      %while3A_335 = arith.muli %while3A_334, %while3A_333 : i32
      %while3A_336 = arith.addi %while3A_330, %while3A_335 : i32
      %while3A_337 = arith.constant 1 : i32
      %while3A_338 = scf.for %while3A_402 = %while3A_330 to %while3A_336 step %while3A_337 iter_args(%while3A_403 = %while3A_253) -> (i32)  : i32 {
        %mul3A_404 = arith.constant 16 : i32
        %mul3A_405 = arith.muli %while3A_402, %mul3A_404 : i32
        %get3A = arith.index_cast %mul3A_405 : i32 to index
        %get3A_406 = tpu.vector_load %arg6[%get3A] {strides = array<i32>} : memref<16384xi32, #tpu.memory_space<vmem>>, vector<16xi32>,
        %shift_right_arithmetic3A_407 = arith.constant 7 : i32
        %shift_right_arithmetic3A_408 = vector.broadcast %shift_right_arithmetic3A_407 : i32 to vector<16xi32>
        %shift_right_arithmetic3A_409 = arith.shrsi %get3A_406, %shift_right_arithmetic3A_408 : vector<16xi32>
        %ge3A = vector.broadcast %add3A_327 : i32 to vector<16xi32>
        %ge3A_410 = arith.cmpi sge, %shift_right_arithmetic3A_409, %ge3A : vector<16xi32>
        %add3A_411 = arith.constant 4 : i32
        %add3A_412 = arith.addi %add3A_327, %add3A_411 : i32
        %lt3A_413 = vector.broadcast %add3A_412 : i32 to vector<16xi32>
        %lt3A_414 = arith.cmpi slt, %shift_right_arithmetic3A_409, %lt3A_413 : vector<16xi32>
        %and3A = arith.andi %ge3A_410, %lt3A_414 : vector<16xi1>
        %while3A_415:2 = scf.while (%while3A_416 = %and3A, %while3A_417 = %while3A_403) : (vector<16xi1>, i32) -> (vector<16xi1>, i32) {
          %all_reduce_population_count3A = tpu.all_reduce %while3A_416 {dim = 0 : i64, kind = #tpu.reduction_kind<sum>} : vector<16xi1> -> vector<16xi32>
          %slice3A_418 = vector.extract_strided_slice %all_reduce_population_count3A {offsets = [0], sizes = [1], strides = [1]} : vector<16xi32> to vector<1xi32>
          %squeeze3A_419 = vector.extract %slice3A_418[0] : i32 from vector<1xi32>
          %gt3A_420 = arith.constant 0 : i32
          %gt3A_421 = arith.cmpi sgt, %squeeze3A_419, %gt3A_420 : i32
          scf.condition(%gt3A_421) %while3A_416, %while3A_417 : vector<16xi1>, i32
        } do {
        ^bb0(%while3A_416: vector<16xi1>, %while3A_417: i32):
          %all_reduce_ffs3A = tpu.all_reduce %while3A_416 {dim = 0 : i64, kind = #tpu.reduction_kind<find_first_set>} : vector<16xi1> -> vector<16xi32>
          %slice3A_418 = vector.extract_strided_slice %all_reduce_ffs3A {offsets = [0], sizes = [1], strides = [1]} : vector<16xi32> to vector<1xi32>
          %squeeze3A_419 = vector.extract %slice3A_418[0] : i32 from vector<1xi32>
          %mul3A_420 = arith.constant 16 : i32
          %mul3A_421 = arith.muli %while3A_402, %mul3A_420 : i32
          %add3A_422 = arith.addi %mul3A_421, %squeeze3A_419 : i32
          %broadcast_in_dim3A_423 = vector.broadcast %add3A_422 : i32 to vector<16xi32>
          %gather3A_424 = tpu.vector_load_idx %arg6[%broadcast_in_dim3A_423] : memref<16384xi32, #tpu.memory_space<vmem>>[vector<16xi32>], vector<16xi32>,
          %slice3A_425 = vector.extract_strided_slice %gather3A_424 {offsets = [0], sizes = [1], strides = [1]} : vector<16xi32> to vector<1xi32>
          %squeeze3A_426 = vector.extract %slice3A_425[0] : i32 from vector<1xi32>
          %gather3A_427 = tpu.vector_load_idx %arg7[%broadcast_in_dim3A_423] : memref<16384xi32, #tpu.memory_space<vmem>>[vector<16xi32>], vector<16xi32>,
          %slice3A_428 = vector.extract_strided_slice %gather3A_427 {offsets = [0], sizes = [1], strides = [1]} : vector<16xi32> to vector<1xi32>
          %squeeze3A_429 = vector.extract %slice3A_428[0] : i32 from vector<1xi32>
          %sub3A = arith.subi %squeeze3A_426, %mul3A_329 : i32
          %broadcast_in_dim3A_430 = vector.broadcast %sub3A : i32 to vector<16xi32>
          %and3A_431 = arith.constant 7 : i32
          %and3A_432 = arith.andi %while3A_417, %and3A_431 : i32
          %ge3A_433 = arith.constant 8 : i32
          %ge3A_434 = arith.cmpi sge, %while3A_417, %ge3A_433 : i32
          %convert_element_type3A_435 = arith.extui %ge3A_434 : i1 to i32
          %cond3A_436 = arith.constant 0 : i32
          %cond3A_437 = arith.cmpi ne, %convert_element_type3A_435, %cond3A_436 : i32
          scf.if %cond3A_437 {
            %dma_wait3A = arith.constant 0 : i32
            %dma_wait3A_497 = arith.constant 0 : i32
            %dma_wait3A_498 = arith.constant 0 : i32
            %dma_wait3A_499 = tpu.memref_slice %arg10[%dma_wait3A, %dma_wait3A_497, %dma_wait3A_498] : memref<8x1x64xf32, #tpu.memory_space<vmem>> -> memref<1x1x64xf32, #tpu.memory_space<vmem>>
            %dma_wait3A_500 = tpu.memref_squeeze %dma_wait3A_499 : memref<1x1x64xf32, #tpu.memory_space<vmem>> -> memref<1x64xf32, #tpu.memory_space<vmem>>
            %dma_wait3A_501 = arith.constant 0 : i32
            %dma_wait3A_502 = arith.constant 0 : i32
            %dma_wait3A_503 = tpu.memref_slice %arg4[%dma_wait3A_501, %dma_wait3A_502] : memref<16384x64xf32, #tpu.memory_space<hbm>> -> memref<1x64xf32, #tpu.memory_space<hbm>>
            %dma_wait3A_504 = arith.constant 0 : i32
            %dma_wait3A_505 = arith.constant 0 : i32
            %dma_wait3A_506 = tpu.memref_slice %arg4[%dma_wait3A_504, %dma_wait3A_505] : memref<16384x64xf32, #tpu.memory_space<hbm>> -> memref<1x64xf32, #tpu.memory_space<hbm>>
            %dma_wait3A_507 = arith.constant 0 : i32
            %dma_wait3A_508 = arith.constant 0 : i32
            %dma_wait3A_509 = tpu.memref_slice %arg10[%dma_wait3A, %dma_wait3A_507, %dma_wait3A_508] : memref<8x1x64xf32, #tpu.memory_space<vmem>> -> memref<1x1x64xf32, #tpu.memory_space<vmem>>
            %dma_wait3A_510 = tpu.memref_squeeze %dma_wait3A_509 : memref<1x1x64xf32, #tpu.memory_space<vmem>> -> memref<1x64xf32, #tpu.memory_space<vmem>>
            tpu.wait_dma2 semaphore(%arg13 : memref<!tpu.dma_semaphore, #tpu.memory_space<semaphore_mem>>) src(%dma_wait3A_510 : memref<1x64xf32, #tpu.memory_space<vmem>>) dst(%dma_wait3A_506 : memref<1x64xf32, #tpu.memory_space<hbm>>)
          } else {
          }
          %broadcast_in_dim3A_438 = arith.constant 1 : i32
          %broadcast_in_dim3A_439 = vector.broadcast %broadcast_in_dim3A_438 : i32 to vector<16xi32>
          %add3A_440 = arith.constant 0 : i32
          %add3A_441 = vector.broadcast %add3A_440 : i32 to vector<16xi32>
          %add3A_442 = arith.addi %iota3A, %add3A_441 : vector<16xi32>
          %gather3A_443 = tpu.vector_load_idx %arg9[%broadcast_in_dim3A_439, %add3A_442, %broadcast_in_dim3A_430] : memref<2x64x512xf32, #tpu.memory_space<vmem>>[vector<16xi32>, vector<16xi32>, vector<16xi32>], vector<16xf32>,
          %swap3A = arith.constant 0 : i32
          %swap3A_444 = arith.index_cast %and3A_432 : i32 to index
          %swap3A_445 = arith.index_cast %swap3A : i32 to index
          %swap3A_446 = arith.constant 0 : index
          %swap3A_447 = tpu.vector_load %arg10[%swap3A_444, %swap3A_445, %swap3A_446] {strides = array<i32>} : memref<8x1x64xf32, #tpu.memory_space<vmem>>, vector<16xf32>,
          tpu.vector_store %arg10[%swap3A_444, %swap3A_445, %swap3A_446], %gather3A_443 {strides = array<i32>} : memref<8x1x64xf32, #tpu.memory_space<vmem>>, vector<16xf32>,
          %broadcast_in_dim3A_448 = arith.constant 1 : i32
          %broadcast_in_dim3A_449 = vector.broadcast %broadcast_in_dim3A_448 : i32 to vector<16xi32>
          %add3A_450 = arith.constant 16 : i32
          %add3A_451 = vector.broadcast %add3A_450 : i32 to vector<16xi32>
          %add3A_452 = arith.addi %iota3A, %add3A_451 : vector<16xi32>
          %gather3A_453 = tpu.vector_load_idx %arg9[%broadcast_in_dim3A_449, %add3A_452, %broadcast_in_dim3A_430] : memref<2x64x512xf32, #tpu.memory_space<vmem>>[vector<16xi32>, vector<16xi32>, vector<16xi32>], vector<16xf32>,
          %swap3A_454 = arith.constant 0 : i32
          %swap3A_455 = arith.index_cast %and3A_432 : i32 to index
          %swap3A_456 = arith.index_cast %swap3A_454 : i32 to index
          %swap3A_457 = arith.constant 16 : index
          %swap3A_458 = tpu.vector_load %arg10[%swap3A_455, %swap3A_456, %swap3A_457] {strides = array<i32>} : memref<8x1x64xf32, #tpu.memory_space<vmem>>, vector<16xf32>,
          tpu.vector_store %arg10[%swap3A_455, %swap3A_456, %swap3A_457], %gather3A_453 {strides = array<i32>} : memref<8x1x64xf32, #tpu.memory_space<vmem>>, vector<16xf32>,
          %broadcast_in_dim3A_459 = arith.constant 1 : i32
          %broadcast_in_dim3A_460 = vector.broadcast %broadcast_in_dim3A_459 : i32 to vector<16xi32>
          %add3A_461 = arith.constant 32 : i32
          %add3A_462 = vector.broadcast %add3A_461 : i32 to vector<16xi32>
          %add3A_463 = arith.addi %iota3A, %add3A_462 : vector<16xi32>
          %gather3A_464 = tpu.vector_load_idx %arg9[%broadcast_in_dim3A_460, %add3A_463, %broadcast_in_dim3A_430] : memref<2x64x512xf32, #tpu.memory_space<vmem>>[vector<16xi32>, vector<16xi32>, vector<16xi32>], vector<16xf32>,
          %swap3A_465 = arith.constant 0 : i32
          %swap3A_466 = arith.index_cast %and3A_432 : i32 to index
          %swap3A_467 = arith.index_cast %swap3A_465 : i32 to index
          %swap3A_468 = arith.constant 32 : index
          %swap3A_469 = tpu.vector_load %arg10[%swap3A_466, %swap3A_467, %swap3A_468] {strides = array<i32>} : memref<8x1x64xf32, #tpu.memory_space<vmem>>, vector<16xf32>,
          tpu.vector_store %arg10[%swap3A_466, %swap3A_467, %swap3A_468], %gather3A_464 {strides = array<i32>} : memref<8x1x64xf32, #tpu.memory_space<vmem>>, vector<16xf32>,
          %broadcast_in_dim3A_470 = arith.constant 1 : i32
          %broadcast_in_dim3A_471 = vector.broadcast %broadcast_in_dim3A_470 : i32 to vector<16xi32>
          %add3A_472 = arith.constant 48 : i32
          %add3A_473 = vector.broadcast %add3A_472 : i32 to vector<16xi32>
          %add3A_474 = arith.addi %iota3A, %add3A_473 : vector<16xi32>
          %gather3A_475 = tpu.vector_load_idx %arg9[%broadcast_in_dim3A_471, %add3A_474, %broadcast_in_dim3A_430] : memref<2x64x512xf32, #tpu.memory_space<vmem>>[vector<16xi32>, vector<16xi32>, vector<16xi32>], vector<16xf32>,
          %swap3A_476 = arith.constant 0 : i32
          %swap3A_477 = arith.index_cast %and3A_432 : i32 to index
          %swap3A_478 = arith.index_cast %swap3A_476 : i32 to index
          %swap3A_479 = arith.constant 48 : index
          %swap3A_480 = tpu.vector_load %arg10[%swap3A_477, %swap3A_478, %swap3A_479] {strides = array<i32>} : memref<8x1x64xf32, #tpu.memory_space<vmem>>, vector<16xf32>,
          tpu.vector_store %arg10[%swap3A_477, %swap3A_478, %swap3A_479], %gather3A_475 {strides = array<i32>} : memref<8x1x64xf32, #tpu.memory_space<vmem>>, vector<16xf32>,
          %dma_start3A_481 = arith.constant 0 : i32
          %dma_start3A_482 = arith.constant 0 : i32
          %dma_start3A_483 = tpu.memref_slice %arg10[%and3A_432, %dma_start3A_481, %dma_start3A_482] : memref<8x1x64xf32, #tpu.memory_space<vmem>> -> memref<1x1x64xf32, #tpu.memory_space<vmem>>
          %dma_start3A_484 = tpu.memref_squeeze %dma_start3A_483 : memref<1x1x64xf32, #tpu.memory_space<vmem>> -> memref<1x64xf32, #tpu.memory_space<vmem>>
          %dma_start3A_485 = arith.constant 0 : i32
          %dma_start3A_486 = tpu.memref_slice %arg4[%squeeze3A_429, %dma_start3A_485] : memref<16384x64xf32, #tpu.memory_space<hbm>> -> memref<1x64xf32, #tpu.memory_space<hbm>>
          %dma_start3A_487 = arith.constant 0 : i32
          %dma_start3A_488 = tpu.memref_slice %arg4[%squeeze3A_429, %dma_start3A_487] : memref<16384x64xf32, #tpu.memory_space<hbm>> -> memref<1x64xf32, #tpu.memory_space<hbm>>
          %dma_start3A_489 = arith.constant 0 : i32
          %dma_start3A_490 = arith.constant 0 : i32
          %dma_start3A_491 = tpu.memref_slice %arg10[%and3A_432, %dma_start3A_489, %dma_start3A_490] : memref<8x1x64xf32, #tpu.memory_space<vmem>> -> memref<1x1x64xf32, #tpu.memory_space<vmem>>
          %dma_start3A_492 = tpu.memref_squeeze %dma_start3A_491 : memref<1x1x64xf32, #tpu.memory_space<vmem>> -> memref<1x64xf32, #tpu.memory_space<vmem>>
          tpu.enqueue_dma source(%dma_start3A_492 : memref<1x64xf32, #tpu.memory_space<vmem>>) target(%dma_start3A_488 : memref<1x64xf32, #tpu.memory_space<hbm>>) target_semaphore(%arg13 : memref<!tpu.dma_semaphore, #tpu.memory_space<semaphore_mem>>)
          %ne3A = vector.broadcast %squeeze3A_419 : i32 to vector<16xi32>
          %ne3A_493 = arith.cmpi ne, %iota3A, %ne3A : vector<16xi32>
          %and3A_494 = arith.andi %while3A_416, %ne3A_493 : vector<16xi1>
          %add3A_495 = arith.constant 1 : i32
          %add3A_496 = arith.addi %while3A_417, %add3A_495 : i32
          scf.yield %and3A_494, %add3A_496 : vector<16xi1>, i32
        }
        scf.yield %while3A_415#1 : i32
      }
      %while3A_339 = arith.constant 1 : i32
      %while3A_340 = scf.for %while3A_402 = %while3A_336 to %while3A_332 step %while3A_339 iter_args(%while3A_403 = %while3A_338) -> (i32)  : i32 {
        %mul3A_404 = arith.constant 16 : i32
        %mul3A_405 = arith.muli %while3A_402, %mul3A_404 : i32
        %get3A = arith.index_cast %mul3A_405 : i32 to index
        %get3A_406 = tpu.vector_load %arg6[%get3A] {strides = array<i32>} : memref<16384xi32, #tpu.memory_space<vmem>>, vector<16xi32>,
        %shift_right_arithmetic3A_407 = arith.constant 7 : i32
        %shift_right_arithmetic3A_408 = vector.broadcast %shift_right_arithmetic3A_407 : i32 to vector<16xi32>
        %shift_right_arithmetic3A_409 = arith.shrsi %get3A_406, %shift_right_arithmetic3A_408 : vector<16xi32>
        %ge3A = vector.broadcast %add3A_327 : i32 to vector<16xi32>
        %ge3A_410 = arith.cmpi sge, %shift_right_arithmetic3A_409, %ge3A : vector<16xi32>
        %add3A_411 = arith.constant 4 : i32
        %add3A_412 = arith.addi %add3A_327, %add3A_411 : i32
        %lt3A_413 = vector.broadcast %add3A_412 : i32 to vector<16xi32>
        %lt3A_414 = arith.cmpi slt, %shift_right_arithmetic3A_409, %lt3A_413 : vector<16xi32>
        %and3A = arith.andi %ge3A_410, %lt3A_414 : vector<16xi1>
        %while3A_415:2 = scf.while (%while3A_416 = %and3A, %while3A_417 = %while3A_403) : (vector<16xi1>, i32) -> (vector<16xi1>, i32) {
          %all_reduce_population_count3A = tpu.all_reduce %while3A_416 {dim = 0 : i64, kind = #tpu.reduction_kind<sum>} : vector<16xi1> -> vector<16xi32>
          %slice3A_418 = vector.extract_strided_slice %all_reduce_population_count3A {offsets = [0], sizes = [1], strides = [1]} : vector<16xi32> to vector<1xi32>
          %squeeze3A_419 = vector.extract %slice3A_418[0] : i32 from vector<1xi32>
          %gt3A_420 = arith.constant 0 : i32
          %gt3A_421 = arith.cmpi sgt, %squeeze3A_419, %gt3A_420 : i32
          scf.condition(%gt3A_421) %while3A_416, %while3A_417 : vector<16xi1>, i32
        } do {
        ^bb0(%while3A_416: vector<16xi1>, %while3A_417: i32):
          %all_reduce_ffs3A = tpu.all_reduce %while3A_416 {dim = 0 : i64, kind = #tpu.reduction_kind<find_first_set>} : vector<16xi1> -> vector<16xi32>
          %slice3A_418 = vector.extract_strided_slice %all_reduce_ffs3A {offsets = [0], sizes = [1], strides = [1]} : vector<16xi32> to vector<1xi32>
          %squeeze3A_419 = vector.extract %slice3A_418[0] : i32 from vector<1xi32>
          %mul3A_420 = arith.constant 16 : i32
          %mul3A_421 = arith.muli %while3A_402, %mul3A_420 : i32
          %add3A_422 = arith.addi %mul3A_421, %squeeze3A_419 : i32
          %broadcast_in_dim3A_423 = vector.broadcast %add3A_422 : i32 to vector<16xi32>
          %gather3A_424 = tpu.vector_load_idx %arg6[%broadcast_in_dim3A_423] : memref<16384xi32, #tpu.memory_space<vmem>>[vector<16xi32>], vector<16xi32>,
          %slice3A_425 = vector.extract_strided_slice %gather3A_424 {offsets = [0], sizes = [1], strides = [1]} : vector<16xi32> to vector<1xi32>
          %squeeze3A_426 = vector.extract %slice3A_425[0] : i32 from vector<1xi32>
          %gather3A_427 = tpu.vector_load_idx %arg7[%broadcast_in_dim3A_423] : memref<16384xi32, #tpu.memory_space<vmem>>[vector<16xi32>], vector<16xi32>,
          %slice3A_428 = vector.extract_strided_slice %gather3A_427 {offsets = [0], sizes = [1], strides = [1]} : vector<16xi32> to vector<1xi32>
          %squeeze3A_429 = vector.extract %slice3A_428[0] : i32 from vector<1xi32>
          %sub3A = arith.subi %squeeze3A_426, %mul3A_329 : i32
          %broadcast_in_dim3A_430 = vector.broadcast %sub3A : i32 to vector<16xi32>
          %and3A_431 = arith.constant 7 : i32
          %and3A_432 = arith.andi %while3A_417, %and3A_431 : i32
          %ge3A_433 = arith.constant 8 : i32
          %ge3A_434 = arith.cmpi sge, %while3A_417, %ge3A_433 : i32
          %convert_element_type3A_435 = arith.extui %ge3A_434 : i1 to i32
          %cond3A_436 = arith.constant 0 : i32
          %cond3A_437 = arith.cmpi ne, %convert_element_type3A_435, %cond3A_436 : i32
          scf.if %cond3A_437 {
            %dma_wait3A = arith.constant 0 : i32
            %dma_wait3A_497 = arith.constant 0 : i32
            %dma_wait3A_498 = arith.constant 0 : i32
            %dma_wait3A_499 = tpu.memref_slice %arg10[%dma_wait3A, %dma_wait3A_497, %dma_wait3A_498] : memref<8x1x64xf32, #tpu.memory_space<vmem>> -> memref<1x1x64xf32, #tpu.memory_space<vmem>>
            %dma_wait3A_500 = tpu.memref_squeeze %dma_wait3A_499 : memref<1x1x64xf32, #tpu.memory_space<vmem>> -> memref<1x64xf32, #tpu.memory_space<vmem>>
            %dma_wait3A_501 = arith.constant 0 : i32
            %dma_wait3A_502 = arith.constant 0 : i32
            %dma_wait3A_503 = tpu.memref_slice %arg4[%dma_wait3A_501, %dma_wait3A_502] : memref<16384x64xf32, #tpu.memory_space<hbm>> -> memref<1x64xf32, #tpu.memory_space<hbm>>
            %dma_wait3A_504 = arith.constant 0 : i32
            %dma_wait3A_505 = arith.constant 0 : i32
            %dma_wait3A_506 = tpu.memref_slice %arg4[%dma_wait3A_504, %dma_wait3A_505] : memref<16384x64xf32, #tpu.memory_space<hbm>> -> memref<1x64xf32, #tpu.memory_space<hbm>>
            %dma_wait3A_507 = arith.constant 0 : i32
            %dma_wait3A_508 = arith.constant 0 : i32
            %dma_wait3A_509 = tpu.memref_slice %arg10[%dma_wait3A, %dma_wait3A_507, %dma_wait3A_508] : memref<8x1x64xf32, #tpu.memory_space<vmem>> -> memref<1x1x64xf32, #tpu.memory_space<vmem>>
            %dma_wait3A_510 = tpu.memref_squeeze %dma_wait3A_509 : memref<1x1x64xf32, #tpu.memory_space<vmem>> -> memref<1x64xf32, #tpu.memory_space<vmem>>
            tpu.wait_dma2 semaphore(%arg13 : memref<!tpu.dma_semaphore, #tpu.memory_space<semaphore_mem>>) src(%dma_wait3A_510 : memref<1x64xf32, #tpu.memory_space<vmem>>) dst(%dma_wait3A_506 : memref<1x64xf32, #tpu.memory_space<hbm>>)
          } else {
          }
          %broadcast_in_dim3A_438 = arith.constant 1 : i32
          %broadcast_in_dim3A_439 = vector.broadcast %broadcast_in_dim3A_438 : i32 to vector<16xi32>
          %add3A_440 = arith.constant 0 : i32
          %add3A_441 = vector.broadcast %add3A_440 : i32 to vector<16xi32>
          %add3A_442 = arith.addi %iota3A, %add3A_441 : vector<16xi32>
          %gather3A_443 = tpu.vector_load_idx %arg9[%broadcast_in_dim3A_439, %add3A_442, %broadcast_in_dim3A_430] : memref<2x64x512xf32, #tpu.memory_space<vmem>>[vector<16xi32>, vector<16xi32>, vector<16xi32>], vector<16xf32>,
          %swap3A = arith.constant 0 : i32
          %swap3A_444 = arith.index_cast %and3A_432 : i32 to index
          %swap3A_445 = arith.index_cast %swap3A : i32 to index
          %swap3A_446 = arith.constant 0 : index
          %swap3A_447 = tpu.vector_load %arg10[%swap3A_444, %swap3A_445, %swap3A_446] {strides = array<i32>} : memref<8x1x64xf32, #tpu.memory_space<vmem>>, vector<16xf32>,
          tpu.vector_store %arg10[%swap3A_444, %swap3A_445, %swap3A_446], %gather3A_443 {strides = array<i32>} : memref<8x1x64xf32, #tpu.memory_space<vmem>>, vector<16xf32>,
          %broadcast_in_dim3A_448 = arith.constant 1 : i32
          %broadcast_in_dim3A_449 = vector.broadcast %broadcast_in_dim3A_448 : i32 to vector<16xi32>
          %add3A_450 = arith.constant 16 : i32
          %add3A_451 = vector.broadcast %add3A_450 : i32 to vector<16xi32>
          %add3A_452 = arith.addi %iota3A, %add3A_451 : vector<16xi32>
          %gather3A_453 = tpu.vector_load_idx %arg9[%broadcast_in_dim3A_449, %add3A_452, %broadcast_in_dim3A_430] : memref<2x64x512xf32, #tpu.memory_space<vmem>>[vector<16xi32>, vector<16xi32>, vector<16xi32>], vector<16xf32>,
          %swap3A_454 = arith.constant 0 : i32
          %swap3A_455 = arith.index_cast %and3A_432 : i32 to index
          %swap3A_456 = arith.index_cast %swap3A_454 : i32 to index
          %swap3A_457 = arith.constant 16 : index
          %swap3A_458 = tpu.vector_load %arg10[%swap3A_455, %swap3A_456, %swap3A_457] {strides = array<i32>} : memref<8x1x64xf32, #tpu.memory_space<vmem>>, vector<16xf32>,
          tpu.vector_store %arg10[%swap3A_455, %swap3A_456, %swap3A_457], %gather3A_453 {strides = array<i32>} : memref<8x1x64xf32, #tpu.memory_space<vmem>>, vector<16xf32>,
          %broadcast_in_dim3A_459 = arith.constant 1 : i32
          %broadcast_in_dim3A_460 = vector.broadcast %broadcast_in_dim3A_459 : i32 to vector<16xi32>
          %add3A_461 = arith.constant 32 : i32
          %add3A_462 = vector.broadcast %add3A_461 : i32 to vector<16xi32>
          %add3A_463 = arith.addi %iota3A, %add3A_462 : vector<16xi32>
          %gather3A_464 = tpu.vector_load_idx %arg9[%broadcast_in_dim3A_460, %add3A_463, %broadcast_in_dim3A_430] : memref<2x64x512xf32, #tpu.memory_space<vmem>>[vector<16xi32>, vector<16xi32>, vector<16xi32>], vector<16xf32>,
          %swap3A_465 = arith.constant 0 : i32
          %swap3A_466 = arith.index_cast %and3A_432 : i32 to index
          %swap3A_467 = arith.index_cast %swap3A_465 : i32 to index
          %swap3A_468 = arith.constant 32 : index
          %swap3A_469 = tpu.vector_load %arg10[%swap3A_466, %swap3A_467, %swap3A_468] {strides = array<i32>} : memref<8x1x64xf32, #tpu.memory_space<vmem>>, vector<16xf32>,
          tpu.vector_store %arg10[%swap3A_466, %swap3A_467, %swap3A_468], %gather3A_464 {strides = array<i32>} : memref<8x1x64xf32, #tpu.memory_space<vmem>>, vector<16xf32>,
          %broadcast_in_dim3A_470 = arith.constant 1 : i32
          %broadcast_in_dim3A_471 = vector.broadcast %broadcast_in_dim3A_470 : i32 to vector<16xi32>
          %add3A_472 = arith.constant 48 : i32
          %add3A_473 = vector.broadcast %add3A_472 : i32 to vector<16xi32>
          %add3A_474 = arith.addi %iota3A, %add3A_473 : vector<16xi32>
          %gather3A_475 = tpu.vector_load_idx %arg9[%broadcast_in_dim3A_471, %add3A_474, %broadcast_in_dim3A_430] : memref<2x64x512xf32, #tpu.memory_space<vmem>>[vector<16xi32>, vector<16xi32>, vector<16xi32>], vector<16xf32>,
          %swap3A_476 = arith.constant 0 : i32
          %swap3A_477 = arith.index_cast %and3A_432 : i32 to index
          %swap3A_478 = arith.index_cast %swap3A_476 : i32 to index
          %swap3A_479 = arith.constant 48 : index
          %swap3A_480 = tpu.vector_load %arg10[%swap3A_477, %swap3A_478, %swap3A_479] {strides = array<i32>} : memref<8x1x64xf32, #tpu.memory_space<vmem>>, vector<16xf32>,
          tpu.vector_store %arg10[%swap3A_477, %swap3A_478, %swap3A_479], %gather3A_475 {strides = array<i32>} : memref<8x1x64xf32, #tpu.memory_space<vmem>>, vector<16xf32>,
          %dma_start3A_481 = arith.constant 0 : i32
          %dma_start3A_482 = arith.constant 0 : i32
          %dma_start3A_483 = tpu.memref_slice %arg10[%and3A_432, %dma_start3A_481, %dma_start3A_482] : memref<8x1x64xf32, #tpu.memory_space<vmem>> -> memref<1x1x64xf32, #tpu.memory_space<vmem>>
          %dma_start3A_484 = tpu.memref_squeeze %dma_start3A_483 : memref<1x1x64xf32, #tpu.memory_space<vmem>> -> memref<1x64xf32, #tpu.memory_space<vmem>>
          %dma_start3A_485 = arith.constant 0 : i32
          %dma_start3A_486 = tpu.memref_slice %arg4[%squeeze3A_429, %dma_start3A_485] : memref<16384x64xf32, #tpu.memory_space<hbm>> -> memref<1x64xf32, #tpu.memory_space<hbm>>
          %dma_start3A_487 = arith.constant 0 : i32
          %dma_start3A_488 = tpu.memref_slice %arg4[%squeeze3A_429, %dma_start3A_487] : memref<16384x64xf32, #tpu.memory_space<hbm>> -> memref<1x64xf32, #tpu.memory_space<hbm>>
          %dma_start3A_489 = arith.constant 0 : i32
          %dma_start3A_490 = arith.constant 0 : i32
          %dma_start3A_491 = tpu.memref_slice %arg10[%and3A_432, %dma_start3A_489, %dma_start3A_490] : memref<8x1x64xf32, #tpu.memory_space<vmem>> -> memref<1x1x64xf32, #tpu.memory_space<vmem>>
          %dma_start3A_492 = tpu.memref_squeeze %dma_start3A_491 : memref<1x1x64xf32, #tpu.memory_space<vmem>> -> memref<1x64xf32, #tpu.memory_space<vmem>>
          tpu.enqueue_dma source(%dma_start3A_492 : memref<1x64xf32, #tpu.memory_space<vmem>>) target(%dma_start3A_488 : memref<1x64xf32, #tpu.memory_space<hbm>>) target_semaphore(%arg13 : memref<!tpu.dma_semaphore, #tpu.memory_space<semaphore_mem>>)
          %ne3A = vector.broadcast %squeeze3A_419 : i32 to vector<16xi32>
          %ne3A_493 = arith.cmpi ne, %iota3A, %ne3A : vector<16xi32>
          %and3A_494 = arith.andi %while3A_416, %ne3A_493 : vector<16xi1>
          %add3A_495 = arith.constant 1 : i32
          %add3A_496 = arith.addi %while3A_417, %add3A_495 : i32
          scf.yield %and3A_494, %add3A_496 : vector<16xi1>, i32
        }
        scf.yield %while3A_415#1 : i32
      }
      %mul3A_341 = arith.constant 2 : i32
      %mul3A_342 = arith.muli %mul3A_341, %scan3A_222 : i32
      %add3A_343 = arith.constant 3 : i32
      %add3A_344 = arith.addi %mul3A_342, %add3A_343 : i32
      %mul3A_345 = arith.constant 4 : i32
      %mul3A_346 = arith.muli %add3A_344, %mul3A_345 : i32
      %add3A_347 = arith.constant 0 : i32
      %add3A_348 = arith.addi %mul3A_346, %add3A_347 : i32
      %broadcast_in_dim3A_349 = vector.broadcast %add3A_348 : i32 to vector<16xi32>
      %gather3A_350 = tpu.vector_load_idx %arg8[%broadcast_in_dim3A_349] : memref<256xi32, #tpu.memory_space<vmem>>[vector<16xi32>], vector<16xi32>,
      %slice3A_351 = vector.extract_strided_slice %gather3A_350 {offsets = [0], sizes = [1], strides = [1]} : vector<16xi32> to vector<1xi32>
      %squeeze3A_352 = vector.extract %slice3A_351[0] : i32 from vector<1xi32>
      %gt3A_353 = arith.constant 0 : i32
      %gt3A_354 = arith.cmpi sgt, %squeeze3A_352, %gt3A_353 : i32
      %convert_element_type3A_355 = arith.extui %gt3A_354 : i1 to i32
      %cond3A_356 = arith.constant 0 : i32
      %cond3A_357 = arith.cmpi ne, %convert_element_type3A_355, %cond3A_356 : i32
      scf.if %cond3A_357 {
        %mul3A_402 = arith.constant 4 : i32
        %mul3A_403 = arith.muli %add3A_344, %mul3A_402 : i32
        %add3A_404 = arith.addi %mul3A_2, %mul3A_403 : i32
        %add3A_405 = arith.constant 0 : i32
        %add3A_406 = arith.addi %add3A_404, %add3A_405 : i32
        %mul3A_407 = arith.constant 128 : i32
        %mul3A_408 = arith.muli %add3A_406, %mul3A_407 : i32
        %multiple_of3A_409 = tpu.assume_multiple %mul3A_408, 128 : i32
        %dma_start3A_410 = arith.constant 1 : i32
        %dma_start3A_411 = arith.constant 0 : i32
        %dma_start3A_412 = arith.constant 0 : i32
        %dma_start3A_413 = tpu.memref_slice %arg9[%dma_start3A_410, %dma_start3A_411, %dma_start3A_412] : memref<2x64x512xf32, #tpu.memory_space<vmem>> -> memref<1x64x128xf32, #tpu.memory_space<vmem>>
        %dma_start3A_414 = tpu.memref_squeeze %dma_start3A_413 : memref<1x64x128xf32, #tpu.memory_space<vmem>> -> memref<64x128xf32, #tpu.memory_space<vmem>>
        %dma_start3A_415 = arith.constant 0 : i32
        %dma_start3A_416 = tpu.memref_slice %arg3[%dma_start3A_415, %multiple_of3A_409] : memref<64x1000000xf32, #tpu.memory_space<hbm>> -> memref<64x128xf32, #tpu.memory_space<hbm>>
        %dma_start3A_417 = arith.constant 0 : i32
        %dma_start3A_418 = arith.constant 0 : i32
        %dma_start3A_419 = tpu.memref_slice %arg9[%dma_start3A_410, %dma_start3A_417, %dma_start3A_418] : memref<2x64x512xf32, #tpu.memory_space<vmem>> -> memref<1x64x128xf32, #tpu.memory_space<vmem>>
        %dma_start3A_420 = tpu.memref_squeeze %dma_start3A_419 : memref<1x64x128xf32, #tpu.memory_space<vmem>> -> memref<64x128xf32, #tpu.memory_space<vmem>>
        %dma_start3A_421 = arith.constant 0 : i32
        %dma_start3A_422 = tpu.memref_slice %arg3[%dma_start3A_421, %multiple_of3A_409] : memref<64x1000000xf32, #tpu.memory_space<hbm>> -> memref<64x128xf32, #tpu.memory_space<hbm>>
        tpu.enqueue_dma source(%dma_start3A_422 : memref<64x128xf32, #tpu.memory_space<hbm>>) target(%dma_start3A_420 : memref<64x128xf32, #tpu.memory_space<vmem>>) target_semaphore(%arg12 : memref<!tpu.dma_semaphore, #tpu.memory_space<semaphore_mem>>)
      } else {
      }
      %add3A_358 = arith.constant 0 : i32
      %add3A_359 = arith.addi %add3A_358, %squeeze3A_352 : i32
      %mul3A_360 = arith.constant 4 : i32
      %mul3A_361 = arith.muli %add3A_344, %mul3A_360 : i32
      %add3A_362 = arith.constant 1 : i32
      %add3A_363 = arith.addi %mul3A_361, %add3A_362 : i32
      %broadcast_in_dim3A_364 = vector.broadcast %add3A_363 : i32 to vector<16xi32>
      %gather3A_365 = tpu.vector_load_idx %arg8[%broadcast_in_dim3A_364] : memref<256xi32, #tpu.memory_space<vmem>>[vector<16xi32>], vector<16xi32>,
      %slice3A_366 = vector.extract_strided_slice %gather3A_365 {offsets = [0], sizes = [1], strides = [1]} : vector<16xi32> to vector<1xi32>
      %squeeze3A_367 = vector.extract %slice3A_366[0] : i32 from vector<1xi32>
      %gt3A_368 = arith.constant 0 : i32
      %gt3A_369 = arith.cmpi sgt, %squeeze3A_367, %gt3A_368 : i32
      %convert_element_type3A_370 = arith.extui %gt3A_369 : i1 to i32
      %cond3A_371 = arith.constant 0 : i32
      %cond3A_372 = arith.cmpi ne, %convert_element_type3A_370, %cond3A_371 : i32
      scf.if %cond3A_372 {
        %mul3A_402 = arith.constant 4 : i32
        %mul3A_403 = arith.muli %add3A_344, %mul3A_402 : i32
        %add3A_404 = arith.addi %mul3A_2, %mul3A_403 : i32
        %add3A_405 = arith.constant 1 : i32
        %add3A_406 = arith.addi %add3A_404, %add3A_405 : i32
        %mul3A_407 = arith.constant 128 : i32
        %mul3A_408 = arith.muli %add3A_406, %mul3A_407 : i32
        %multiple_of3A_409 = tpu.assume_multiple %mul3A_408, 128 : i32
        %dma_start3A_410 = arith.constant 1 : i32
        %dma_start3A_411 = arith.constant 0 : i32
        %dma_start3A_412 = arith.constant 128 : i32
        %dma_start3A_413 = tpu.memref_slice %arg9[%dma_start3A_410, %dma_start3A_411, %dma_start3A_412] : memref<2x64x512xf32, #tpu.memory_space<vmem>> -> memref<1x64x128xf32, #tpu.memory_space<vmem>>
        %dma_start3A_414 = tpu.memref_squeeze %dma_start3A_413 : memref<1x64x128xf32, #tpu.memory_space<vmem>> -> memref<64x128xf32, #tpu.memory_space<vmem>>
        %dma_start3A_415 = arith.constant 0 : i32
        %dma_start3A_416 = tpu.memref_slice %arg3[%dma_start3A_415, %multiple_of3A_409] : memref<64x1000000xf32, #tpu.memory_space<hbm>> -> memref<64x128xf32, #tpu.memory_space<hbm>>
        %dma_start3A_417 = arith.constant 0 : i32
        %dma_start3A_418 = arith.constant 128 : i32
        %dma_start3A_419 = tpu.memref_slice %arg9[%dma_start3A_410, %dma_start3A_417, %dma_start3A_418] : memref<2x64x512xf32, #tpu.memory_space<vmem>> -> memref<1x64x128xf32, #tpu.memory_space<vmem>>
        %dma_start3A_420 = tpu.memref_squeeze %dma_start3A_419 : memref<1x64x128xf32, #tpu.memory_space<vmem>> -> memref<64x128xf32, #tpu.memory_space<vmem>>
        %dma_start3A_421 = arith.constant 0 : i32
        %dma_start3A_422 = tpu.memref_slice %arg3[%dma_start3A_421, %multiple_of3A_409] : memref<64x1000000xf32, #tpu.memory_space<hbm>> -> memref<64x128xf32, #tpu.memory_space<hbm>>
        tpu.enqueue_dma source(%dma_start3A_422 : memref<64x128xf32, #tpu.memory_space<hbm>>) target(%dma_start3A_420 : memref<64x128xf32, #tpu.memory_space<vmem>>) target_semaphore(%arg12 : memref<!tpu.dma_semaphore, #tpu.memory_space<semaphore_mem>>)
      } else {
      }
      %add3A_373 = arith.addi %add3A_359, %squeeze3A_367 : i32
      %mul3A_374 = arith.constant 4 : i32
      %mul3A_375 = arith.muli %add3A_344, %mul3A_374 : i32
      %add3A_376 = arith.constant 2 : i32
      %add3A_377 = arith.addi %mul3A_375, %add3A_376 : i32
      %broadcast_in_dim3A_378 = vector.broadcast %add3A_377 : i32 to vector<16xi32>
      %gather3A_379 = tpu.vector_load_idx %arg8[%broadcast_in_dim3A_378] : memref<256xi32, #tpu.memory_space<vmem>>[vector<16xi32>], vector<16xi32>,
      %slice3A_380 = vector.extract_strided_slice %gather3A_379 {offsets = [0], sizes = [1], strides = [1]} : vector<16xi32> to vector<1xi32>
      %squeeze3A_381 = vector.extract %slice3A_380[0] : i32 from vector<1xi32>
      %gt3A_382 = arith.constant 0 : i32
      %gt3A_383 = arith.cmpi sgt, %squeeze3A_381, %gt3A_382 : i32
      %convert_element_type3A_384 = arith.extui %gt3A_383 : i1 to i32
      %cond3A_385 = arith.constant 0 : i32
      %cond3A_386 = arith.cmpi ne, %convert_element_type3A_384, %cond3A_385 : i32
      scf.if %cond3A_386 {
        %mul3A_402 = arith.constant 4 : i32
        %mul3A_403 = arith.muli %add3A_344, %mul3A_402 : i32
        %add3A_404 = arith.addi %mul3A_2, %mul3A_403 : i32
        %add3A_405 = arith.constant 2 : i32
        %add3A_406 = arith.addi %add3A_404, %add3A_405 : i32
        %mul3A_407 = arith.constant 128 : i32
        %mul3A_408 = arith.muli %add3A_406, %mul3A_407 : i32
        %multiple_of3A_409 = tpu.assume_multiple %mul3A_408, 128 : i32
        %dma_start3A_410 = arith.constant 1 : i32
        %dma_start3A_411 = arith.constant 0 : i32
        %dma_start3A_412 = arith.constant 256 : i32
        %dma_start3A_413 = tpu.memref_slice %arg9[%dma_start3A_410, %dma_start3A_411, %dma_start3A_412] : memref<2x64x512xf32, #tpu.memory_space<vmem>> -> memref<1x64x128xf32, #tpu.memory_space<vmem>>
        %dma_start3A_414 = tpu.memref_squeeze %dma_start3A_413 : memref<1x64x128xf32, #tpu.memory_space<vmem>> -> memref<64x128xf32, #tpu.memory_space<vmem>>
        %dma_start3A_415 = arith.constant 0 : i32
        %dma_start3A_416 = tpu.memref_slice %arg3[%dma_start3A_415, %multiple_of3A_409] : memref<64x1000000xf32, #tpu.memory_space<hbm>> -> memref<64x128xf32, #tpu.memory_space<hbm>>
        %dma_start3A_417 = arith.constant 0 : i32
        %dma_start3A_418 = arith.constant 256 : i32
        %dma_start3A_419 = tpu.memref_slice %arg9[%dma_start3A_410, %dma_start3A_417, %dma_start3A_418] : memref<2x64x512xf32, #tpu.memory_space<vmem>> -> memref<1x64x128xf32, #tpu.memory_space<vmem>>
        %dma_start3A_420 = tpu.memref_squeeze %dma_start3A_419 : memref<1x64x128xf32, #tpu.memory_space<vmem>> -> memref<64x128xf32, #tpu.memory_space<vmem>>
        %dma_start3A_421 = arith.constant 0 : i32
        %dma_start3A_422 = tpu.memref_slice %arg3[%dma_start3A_421, %multiple_of3A_409] : memref<64x1000000xf32, #tpu.memory_space<hbm>> -> memref<64x128xf32, #tpu.memory_space<hbm>>
        tpu.enqueue_dma source(%dma_start3A_422 : memref<64x128xf32, #tpu.memory_space<hbm>>) target(%dma_start3A_420 : memref<64x128xf32, #tpu.memory_space<vmem>>) target_semaphore(%arg12 : memref<!tpu.dma_semaphore, #tpu.memory_space<semaphore_mem>>)
      } else {
      }
      %add3A_387 = arith.addi %add3A_373, %squeeze3A_381 : i32
      %mul3A_388 = arith.constant 4 : i32
      %mul3A_389 = arith.muli %add3A_344, %mul3A_388 : i32
      %add3A_390 = arith.constant 3 : i32
      %add3A_391 = arith.addi %mul3A_389, %add3A_390 : i32
      %broadcast_in_dim3A_392 = vector.broadcast %add3A_391 : i32 to vector<16xi32>
      %gather3A_393 = tpu.vector_load_idx %arg8[%broadcast_in_dim3A_392] : memref<256xi32, #tpu.memory_space<vmem>>[vector<16xi32>], vector<16xi32>,
      %slice3A_394 = vector.extract_strided_slice %gather3A_393 {offsets = [0], sizes = [1], strides = [1]} : vector<16xi32> to vector<1xi32>
      %squeeze3A_395 = vector.extract %slice3A_394[0] : i32 from vector<1xi32>
      %gt3A_396 = arith.constant 0 : i32
      %gt3A_397 = arith.cmpi sgt, %squeeze3A_395, %gt3A_396 : i32
      %convert_element_type3A_398 = arith.extui %gt3A_397 : i1 to i32
      %cond3A_399 = arith.constant 0 : i32
      %cond3A_400 = arith.cmpi ne, %convert_element_type3A_398, %cond3A_399 : i32
      scf.if %cond3A_400 {
        %mul3A_402 = arith.constant 4 : i32
        %mul3A_403 = arith.muli %add3A_344, %mul3A_402 : i32
        %add3A_404 = arith.addi %mul3A_2, %mul3A_403 : i32
        %add3A_405 = arith.constant 3 : i32
        %add3A_406 = arith.addi %add3A_404, %add3A_405 : i32
        %mul3A_407 = arith.constant 128 : i32
        %mul3A_408 = arith.muli %add3A_406, %mul3A_407 : i32
        %multiple_of3A_409 = tpu.assume_multiple %mul3A_408, 128 : i32
        %dma_start3A_410 = arith.constant 1 : i32
        %dma_start3A_411 = arith.constant 0 : i32
        %dma_start3A_412 = arith.constant 384 : i32
        %dma_start3A_413 = tpu.memref_slice %arg9[%dma_start3A_410, %dma_start3A_411, %dma_start3A_412] : memref<2x64x512xf32, #tpu.memory_space<vmem>> -> memref<1x64x128xf32, #tpu.memory_space<vmem>>
        %dma_start3A_414 = tpu.memref_squeeze %dma_start3A_413 : memref<1x64x128xf32, #tpu.memory_space<vmem>> -> memref<64x128xf32, #tpu.memory_space<vmem>>
        %dma_start3A_415 = arith.constant 0 : i32
        %dma_start3A_416 = tpu.memref_slice %arg3[%dma_start3A_415, %multiple_of3A_409] : memref<64x1000000xf32, #tpu.memory_space<hbm>> -> memref<64x128xf32, #tpu.memory_space<hbm>>
        %dma_start3A_417 = arith.constant 0 : i32
        %dma_start3A_418 = arith.constant 384 : i32
        %dma_start3A_419 = tpu.memref_slice %arg9[%dma_start3A_410, %dma_start3A_417, %dma_start3A_418] : memref<2x64x512xf32, #tpu.memory_space<vmem>> -> memref<1x64x128xf32, #tpu.memory_space<vmem>>
        %dma_start3A_420 = tpu.memref_squeeze %dma_start3A_419 : memref<1x64x128xf32, #tpu.memory_space<vmem>> -> memref<64x128xf32, #tpu.memory_space<vmem>>
        %dma_start3A_421 = arith.constant 0 : i32
        %dma_start3A_422 = tpu.memref_slice %arg3[%dma_start3A_421, %multiple_of3A_409] : memref<64x1000000xf32, #tpu.memory_space<hbm>> -> memref<64x128xf32, #tpu.memory_space<hbm>>
        tpu.enqueue_dma source(%dma_start3A_422 : memref<64x128xf32, #tpu.memory_space<hbm>>) target(%dma_start3A_420 : memref<64x128xf32, #tpu.memory_space<vmem>>) target_semaphore(%arg12 : memref<!tpu.dma_semaphore, #tpu.memory_space<semaphore_mem>>)
      } else {
      }
      %add3A_401 = arith.addi %add3A_387, %squeeze3A_395 : i32
      scf.yield %while3A_340, %add3A_310, %add3A_401 : i32, i32, i32
    }
    %scan3A_190 = arith.constant 31 : i32
    %while3A = arith.constant 0 : i32
    %while3A_191 = arith.constant 0 : i32
    %while3A_192 = arith.subi %scan3A_189#1, %while3A_191 : i32
    %while3A_193 = arith.addi %while3A_191, %while3A_192 : i32
    %while3A_194 = arith.constant 1 : i32
    %while3A_195 = arith.divsi %while3A_192, %while3A_194 : i32
    %while3A_196 = arith.muli %while3A_195, %while3A_194 : i32
    %while3A_197 = arith.addi %while3A_191, %while3A_196 : i32
    %while3A_198 = arith.constant 1 : i32
    scf.for %while3A_222 = %while3A_191 to %while3A_197 step %while3A_198  : i32 {
      %dma_wait3A = arith.constant 0 : i32
      %dma_wait3A_223 = arith.constant 0 : i32
      %dma_wait3A_224 = arith.constant 0 : i32
      %dma_wait3A_225 = tpu.memref_slice %arg9[%dma_wait3A, %dma_wait3A_223, %dma_wait3A_224] : memref<2x64x512xf32, #tpu.memory_space<vmem>> -> memref<1x64x128xf32, #tpu.memory_space<vmem>>
      %dma_wait3A_226 = tpu.memref_squeeze %dma_wait3A_225 : memref<1x64x128xf32, #tpu.memory_space<vmem>> -> memref<64x128xf32, #tpu.memory_space<vmem>>
      %dma_wait3A_227 = arith.constant 0 : i32
      %dma_wait3A_228 = arith.constant 0 : i32
      %dma_wait3A_229 = tpu.memref_slice %arg3[%dma_wait3A_227, %dma_wait3A_228] : memref<64x1000000xf32, #tpu.memory_space<hbm>> -> memref<64x128xf32, #tpu.memory_space<hbm>>
      %dma_wait3A_230 = arith.constant 0 : i32
      %dma_wait3A_231 = arith.constant 0 : i32
      %dma_wait3A_232 = tpu.memref_slice %arg9[%dma_wait3A, %dma_wait3A_230, %dma_wait3A_231] : memref<2x64x512xf32, #tpu.memory_space<vmem>> -> memref<1x64x128xf32, #tpu.memory_space<vmem>>
      %dma_wait3A_233 = tpu.memref_squeeze %dma_wait3A_232 : memref<1x64x128xf32, #tpu.memory_space<vmem>> -> memref<64x128xf32, #tpu.memory_space<vmem>>
      %dma_wait3A_234 = arith.constant 0 : i32
      %dma_wait3A_235 = arith.constant 0 : i32
      %dma_wait3A_236 = tpu.memref_slice %arg3[%dma_wait3A_234, %dma_wait3A_235] : memref<64x1000000xf32, #tpu.memory_space<hbm>> -> memref<64x128xf32, #tpu.memory_space<hbm>>
      tpu.wait_dma2 semaphore(%arg11 : memref<!tpu.dma_semaphore, #tpu.memory_space<semaphore_mem>>) src(%dma_wait3A_236 : memref<64x128xf32, #tpu.memory_space<hbm>>) dst(%dma_wait3A_233 : memref<64x128xf32, #tpu.memory_space<vmem>>)
    }
    %while3A_199 = arith.constant 1 : i32
    scf.for %while3A_222 = %while3A_197 to %while3A_193 step %while3A_199  : i32 {
      %dma_wait3A = arith.constant 0 : i32
      %dma_wait3A_223 = arith.constant 0 : i32
      %dma_wait3A_224 = arith.constant 0 : i32
      %dma_wait3A_225 = tpu.memref_slice %arg9[%dma_wait3A, %dma_wait3A_223, %dma_wait3A_224] : memref<2x64x512xf32, #tpu.memory_space<vmem>> -> memref<1x64x128xf32, #tpu.memory_space<vmem>>
      %dma_wait3A_226 = tpu.memref_squeeze %dma_wait3A_225 : memref<1x64x128xf32, #tpu.memory_space<vmem>> -> memref<64x128xf32, #tpu.memory_space<vmem>>
      %dma_wait3A_227 = arith.constant 0 : i32
      %dma_wait3A_228 = arith.constant 0 : i32
      %dma_wait3A_229 = tpu.memref_slice %arg3[%dma_wait3A_227, %dma_wait3A_228] : memref<64x1000000xf32, #tpu.memory_space<hbm>> -> memref<64x128xf32, #tpu.memory_space<hbm>>
      %dma_wait3A_230 = arith.constant 0 : i32
      %dma_wait3A_231 = arith.constant 0 : i32
      %dma_wait3A_232 = tpu.memref_slice %arg9[%dma_wait3A, %dma_wait3A_230, %dma_wait3A_231] : memref<2x64x512xf32, #tpu.memory_space<vmem>> -> memref<1x64x128xf32, #tpu.memory_space<vmem>>
      %dma_wait3A_233 = tpu.memref_squeeze %dma_wait3A_232 : memref<1x64x128xf32, #tpu.memory_space<vmem>> -> memref<64x128xf32, #tpu.memory_space<vmem>>
      %dma_wait3A_234 = arith.constant 0 : i32
      %dma_wait3A_235 = arith.constant 0 : i32
      %dma_wait3A_236 = tpu.memref_slice %arg3[%dma_wait3A_234, %dma_wait3A_235] : memref<64x1000000xf32, #tpu.memory_space<hbm>> -> memref<64x128xf32, #tpu.memory_space<hbm>>
      tpu.wait_dma2 semaphore(%arg11 : memref<!tpu.dma_semaphore, #tpu.memory_space<semaphore_mem>>) src(%dma_wait3A_236 : memref<64x128xf32, #tpu.memory_space<hbm>>) dst(%dma_wait3A_233 : memref<64x128xf32, #tpu.memory_space<vmem>>)
    }
    %while3A_200 = arith.constant 0 : i32
    %while3A_201 = arith.constant 0 : i32
    %while3A_202 = arith.subi %scan3A_189#2, %while3A_201 : i32
    %while3A_203 = arith.addi %while3A_201, %while3A_202 : i32
    %while3A_204 = arith.constant 1 : i32
    %while3A_205 = arith.divsi %while3A_202, %while3A_204 : i32
    %while3A_206 = arith.muli %while3A_205, %while3A_204 : i32
    %while3A_207 = arith.addi %while3A_201, %while3A_206 : i32
    %while3A_208 = arith.constant 1 : i32
    scf.for %while3A_222 = %while3A_201 to %while3A_207 step %while3A_208  : i32 {
      %dma_wait3A = arith.constant 1 : i32
      %dma_wait3A_223 = arith.constant 0 : i32
      %dma_wait3A_224 = arith.constant 0 : i32
      %dma_wait3A_225 = tpu.memref_slice %arg9[%dma_wait3A, %dma_wait3A_223, %dma_wait3A_224] : memref<2x64x512xf32, #tpu.memory_space<vmem>> -> memref<1x64x128xf32, #tpu.memory_space<vmem>>
      %dma_wait3A_226 = tpu.memref_squeeze %dma_wait3A_225 : memref<1x64x128xf32, #tpu.memory_space<vmem>> -> memref<64x128xf32, #tpu.memory_space<vmem>>
      %dma_wait3A_227 = arith.constant 0 : i32
      %dma_wait3A_228 = arith.constant 0 : i32
      %dma_wait3A_229 = tpu.memref_slice %arg3[%dma_wait3A_227, %dma_wait3A_228] : memref<64x1000000xf32, #tpu.memory_space<hbm>> -> memref<64x128xf32, #tpu.memory_space<hbm>>
      %dma_wait3A_230 = arith.constant 0 : i32
      %dma_wait3A_231 = arith.constant 0 : i32
      %dma_wait3A_232 = tpu.memref_slice %arg9[%dma_wait3A, %dma_wait3A_230, %dma_wait3A_231] : memref<2x64x512xf32, #tpu.memory_space<vmem>> -> memref<1x64x128xf32, #tpu.memory_space<vmem>>
      %dma_wait3A_233 = tpu.memref_squeeze %dma_wait3A_232 : memref<1x64x128xf32, #tpu.memory_space<vmem>> -> memref<64x128xf32, #tpu.memory_space<vmem>>
      %dma_wait3A_234 = arith.constant 0 : i32
      %dma_wait3A_235 = arith.constant 0 : i32
      %dma_wait3A_236 = tpu.memref_slice %arg3[%dma_wait3A_234, %dma_wait3A_235] : memref<64x1000000xf32, #tpu.memory_space<hbm>> -> memref<64x128xf32, #tpu.memory_space<hbm>>
      tpu.wait_dma2 semaphore(%arg12 : memref<!tpu.dma_semaphore, #tpu.memory_space<semaphore_mem>>) src(%dma_wait3A_236 : memref<64x128xf32, #tpu.memory_space<hbm>>) dst(%dma_wait3A_233 : memref<64x128xf32, #tpu.memory_space<vmem>>)
    }
    %while3A_209 = arith.constant 1 : i32
    scf.for %while3A_222 = %while3A_207 to %while3A_203 step %while3A_209  : i32 {
      %dma_wait3A = arith.constant 1 : i32
      %dma_wait3A_223 = arith.constant 0 : i32
      %dma_wait3A_224 = arith.constant 0 : i32
      %dma_wait3A_225 = tpu.memref_slice %arg9[%dma_wait3A, %dma_wait3A_223, %dma_wait3A_224] : memref<2x64x512xf32, #tpu.memory_space<vmem>> -> memref<1x64x128xf32, #tpu.memory_space<vmem>>
      %dma_wait3A_226 = tpu.memref_squeeze %dma_wait3A_225 : memref<1x64x128xf32, #tpu.memory_space<vmem>> -> memref<64x128xf32, #tpu.memory_space<vmem>>
      %dma_wait3A_227 = arith.constant 0 : i32
      %dma_wait3A_228 = arith.constant 0 : i32
      %dma_wait3A_229 = tpu.memref_slice %arg3[%dma_wait3A_227, %dma_wait3A_228] : memref<64x1000000xf32, #tpu.memory_space<hbm>> -> memref<64x128xf32, #tpu.memory_space<hbm>>
      %dma_wait3A_230 = arith.constant 0 : i32
      %dma_wait3A_231 = arith.constant 0 : i32
      %dma_wait3A_232 = tpu.memref_slice %arg9[%dma_wait3A, %dma_wait3A_230, %dma_wait3A_231] : memref<2x64x512xf32, #tpu.memory_space<vmem>> -> memref<1x64x128xf32, #tpu.memory_space<vmem>>
      %dma_wait3A_233 = tpu.memref_squeeze %dma_wait3A_232 : memref<1x64x128xf32, #tpu.memory_space<vmem>> -> memref<64x128xf32, #tpu.memory_space<vmem>>
      %dma_wait3A_234 = arith.constant 0 : i32
      %dma_wait3A_235 = arith.constant 0 : i32
      %dma_wait3A_236 = tpu.memref_slice %arg3[%dma_wait3A_234, %dma_wait3A_235] : memref<64x1000000xf32, #tpu.memory_space<hbm>> -> memref<64x128xf32, #tpu.memory_space<hbm>>
      tpu.wait_dma2 semaphore(%arg12 : memref<!tpu.dma_semaphore, #tpu.memory_space<semaphore_mem>>) src(%dma_wait3A_236 : memref<64x128xf32, #tpu.memory_space<hbm>>) dst(%dma_wait3A_233 : memref<64x128xf32, #tpu.memory_space<vmem>>)
    }
    %min3A_210 = arith.constant 8 : i32
    %min3A_211 = arith.minsi %scan3A_189#0, %min3A_210 : i32
    %while3A_212 = arith.constant 0 : i32
    %while3A_213 = arith.constant 0 : i32
    %while3A_214 = arith.subi %min3A_211, %while3A_213 : i32
    %while3A_215 = arith.addi %while3A_213, %while3A_214 : i32
    %while3A_216 = arith.constant 1 : i32
    %while3A_217 = arith.divsi %while3A_214, %while3A_216 : i32
    %while3A_218 = arith.muli %while3A_217, %while3A_216 : i32
    %while3A_219 = arith.addi %while3A_213, %while3A_218 : i32
    %while3A_220 = arith.constant 1 : i32
    scf.for %while3A_222 = %while3A_213 to %while3A_219 step %while3A_220  : i32 {
      %dma_wait3A = arith.constant 0 : i32
      %dma_wait3A_223 = arith.constant 0 : i32
      %dma_wait3A_224 = arith.constant 0 : i32
      %dma_wait3A_225 = tpu.memref_slice %arg10[%dma_wait3A, %dma_wait3A_223, %dma_wait3A_224] : memref<8x1x64xf32, #tpu.memory_space<vmem>> -> memref<1x1x64xf32, #tpu.memory_space<vmem>>
      %dma_wait3A_226 = tpu.memref_squeeze %dma_wait3A_225 : memref<1x1x64xf32, #tpu.memory_space<vmem>> -> memref<1x64xf32, #tpu.memory_space<vmem>>
      %dma_wait3A_227 = arith.constant 0 : i32
      %dma_wait3A_228 = arith.constant 0 : i32
      %dma_wait3A_229 = tpu.memref_slice %arg4[%dma_wait3A_227, %dma_wait3A_228] : memref<16384x64xf32, #tpu.memory_space<hbm>> -> memref<1x64xf32, #tpu.memory_space<hbm>>
      %dma_wait3A_230 = arith.constant 0 : i32
      %dma_wait3A_231 = arith.constant 0 : i32
      %dma_wait3A_232 = tpu.memref_slice %arg4[%dma_wait3A_230, %dma_wait3A_231] : memref<16384x64xf32, #tpu.memory_space<hbm>> -> memref<1x64xf32, #tpu.memory_space<hbm>>
      %dma_wait3A_233 = arith.constant 0 : i32
      %dma_wait3A_234 = arith.constant 0 : i32
      %dma_wait3A_235 = tpu.memref_slice %arg10[%dma_wait3A, %dma_wait3A_233, %dma_wait3A_234] : memref<8x1x64xf32, #tpu.memory_space<vmem>> -> memref<1x1x64xf32, #tpu.memory_space<vmem>>
      %dma_wait3A_236 = tpu.memref_squeeze %dma_wait3A_235 : memref<1x1x64xf32, #tpu.memory_space<vmem>> -> memref<1x64xf32, #tpu.memory_space<vmem>>
      tpu.wait_dma2 semaphore(%arg13 : memref<!tpu.dma_semaphore, #tpu.memory_space<semaphore_mem>>) src(%dma_wait3A_236 : memref<1x64xf32, #tpu.memory_space<vmem>>) dst(%dma_wait3A_232 : memref<1x64xf32, #tpu.memory_space<hbm>>)
    }
    %while3A_221 = arith.constant 1 : i32
    scf.for %while3A_222 = %while3A_219 to %while3A_215 step %while3A_221  : i32 {
      %dma_wait3A = arith.constant 0 : i32
      %dma_wait3A_223 = arith.constant 0 : i32
      %dma_wait3A_224 = arith.constant 0 : i32
      %dma_wait3A_225 = tpu.memref_slice %arg10[%dma_wait3A, %dma_wait3A_223, %dma_wait3A_224] : memref<8x1x64xf32, #tpu.memory_space<vmem>> -> memref<1x1x64xf32, #tpu.memory_space<vmem>>
      %dma_wait3A_226 = tpu.memref_squeeze %dma_wait3A_225 : memref<1x1x64xf32, #tpu.memory_space<vmem>> -> memref<1x64xf32, #tpu.memory_space<vmem>>
      %dma_wait3A_227 = arith.constant 0 : i32
      %dma_wait3A_228 = arith.constant 0 : i32
      %dma_wait3A_229 = tpu.memref_slice %arg4[%dma_wait3A_227, %dma_wait3A_228] : memref<16384x64xf32, #tpu.memory_space<hbm>> -> memref<1x64xf32, #tpu.memory_space<hbm>>
      %dma_wait3A_230 = arith.constant 0 : i32
      %dma_wait3A_231 = arith.constant 0 : i32
      %dma_wait3A_232 = tpu.memref_slice %arg4[%dma_wait3A_230, %dma_wait3A_231] : memref<16384x64xf32, #tpu.memory_space<hbm>> -> memref<1x64xf32, #tpu.memory_space<hbm>>
      %dma_wait3A_233 = arith.constant 0 : i32
      %dma_wait3A_234 = arith.constant 0 : i32
      %dma_wait3A_235 = tpu.memref_slice %arg10[%dma_wait3A, %dma_wait3A_233, %dma_wait3A_234] : memref<8x1x64xf32, #tpu.memory_space<vmem>> -> memref<1x1x64xf32, #tpu.memory_space<vmem>>
      %dma_wait3A_236 = tpu.memref_squeeze %dma_wait3A_235 : memref<1x1x64xf32, #tpu.memory_space<vmem>> -> memref<1x64xf32, #tpu.memory_space<vmem>>
      tpu.wait_dma2 semaphore(%arg13 : memref<!tpu.dma_semaphore, #tpu.memory_space<semaphore_mem>>) src(%dma_wait3A_236 : memref<1x64xf32, #tpu.memory_space<vmem>>) dst(%dma_wait3A_232 : memref<1x64xf32, #tpu.memory_space<hbm>>)
    }
    return
  }
}

</mosaic_0001>

<sc_bundles>
// kernel: kernel.3.cloned.1.call-start
scs
__scs_entry_jumppad:
0x0: {  	(pc) =	sbr.rel $0x88, $3  }
0x1: {  	(tag) =	ssettag $0x0;
	lr =	simm.s32 $0x1  }
0x2: {  	[smem:$0x3F9F] =	sst lr;
	_ =	strace $0xD0000000  }
0x3: {  	_ = 	snop  }
0x4: {  	_ = 	snop  }
0x5: {  	_ = 	snop  }
0x6: {  	_ = 	snop  }
0x7: {  	_ = 	snop  }
__scs_overlays_trampoline_lowered:
0x8: {  	[smem:$0x3FAE] =	sst s0  }
0x9: {  	[smem:$0x3FAF] =	sst s1  }
0xa: {  	[smem:$0x3FB0] =	sst s2  }
0xb: {  	[smem:$0x3FB1] =	sst s3  }
0xc: {  	[smem:$0x3FB2] =	sst s4  }
0xd: {  	[smem:$0x3FB3] =	sst s5  }
0xe: {  	[smem:$0x3FB4] =	sst s6  }
0xf: {  	[smem:$0x3FB5] =	sst s7  }
0x10: {  	[smem:$0x3FB6] =	sst s8  }
0x11: {  	[smem:$0x3FB7] =	sst s9;
	s0 =	simm.s32 @!p0 $0x0  }
0x12: {  	s1 =	sld [smem:$0x3F9D];
	s0 =	simm.s32 @p0 $0x1  }
0x13: {  	[smem:$0x3FB8] =	sst s0;
	s0 =	simm.s32 @!p1 $0x0  }
0x14: {  	s2 =	sld [smem:$0x3F9C];
	s0 =	simm.s32 @p1 $0x1  }
0x15: {  	[smem:$0x3FB9] =	sst s0;
	s0 =	simm.s32 @!p2 $0x0  }
0x16: {  	s3 =	sld [smem:$0x3FDB];
	s0 =	simm.s32 @p2 $0x1  }
0x17: {  	s4 =	simm.s32 $0x1BF5;
	[smem:$0x3FBB] =	sst s0  }
0x18: {  	s0 =	sld [smem:$0x3F9E];
	_ =	swait.ge [sflag:s4], $0x0  }
0x19: {  	s7 =	sld [smem:$0x3F9F]  }
0x1a: {  	s8 =	sadd.s32 $0xFFFFE003, lr  }
0x1b: {  	s9 =	sadd.s32 $0xFFFFFEF7, lr;
	s5 =	simm.s32 $0xFFFFFFFF;
	p2 =	slt.u32 s8, $0xFFFFF086  }
0x1c: {  	p1 =	slt.u32 s9, $0xF7A;
	s5 =	simm.s32 @!p2 $0x0  }
0x1d: {  	s5 =	simm.s32 @p1 $0x1;
	p0 =	seq.s32 s7, s2  }
0x1e: {  	s7 =	smul.u32 @!p0 $0xF7A, s2;
	p2 =	seq.s32 @!p0 s5, $0x0  }
0x1f: {  	s9 =	smul.u32 $0xF7A, s1;
	s8 =	simm.s32 @!p0 $0x1BF5;
	p2 =	por !p2, p0  }
0x20: {  	[sflag:s8] =	ssyncset.s32 @!p0 $0xFFFFF086;
	s6 =	sadd.s32 @!p0 s3, s7;
	s7 =	simm.s32 @!p0 $0x108  }
0x21: {  	s3 =	sadd.s32 s3, s9;
	s6 =	sadd.s32 @!p0 $0x88, s6;
	s7 =	simm.s32 @p2 $0x1082  }
0x22: {  	[simem:s7], [sflag:s8] =	dma.local @!p0 [hbm:s6], $0xF7A  }
0x23: {  	s9 =	sor.u32 $0xD0000000, s2;
	s6 =	simm.s32 $0x108;
	_ =	swait.ge @!p0 [sflag:s8], $0x0  }
0x24: {  	s3 =	sadd.s32 $0x88, s3;
	s6 =	simm.s32 @!p1 $0x1082;
	[sflag:s4] =	ssyncset.s32 $0xFFFFF086  }
0x25: {  	[simem:s6], [sflag:s4] =	dma.local [hbm:s3], $0xF7A  }
0x26: {  	[smem:$0x3F9F] =	sst s1;
	(tag) =	ssettag s2;
	_ =	strace s9  }
0x27: {  	s1 =	sld [smem:$0x3FAF]  }
0x28: {  	s2 =	sld [smem:$0x3FB0]  }
0x29: {  	s4 =	sld [smem:$0x3FB2]  }
0x2a: {  	p0 =	seq.s32 s5, $0x0;
	s5 =	sld [smem:$0x3FB3]  }
0x2b: {  	s6 =	sld [smem:$0x3FB4]  }
0x2c: {  	s7 =	sld [smem:$0x3FB5]  }
0x2d: {  	s3 =	simm.s32 $0x108;
	s8 =	sld [smem:$0x3FB6]  }
0x2e: {  	s3 =	simm.s32 @!p0 $0x1082;
	s9 =	sld [smem:$0x3FB7]  }
0x2f: {  	lr =	sadd.s32 s0, s3;
	s0 =	sld [smem:$0x3FAE]  }
0x30: {  	s3 =	sld [smem:$0x3FB1]  }
0x31: {  	[smem:$0x3FBA] =	sst s10  }
0x32: {  	s10 =	sld [smem:$0x3FB8];
	_ =	sdelay $0x3  }
0x33: {  	p0 =	seq.s32 s10, $0x1;
	s10 =	sld [smem:$0x3FBA];
	_ =	sdelay $0x3  }
0x34: {  	[smem:$0x3FBA] =	sst s10  }
0x35: {  	s10 =	sld [smem:$0x3FB9];
	_ =	sdelay $0x3  }
0x36: {  	p1 =	seq.s32 s10, $0x1;
	s10 =	sld [smem:$0x3FBA];
	_ =	sdelay $0x3  }
0x37: {  	[smem:$0x3FBA] =	sst s10  }
0x38: {  	s10 =	sld [smem:$0x3FBB]  }
0x39: {  	_ = 	snop;
	(pc) =	sbr.ind lr, $3  }
0x3a: {  	_ = 	snop  }
0x3b: {  	_ = 	snop  }
0x3c: {  	p2 =	seq.s32 s10, $0x1;
	s10 =	sld [smem:$0x3FBA]  }
0x3d: {  	_ =	shalt  }
0x3e: {  	_ =	shalt  }
0x3f: {  	_ =	shalt  }
0x40: {  	_ =	shalt  }
0x41: {  	_ =	shalt  }
0x42: {  	_ =	shalt  }
0x43: {  	_ =	shalt  }
0x44: {  	_ =	shalt  }
0x45: {  	_ =	shalt  }
0x46: {  	_ =	shalt  }
0x47: {  	_ =	shalt  }
0x48: {  	_ =	shalt  }
0x49: {  	_ =	shalt  }
0x4a: {  	_ =	shalt  }
0x4b: {  	_ =	shalt  }
0x4c: {  	_ =	shalt  }
0x4d: {  	_ =	shalt  }
0x4e: {  	_ =	shalt  }
0x4f: {  	_ =	shalt  }
0x50: {  	_ =	shalt  }
0x51: {  	_ =	shalt  }
0x52: {  	_ =	shalt  }
0x53: {  	_ =	shalt  }
0x54: {  	_ =	shalt  }
0x55: {  	_ =	shalt  }
0x56: {  	_ =	shalt  }
0x57: {  	_ =	shalt  }
0x58: {  	_ =	shalt  }
0x59: {  	_ =	shalt  }
0x5a: {  	_ =	shalt  }
0x5b: {  	_ =	shalt  }
0x5c: {  	_ =	shalt  }
0x5d: {  	_ =	shalt  }
0x5e: {  	_ =	shalt  }
0x5f: {  	_ =	shalt  }
0x60: {  	_ =	shalt  }
0x61: {  	_ =	shalt  }
0x62: {  	_ =	shalt  }
0x63: {  	_ =	shalt  }
0x64: {  	_ =	shalt  }
0x65: {  	_ =	shalt  }
0x66: {  	_ =	shalt  }
0x67: {  	_ =	shalt  }
0x68: {  	_ =	shalt  }
0x69: {  	_ =	shalt  }
0x6a: {  	_ =	shalt  }
0x6b: {  	_ =	shalt  }
0x6c: {  	_ =	shalt  }
0x6d: {  	_ =	shalt  }
0x6e: {  	_ =	shalt  }
0x6f: {  	_ =	shalt  }
0x70: {  	_ =	shalt  }
0x71: {  	_ =	shalt  }
0x72: {  	_ =	shalt  }
0x73: {  	_ =	shalt  }
0x74: {  	_ =	shalt  }
0x75: {  	_ =	shalt  }
0x76: {  	_ =	shalt  }
0x77: {  	_ =	shalt  }
0x78: {  	_ =	shalt  }
0x79: {  	_ =	shalt  }
0x7a: {  	_ =	shalt  }
0x7b: {  	_ =	shalt  }
0x7c: {  	_ =	shalt  }
0x7d: {  	_ =	shalt  }
0x7e: {  	_ =	shalt  }
0x7f: {  	_ =	shalt  }
0x80: {  	_ =	shalt  }
0x81: {  	_ =	shalt  }
0x82: {  	_ =	shalt  }
0x83: {  	_ =	shalt  }
0x84: {  	_ =	shalt  }
0x85: {  	_ =	shalt  }
0x86: {  	_ =	shalt  }
0x87: {  	_ =	shalt  }
.Lfunc_end0:
.L_simem_size_0:
called_computation_lowered:
.L_overlay_start_0:
0x88: {  	s2 =	sld [smem:$0x3FD9]  }
0x89: {  	s3 =	sld [smem:$0x3FFE];
	_ =	sdelay $0x1  }
0x8a: {  	s1 =	srdreg.scid  }
0x8b: {  	s0 =	sand.u32 $0x1, s1  }
0x8c: {  	s17 =	sshll.u32 s0, $0xA;
	s2 =	sadd.s32 s3, s2  }
0x8d: {  	s2 =	sadd.s32 s2, s17  }
0x8e: {  	[smem:$0x3FC6] =	sst s2  }
0x8f: {  	_ = 	snop  }
0x90: {  	s2 =	sld [smem:$0x3FC9]  }
0x91: {  	s18 =	sld [smem:$0x3FC8];
	(tm) =	ssettm $0x1  }
0x92: {  	s4 =	sld [smem:$0x3FFB];
	_ =	sdelay $0x3  }
0x93: {  	_ =	strace s4  }
0x94: {  	s4 =	sld [smem:$0x3FFC];
	_ =	sdelay $0x3  }
0x95: {  	_ =	strace s4  }
0x96: {  	s4 =	sld [smem:$0x3FFD];
	_ =	sdelay $0x3  }
0x97: {  	_ =	strace s4  }
0x98: {  	_ =	strace $0x8FFFFFFF  }
0x99: {  	s19 =	sld [smem:$0x3FDB];
	_ =	sdelay $0x1  }
0x9a: {  	s5 =	simm.s32 $_scs_section_size  }
0x9b: {  	s6 =	simm.s32 $_size__tile_overlayer_lowered;
	s7 =	simm.s32 $_tile_overlayer_lowered  }
0x9c: {  	s22 =	simm.s32 $0x1BFF;
	s21 =	sshll.u32 s7, $0x1;
	s4 =	sadd.s32 s5, s19  }
0x9d: {  	s8 =	simm.s32 $0x0;
	s20 =	sshll.u32 s6, $0x1;
	s6 =	sadd.s32 s21, s4  }
0x9e: {  	[timem:s8], [sflag:s22] =	dma.local [hbm:s6], s20  }
0x9f: {  	_ =	swait.ge [sflag:s22], s20  }
0xa0: {  	s5 =	ssub.s32 $0x0, s20;
	[sflag:s22] =	ssyncset.done $0x0  }
0xa1: {  	[sflag:s22] =	ssyncadd.s32 s5;
	_ =	sdelay $0x1  }
0xa2: {  	s23 =	simm.s32 $0x1B8B  }
0xa3: {  	_ =	swait.ge [sflag:s23], $0x1  }
0xa4: {  	[sflag:s23] =	ssyncset.done $0x0  }
0xa5: {  	s25 =	simm.s32 $0x1B8E;
	s24 =	sld [smem:$0x3FFE];
	[sflag:s23] =	ssyncadd.s32 $0xFFFFFFFF  }
0xa6: {  	s26 =	simm.s32 $execute0_lowered;
	[smem:$0x3FD2] =	sst s25  }
0xa7: {  	s6 =	sshll.u32 s26, $0x1;
	_ =	strace $0x80000046;
	[dreg:$0x1] =	wrdreg $0xFFFFFFFF  }
0xa8: {  	s28 =	simm.s32 $_size_execute0_lowered;
	s4 =	sadd.s32 s4, s6;
	[dreg:$0x0] =	wrdreg $0x0  }
0xa9: {  	s6 =	sshll.u32 s28, $0x1;
	[dreg:$0x2] =	wrdreg s4  }
0xaa: {  	[dreg:$0x3] =	wrdreg s6  }
0xab: {  	[dreg:$0x4] =	wrdreg $0xC0  }
0xac: {  	_ =	task [dreg:s8], $0x5FFFF  }
0xad: {  	[dreg:$0x1] =	wrdreg $0xFFFFFFFF  }
0xae: {  	[dreg:$0x0] =	wrdreg $0x60  }
0xaf: {  	[dreg:$0x2] =	wrdreg s2  }
0xb0: {  	[dreg:$0x3] =	wrdreg s18  }
0xb1: {  	[dreg:$0x4] =	wrdreg s24  }
0xb2: {  	[dreg:$0x5] =	wrdreg $0x9  }
0xb3: {  	_ =	task.clear_ibuf [dreg:s8], $0x6FFFF;
	_ =	strace $0x90000046  }
0xb4: {  	s29 =	simm.s32 $0x9;
	_ =	strace $0x80000048  }
0xb5: {  	_ =	swait.ge [sflag:s29], $0x1  }
0xb6: {  	[sflag:s29] =	ssyncadd.s32 $0xFFFFFFFF  }
0xb7: {  	_ =	strace $0x90000048  }
0xb8: {  	_ =	sfence  }
0xb9: {  	s30 =	sld [smem:$0x0];
	_ =	sdelay $0x2  }
0xba: {  	s31 =	sshll.u32 s1, $0xD;
	s1 =	sshrl.u32 s1, $0x2  }
0xbb: {  	s3 =	sand.u32 $0x4000, s31;
	s1 =	sadd.s32 s1, s30  }
0xbc: {  	s0 =	sor.u32 s3, s0;
	s1 =	sshll.u32 s1, $0x11  }
0xbd: {  	s0 =	sor.u32 s1, s0  }
0xbe: {  	s0 =	sadd.s32 $0x8F2B, s0  }
0xbf: {  	[sflag:s0] =	ssyncadd.remote.s32 $0x1  }
0xc0: {  	_ =	sfence.sel $0xFFFF  }
0xc1: {  	[dreg:$0x0] =	wrdreg $0xFFFFFFFF;
	(pc) =	sbr.abs _section_cstart, $3  }
0xc2: {  	[dreg:$0x1] =	wrdreg $0xFFFFFFFF  }
0xc3: {  	_ =	task.clear_ibuf [dreg:s8], $0x2FFFF;
	_ =	strace $0x9FFFFFFF  }
0xc4: {  	(tm) =	ssettm $0x7FFFFFFF  }
0xc5: {  	_ =	shalt  }
tec
execute0_lowered:
.L_overlay_start_1:
0x0: {  	(tag) =	ssettag $0x1  }
0x1: {  	s0 =	srdreg.scid;
	s1 =	stileid.u32  }
0x2: {  	s3 =	sand.u32 $0x1, s0;
	s16 =	sshll.u32 s1, $0x1  }
0x3: {  	s0 =	sor.u32 s3, s16  }
0x4: {  	s7 =	smul.u32 $0x3D400, s0  }
0x5: {  	s2 =	rddreg [dreg:$0x1]  }
0x6: {  	s17 =	rddreg [dreg:$0x2];
	s5 =	smul.u32 $0xF5, s0;
	s8 =	sshrl.u32 s7, $0x3  }
0x7: {  	s4 =	simm.s32 $0x0;
	s7 =	smul.u32 $0x7A80, s0;
	s0 =	sadd.s32 s2, s8  }
0x8: {  	[smem:$0x7FF] =	sst s4;
	s8 =	sadd.s32 $0x180, s0  }
0x9: {  	_ =	strace $0x80000047;
	s19 =	sadd.s32 $0x200, s0;
	[dreg:$0x4] =	wrdreg s8  }
0xa: {  	s20 =	sadd.s32 $0x280, s0;
	[dreg:$0x5] =	wrdreg s19  }
0xb: {  	s21 =	sadd.s32 $0x300, s0;
	[dreg:$0x6] =	wrdreg s20  }
0xc: {  	s22 =	sadd.s32 $0x380, s0;
	[dreg:$0x7] =	wrdreg s21  }
0xd: {  	s23 =	sadd.s32 $0x1E8580, s0;
	[dreg:$0x8] =	wrdreg s22  }
0xe: {  	s24 =	sadd.s32 $0x2DC800, s0;
	[dreg:$0x9] =	wrdreg s23  }
0xf: {  	s25 =	sadd.s32 $0x3D0A80, s0;
	[dreg:$0xa] =	wrdreg s24  }
0x10: {  	s26 =	sadd.s32 $0x4C4D00, s0;
	[dreg:$0xb] =	wrdreg s25  }
0x11: {  	s9 =	sadd.s32 $0x5B8F80, s0;
	[dreg:$0xc] =	wrdreg s26  }
0x12: {  	s10 =	sadd.s32 $0xF4300, s0;
	[dreg:$0xd] =	wrdreg s9  }
0x13: {  	s11 =	sadd.s32 $0x6AD200, s0;
	[dreg:$0xe] =	wrdreg s10  }
0x14: {  	s12 =	sadd.s32 $0xF4380, s0;
	[dreg:$0xf] =	wrdreg s11  }
0x15: {  	s13 =	sadd.s32 $0x1E8600, s0;
	[dreg:$0x10] =	wrdreg s12  }
0x16: {  	s14 =	sadd.s32 $0x2DC880, s0;
	[dreg:$0x11] =	wrdreg s13  }
0x17: {  	s15 =	sadd.s32 $0x3D0B00, s0;
	[dreg:$0x12] =	wrdreg s14  }
0x18: {  	v0 =	vimm.s32 $0x1380;
	s6 =	sadd.s32 $0x400, s17;
	s16 =	sadd.s32 $0x4C4D80, s0;
	[dreg:$0x13] =	wrdreg s15  }
0x19: {  	vm14 =	vcmask $0x300;
	vm13 =	vcmask $0x704;
	vm12 =	vcmask $0xB08;
	s18 =	smin.u32 s5, $0x1D90;
	s17 =	sadd.s32 $0x6AD280, s0;
	[dreg:$0x14] =	wrdreg s16  }
0x1a: {  	vm11 =	vcmask $0xF0C;
	vm10 =	vcmask $0x1310;
	vm9 =	vcmask $0x1714;
	s1 =	sadd.s32 $0xF5, s18;
	s18 =	sadd.s32 $0x5B9000, s0;
	[dreg:$0x15] =	wrdreg s17  }
0x1b: {  	vm8 =	vcmask $0x1B18;
	vm7 =	vcmask $0x1F1C;
	vm5 =	vcmask $0x2320;
	s7 =	sadd.s32 s2, s7;
	[dreg:$0x16] =	wrdreg s18  }
0x1c: {  	vm3 =	vcmask $0x2724;
	vm2 =	vcmask $0x2B28;
	v1 =	vimm.s32 $0x3380;
	s19 =	sadd.s32 $0xF4400, s0;
	[smem:$0x7FC] =	sst s7  }
0x1d: {  	vm0 =	vcmask $0x2F2C;
	vm1 =	vcmask $0x3330;
	vm4 =	vcmask $0x3734;
	s20 =	sadd.s32 $0x1E8680, s0;
	[dreg:$0x17] =	wrdreg s19  }
0x1e: {  	vm6 =	vcmask $0x3B38;
	v2 =	vimm.s32 $0x5380;
	v3 =	vimm.s32 $0x9380;
	s21 =	sadd.s32 $0x2DC900, s0;
	[dreg:$0x18] =	wrdreg s20  }
0x1f: {  	v10 =	vimm.s32 $0xB380;
	v11 =	vimm.s32 $0xD380;
	v12 =	vimm.s32 $0xF380;
	s22 =	sadd.s32 $0x3D0B80, s0;
	[dreg:$0x19] =	wrdreg s21  }
0x20: {  	v0 =	vsel vm14, $0x0, v0;
	v1 =	vsel vm14, $0x2000, v1;
	v2 =	vsel vm14, $0x4000, v2;
	s23 =	sadd.s32 $0x4C4E00, s0;
	[dreg:$0x1a] =	wrdreg s22  }
0x21: {  	v3 =	vsel vm14, $0x8000, v3;
	v10 =	vsel vm14, $0xA000, v10;
	v11 =	vsel vm14, $0xC000, v11;
	s24 =	sadd.s32 $0x5B9080, s0;
	[dreg:$0x1b] =	wrdreg s23  }
0x22: {  	v12 =	vsel vm14, $0xE000, v12;
	v0 =	vsel vm13, $0x80, v0;
	v1 =	vsel vm13, $0x2080, v1;
	s25 =	sadd.s32 $0x6AD300, s0;
	[dreg:$0x1c] =	wrdreg s24  }
0x23: {  	v2 =	vsel vm13, $0x4080, v2;
	v6 =	vsel vm13, $0x8080, v3;
	v10 =	vsel vm13, $0xA080, v10;
	s26 =	sadd.s32 $0x1E8700, s0;
	[dreg:$0x1d] =	wrdreg s25  }
0x24: {  	v11 =	vsel vm13, $0xC080, v11;
	v12 =	vsel vm13, $0xE080, v12;
	v0 =	vsel vm12, $0x100, v0;
	s9 =	sadd.s32 $0x2DC980, s0;
	[dreg:$0x1e] =	wrdreg s26  }
0x25: {  	v1 =	vsel vm12, $0x2100, v1;
	v2 =	vsel vm12, $0x4100, v2;
	v6 =	vsel vm12, $0x8100, v6;
	s10 =	sadd.s32 $0x3D0C00, s0;
	[dreg:$0x1f] =	wrdreg s9  }
0x26: {  	v10 =	vsel vm12, $0xA100, v10;
	v11 =	vsel vm12, $0xC100, v11;
	v12 =	vsel vm12, $0xE100, v12;
	s11 =	sadd.s32 $0x4C4E80, s0;
	[smem:$0x7D9] =	sst s10  }
0x27: {  	v0 =	vsel vm11, $0x180, v0;
	v1 =	vsel vm11, $0x2180, v1;
	v2 =	vsel vm11, $0x4180, v2;
	s12 =	sadd.s32 $0x5B9100, s0;
	[smem:$0x7DA] =	sst s11  }
0x28: {  	v6 =	vsel vm11, $0x8180, v6;
	v10 =	vsel vm11, $0xA180, v10;
	v11 =	vsel vm11, $0xC180, v11;
	s13 =	sadd.s32 $0xF4480, s0;
	[smem:$0x7DB] =	sst s12  }
0x29: {  	v12 =	vsel vm11, $0xE180, v12;
	v0 =	vsel vm10, $0x200, v0;
	v1 =	vsel vm10, $0x2200, v1;
	s14 =	sadd.s32 $0x6AD380, s0;
	[smem:$0x7DC] =	sst s13  }
0x2a: {  	v2 =	vsel vm10, $0x4200, v2;
	v3 =	vmov s5;
	v6 =	vsel vm10, $0x8200, v6;
	s15 =	sadd.s32 $0xF4500, s0;
	[smem:$0x7DD] =	sst s14  }
0x2b: {  	v10 =	vsel vm10, $0xA200, v10;
	v11 =	vsel vm10, $0xC200, v11;
	v12 =	vsel vm10, $0xE200, v12;
	s16 =	sadd.s32 $0x1E8780, s0;
	[smem:$0x7DE] =	sst s15  }
0x2c: {  	v0 =	vsel vm9, $0x280, v0;
	v1 =	vsel vm9, $0x2280, v1;
	v4 =	vsel vm9, $0x4280, v2;
	s17 =	sadd.s32 $0x2DCA00, s0;
	[smem:$0x7DF] =	sst s16  }
0x2d: {  	v2 =	vimm.s32 $0x7380;
	v9 =	vsel vm9, $0x8280, v6;
	v6 =	vimm.s32 $0x1;
	s18 =	sadd.s32 $0x3D0C80, s0;
	[smem:$0x7E0] =	sst s17  }
0x2e: {  	v10 =	vsel vm9, $0xA280, v10;
	v11 =	vsel vm9, $0xC280, v11;
	v12 =	vsel vm9, $0xE280, v12;
	[smem:$0x7E1] =	sst s18;
	s19 =	sadd.s32 $0x4C4F00, s0  }
0x2f: {  	v0 =	vsel vm8, $0x300, v0;
	v1 =	vsel vm8, $0x2300, v1;
	v5 =	vsel vm14, $0x6000, v2;
	s20 =	sadd.s32 $0x5B9180, s0;
	[smem:$0x7E2] =	sst s19  }
0x30: {  	v2 =	vmov s1;
	v7 =	vsel vm8, $0x4300, v4;
	v4 =	vimm.s32 $0x0;
	s21 =	sadd.s32 $0x6AD400, s0;
	[smem:$0x7E3] =	sst s20  }
0x31: {  	v9 =	vsel vm8, $0x8300, v9;
	v10 =	vsel vm8, $0xA300, v10;
	v11 =	vsel vm8, $0xC300, v11;
	s9 =	sadd.s32 $0x1E8800, s0;
	[smem:$0x7E4] =	sst s21  }
0x32: {  	v12 =	vsel vm8, $0xE300, v12;
	v0 =	vsel vm7, $0x380, v0;
	v1 =	vsel vm7, $0x2380, v1;
	s23 =	sadd.s32 $0x2DCA80, s0;
	[smem:$0x7E5] =	sst s9  }
0x33: {  	v5 =	vsel vm13, $0x6080, v5;
	v7 =	vsel vm7, $0x4380, v7;
	v9 =	vsel vm7, $0x8380, v9;
	s24 =	sadd.s32 $0x3D0D00, s0;
	[smem:$0x7E6] =	sst s23  }
0x34: {  	v10 =	vsel vm7, $0xA380, v10;
	v11 =	vsel vm7, $0xC380, v11;
	v12 =	vsel vm7, $0xE380, v12;
	s25 =	sadd.s32 $0x4C4F80, s0;
	[smem:$0x7E7] =	sst s24  }
0x35: {  	v0 =	vsel vm5, $0x1000, v0;
	v1 =	vsel vm5, $0x3000, v1;
	s26 =	sadd.s32 $0x5B9200, s0;
	v5 =	vsel vm12, $0x6100, v5;
	[smem:$0x7E8] =	sst s25  }
0x36: {  	s10 =	sadd.s32 $0xF4580, s0;
	v7 =	vsel vm5, $0x5000, v7;
	v9 =	vsel vm5, $0x9000, v9;
	v10 =	vsel vm5, $0xB000, v10;
	[smem:$0x7E9] =	sst s26  }
0x37: {  	s11 =	sadd.s32 $0xF4600, s0;
	v11 =	vsel vm5, $0xD000, v11;
	v12 =	vsel vm5, $0xF000, v12;
	v0 =	vsel vm3, $0x1080, v0;
	[smem:$0x7EB] =	sst s10  }
0x38: {  	s12 =	sadd.s32 $0x1E8880, s0;
	v1 =	vsel vm3, $0x3080, v1;
	[smem:$0x7EC] =	sst s11;
	v5 =	vsel vm11, $0x6180, v5;
	v7 =	vsel vm3, $0x5080, v7  }
0x39: {  	s13 =	sadd.s32 $0x80, s0;
	[smem:$0x7ED] =	sst s12;
	v9 =	vsel vm3, $0x9080, v9;
	v10 =	vsel vm3, $0xB080, v10;
	v11 =	vsel vm3, $0xD080, v11  }
0x3a: {  	s14 =	sadd.s32 $0x2DCB00, s0;
	[smem:$0x7EE] =	sst s13;
	v12 =	vsel vm3, $0xF080, v12;
	v0 =	vsel vm2, $0x1100, v0;
	v1 =	vsel vm2, $0x3100, v1  }
0x3b: {  	s28 =	simm.s32 $0x8000;
	s15 =	sadd.s32 $0x3D0D80, s0;
	[smem:$0x7EF] =	sst s14;
	v8 =	vsel vm10, $0x6200, v5;
	v5 =	vlaneseq.u32;
	v7 =	vsel vm2, $0x5100, v7  }
0x3c: {  	s16 =	sadd.s32 $0x100, s0;
	s17 =	sadd.s32 $0x5B9280, s0;
	[smem:$0x7F0] =	sst s15;
	v9 =	vsel vm2, $0x9100, v9;
	v10 =	vsel vm2, $0xB100, v10;
	v11 =	vsel vm2, $0xD100, v11  }
0x3d: {  	s18 =	sadd.s32 $0x6AD500, s0;
	[smem:$0x7F1] =	sst s16;
	v12 =	vsel vm2, $0xF100, v12;
	v0 =	vsel vm0, $0x1180, v0;
	v1 =	vsel vm0, $0x3180, v1  }
0x3e: {  	s29 =	simm.s32 $0x2;
	s9 =	sadd.s32 $0x6AD480, s0;
	[smem:$0x7F2] =	sst s17;
	v8 =	vsel vm9, $0x6280, v8;
	v7 =	vsel vm0, $0x5180, v7;
	v9 =	vsel vm0, $0x9180, v9  }
0x3f: {  	s3 =	ssub.s32 $0x2, s3;
	[smem:$0x7F3] =	sst s18;
	s0 =	sadd.s32 $0x4C5000, s0;
	v10 =	vsel vm0, $0xB180, v10;
	v11 =	vsel vm0, $0xD180, v11;
	v12 =	vsel vm0, $0xF180, v12  }
0x40: {  	s10 =	sadd.s32 $0x180, s2;
	s19 =	sadd.s32 $0xF4280, s7;
	[smem:$0x7EA] =	sst s9;
	v0 =	vsel vm1, $0x1200, v0;
	v1 =	vsel vm1, $0x3200, v1;
	v8 =	vsel vm8, $0x6300, v8  }
0x41: {  	s22 =	sshrl.u32 s3, $0x1;
	s21 =	sadd.s32 $0x1E8500, s7;
	[smem:$0x7F4] =	sst s0;
	v7 =	vsel vm1, $0x5200, v7;
	v9 =	vsel vm1, $0x9200, v9;
	v10 =	vsel vm1, $0xB200, v10  }
0x42: {  	s3 =	ssub.s32 s3, s22;
	s22 =	sadd.s32 $0x2DC780, s7;
	[smem:$0x7F5] =	sst s19;
	v11 =	vsel vm1, $0xD200, v11;
	v12 =	vsel vm1, $0xF200, v12;
	v8 =	vsel vm7, $0x6380, v8  }
0x43: {  	s30 =	simm.s32 $0x3;
	s23 =	sadd.s32 $0x3D0A00, s7;
	[smem:$0x7F7] =	sst s21;
	v0 =	vsel vm4, $0x1280, v0;
	v1 =	vsel vm4, $0x3280, v1;
	v8 =	vsel vm5, $0x7000, v8  }
0x44: {  	s31 =	simm.s32 $0x0;
	s24 =	sadd.s32 $0x4C4C80, s7;
	[smem:$0x7F8] =	sst s22;
	v7 =	vsel vm4, $0x5280, v7;
	v9 =	vsel vm4, $0x9280, v9;
	v8 =	vsel vm3, $0x7080, v8  }
.Ltmp0:
0x45: {  	s15 =	sadd.s32 $0x80, s2;
	[smem:$0x7F9] =	sst s23;
	v10 =	vsel vm4, $0xB280, v10;
	v11 =	vsel vm4, $0xD280, v11;
	v8 =	vsel vm2, $0x7100, v8;
	(pc) =	sbr.rel .LBB2_1-.Ltmp0, $4  }
0x46: {  	s18 =	sadd.s32 $0x100, s2;
	s25 =	sadd.s32 $0x5B8F00, s7;
	[smem:$0x7FA] =	sst s24;
	v12 =	vsel vm4, $0xF280, v12;
	v0 =	vsel vm6, $0x1300, v0;
	v8 =	vsel vm0, $0x7180, v8  }
0x47: {  	s26 =	sadd.s32 $0x6AD180, s7;
	s20 =	smax.u32 s3, $0x1;
	[smem:$0x7FB] =	sst s25;
	v1 =	vsel vm6, $0x3300, v1;
	v7 =	vsel vm6, $0x5300, v7;
	v8 =	vsel vm1, $0x7200, v8  }
0x48: {  	[smem:$0x7FD] =	sst s26;
	s21 =	simm.s32 $0xC100;
	s23 =	simm.s32 $0xC000;
	v9 =	vsel vm6, $0x9300, v9;
	v10 =	vsel vm6, $0xB300, v10;
	v8 =	vsel vm4, $0x7280, v8  }
0x49: {  	s25 =	simm.s32 $0x1;
	s26 =	simm.s32 $0x4000;
	[smem:$0x7F6] =	sst s20;
	v11 =	vsel vm6, $0xD300, v11;
	v12 =	vsel vm6, $0xF300, v12;
	v8 =	vsel vm6, $0x7300, v8  }
.LBB2_36:
0x4a: {  	[sflag:s30] =	ssyncadd.s32 $0xFFFFFF80  }
.LBB2_37:
0x4b: {  	s0 =	sld [smem:$0x7F6];
	_ =	sdelay $0x1  }
0x4c: {  	s31 =	sadd.s32 $0x1, s31  }
0x4d: {  	p0 =	sne.s32 s31, s0  }
.Ltmp1:
0x4e: {  	_ = 	snop;
	(pc) =	sbr.rel @!p0 .LBB2_38-.Ltmp1, $1  }
0x4f: {  	_ =	sdelay $0x3  }
.LBB2_1:
0x50: {  	s0 =	sld [smem:$0x7FC];
	_ =	sdelay $0x1  }
0x51: {  	s20 =	sld [smem:$0x7F5]  }
0x52: {  	[tilespmem:s21], [sflag:$0x1] =	stream.linear.gather [hbm4b:s0+s4], $0x400, $0x38;
	[tilespmem:$0x1C500] =	vst v63  }
0x53: {  	s1 =	simm.s32 $0xD100;
	s22 =	sld [smem:$0x7F7]  }
0x54: {  	[tilespmem:s1], [sflag:$0x1] =	stream.linear.gather [hbm4b:s20+s4], $0x400, $0x38;
	[tilespmem:$0x1C500] =	vst v63  }
0x55: {  	s24 =	simm.s32 $0xE100;
	s3 =	sld [smem:$0x7F8]  }
0x56: {  	[tilespmem:s24], [sflag:$0x1] =	stream.linear.gather [hbm4b:s22+s4], $0x400, $0x38;
	[tilespmem:$0x1C500] =	vst v63  }
0x57: {  	s7 =	simm.s32 $0xF100;
	s8 =	sld [smem:$0x7F9]  }
0x58: {  	[tilespmem:s7], [sflag:$0x1] =	stream.linear.gather [hbm4b:s3+s4], $0x400, $0x38;
	[tilespmem:$0x1C500] =	vst v63  }
0x59: {  	s9 =	simm.s32 $0x10100;
	s11 =	sld [smem:$0x7FA]  }
0x5a: {  	[tilespmem:s9], [sflag:$0x1] =	stream.linear.gather [hbm4b:s8+s4], $0x400, $0x38;
	[tilespmem:$0x1C500] =	vst v63  }
0x5b: {  	s12 =	simm.s32 $0x11100;
	s13 =	sld [smem:$0x7FB]  }
0x5c: {  	[tilespmem:s12], [sflag:$0x1] =	stream.linear.gather [hbm4b:s11+s4], $0x400, $0x38;
	[tilespmem:$0x1C500] =	vst v63  }
0x5d: {  	s14 =	simm.s32 $0x12100;
	s16 =	sld [smem:$0x7FD]  }
0x5e: {  	[tilespmem:s14], [sflag:$0x1] =	stream.linear.gather [hbm4b:s13+s4], $0x400, $0x38;
	[tilespmem:$0x1C500] =	vst v63  }
0x5f: {  	s17 =	simm.s32 $0x13100;
	s19 =	sld [smem:$0x7EE]  }
0x60: {  	[tilespmem:s17], [sflag:$0x1] =	stream.linear.gather [hbm4b:s16+s4], $0x400, $0x38;
	[tilespmem:$0x1C500] =	vst v63  }
0x61: {  	s20 =	simm.s32 $0xC500;
	s22 =	rddreg [dreg:$0xe]  }
0x62: {  	[tilespmem:s20], [sflag:$0x1] =	stream.linear.gather [hbm4b:s19+s4], $0x400, $0x38;
	[tilespmem:$0x1C500] =	vst v63  }
0x63: {  	s24 =	simm.s32 $0xD500;
	s3 =	rddreg [dreg:$0x9]  }
0x64: {  	[tilespmem:s24], [sflag:$0x1] =	stream.linear.gather [hbm4b:s22+s4], $0x400, $0x38;
	[tilespmem:$0x1C500] =	vst v63  }
0x65: {  	s7 =	simm.s32 $0xE500;
	s8 =	rddreg [dreg:$0xa]  }
0x66: {  	[tilespmem:s7], [sflag:$0x1] =	stream.linear.gather [hbm4b:s3+s4], $0x400, $0x38;
	[tilespmem:$0x1C500] =	vst v63  }
0x67: {  	s9 =	simm.s32 $0xF500;
	s11 =	rddreg [dreg:$0xb]  }
0x68: {  	[tilespmem:s9], [sflag:$0x1] =	stream.linear.gather [hbm4b:s8+s4], $0x400, $0x38;
	[tilespmem:$0x1C500] =	vst v63  }
0x69: {  	s12 =	simm.s32 $0x10500;
	s13 =	rddreg [dreg:$0xc]  }
0x6a: {  	[tilespmem:s12], [sflag:$0x1] =	stream.linear.gather [hbm4b:s11+s4], $0x400, $0x38;
	[tilespmem:$0x1C500] =	vst v63  }
0x6b: {  	s14 =	simm.s32 $0x11500;
	s16 =	rddreg [dreg:$0xd]  }
0x6c: {  	[tilespmem:s14], [sflag:$0x1] =	stream.linear.gather [hbm4b:s13+s4], $0x400, $0x38;
	[tilespmem:$0x1C500] =	vst v63  }
0x6d: {  	s17 =	simm.s32 $0x12500;
	s19 =	rddreg [dreg:$0xf]  }
0x6e: {  	[tilespmem:s17], [sflag:$0x1] =	stream.linear.gather [hbm4b:s16+s4], $0x400, $0x38;
	[tilespmem:$0x1C500] =	vst v63  }
0x6f: {  	s20 =	simm.s32 $0x13500;
	s22 =	sld [smem:$0x7F1]  }
0x70: {  	[tilespmem:s20], [sflag:$0x1] =	stream.linear.gather [hbm4b:s19+s4], $0x400, $0x38;
	[tilespmem:$0x1C500] =	vst v63  }
0x71: {  	s24 =	simm.s32 $0xC900;
	s3 =	rddreg [dreg:$0x10]  }
0x72: {  	[tilespmem:s24], [sflag:$0x1] =	stream.linear.gather [hbm4b:s22+s4], $0x400, $0x38;
	[tilespmem:$0x1C500] =	vst v63  }
0x73: {  	s7 =	simm.s32 $0xD900;
	s8 =	rddreg [dreg:$0x11]  }
0x74: {  	[tilespmem:s7], [sflag:$0x1] =	stream.linear.gather [hbm4b:s3+s4], $0x400, $0x38;
	[tilespmem:$0x1C500] =	vst v63  }
0x75: {  	s9 =	simm.s32 $0xE900;
	s11 =	rddreg [dreg:$0x12]  }
0x76: {  	[tilespmem:s9], [sflag:$0x1] =	stream.linear.gather [hbm4b:s8+s4], $0x400, $0x38;
	[tilespmem:$0x1C500] =	vst v63  }
0x77: {  	s12 =	simm.s32 $0xF900;
	s13 =	rddreg [dreg:$0x13]  }
0x78: {  	[tilespmem:s12], [sflag:$0x1] =	stream.linear.gather [hbm4b:s11+s4], $0x400, $0x38;
	[tilespmem:$0x1C500] =	vst v63  }
0x79: {  	s14 =	simm.s32 $0x10900;
	s16 =	rddreg [dreg:$0x14]  }
0x7a: {  	[tilespmem:s14], [sflag:$0x1] =	stream.linear.gather [hbm4b:s13+s4], $0x400, $0x38;
	[tilespmem:$0x1C500] =	vst v63  }
0x7b: {  	s17 =	simm.s32 $0x11900;
	s19 =	rddreg [dreg:$0x16]  }
0x7c: {  	[tilespmem:s17], [sflag:$0x1] =	stream.linear.gather [hbm4b:s16+s4], $0x400, $0x38;
	[tilespmem:$0x1C500] =	vst v63  }
0x7d: {  	s20 =	simm.s32 $0x12900;
	s22 =	rddreg [dreg:$0x15]  }
0x7e: {  	[tilespmem:s20], [sflag:$0x1] =	stream.linear.gather [hbm4b:s19+s4], $0x400, $0x38;
	[tilespmem:$0x1C500] =	vst v63  }
0x7f: {  	s24 =	simm.s32 $0x13900;
	s3 =	rddreg [dreg:$0x4]  }
0x80: {  	[tilespmem:s24], [sflag:$0x1] =	stream.linear.gather [hbm4b:s22+s4], $0x400, $0x38;
	[tilespmem:$0x1C500] =	vst v63  }
0x81: {  	s7 =	simm.s32 $0xCD00;
	s8 =	rddreg [dreg:$0x17]  }
0x82: {  	[tilespmem:s7], [sflag:$0x1] =	stream.linear.gather [hbm4b:s3+s4], $0x400, $0x38;
	[tilespmem:$0x1C500] =	vst v63  }
0x83: {  	s9 =	simm.s32 $0xDD00;
	s11 =	rddreg [dreg:$0x18]  }
0x84: {  	[tilespmem:s9], [sflag:$0x1] =	stream.linear.gather [hbm4b:s8+s4], $0x400, $0x38;
	[tilespmem:$0x1C500] =	vst v63  }
0x85: {  	s12 =	simm.s32 $0xED00;
	s13 =	rddreg [dreg:$0x19]  }
0x86: {  	[tilespmem:s12], [sflag:$0x1] =	stream.linear.gather [hbm4b:s11+s4], $0x400, $0x38;
	[tilespmem:$0x1C500] =	vst v63  }
0x87: {  	s14 =	simm.s32 $0xFD00;
	s16 =	rddreg [dreg:$0x1a]  }
0x88: {  	[tilespmem:s14], [sflag:$0x1] =	stream.linear.gather [hbm4b:s13+s4], $0x400, $0x38;
	[tilespmem:$0x1C500] =	vst v63  }
0x89: {  	s17 =	simm.s32 $0x10D00;
	s19 =	rddreg [dreg:$0x1b]  }
0x8a: {  	[tilespmem:s17], [sflag:$0x1] =	stream.linear.gather [hbm4b:s16+s4], $0x400, $0x38;
	[tilespmem:$0x1C500] =	vst v63  }
0x8b: {  	s20 =	simm.s32 $0x11D00;
	s22 =	rddreg [dreg:$0x1c]  }
0x8c: {  	[tilespmem:s20], [sflag:$0x1] =	stream.linear.gather [hbm4b:s19+s4], $0x400, $0x38;
	[tilespmem:$0x1C500] =	vst v63  }
0x8d: {  	s24 =	simm.s32 $0x12D00;
	s3 =	rddreg [dreg:$0x1d]  }
0x8e: {  	[tilespmem:s24], [sflag:$0x1] =	stream.linear.gather [hbm4b:s22+s4], $0x400, $0x38;
	[tilespmem:$0x1C500] =	vst v63  }
0x8f: {  	s7 =	simm.s32 $0x13D00;
	s8 =	rddreg [dreg:$0x5]  }
0x90: {  	[tilespmem:s7], [sflag:$0x1] =	stream.linear.gather [hbm4b:s3+s4], $0x400, $0x38;
	[tilespmem:$0x1C500] =	vst v63  }
0x91: {  	s9 =	simm.s32 $0x14100;
	s11 =	sld [smem:$0x7DC]  }
0x92: {  	[tilespmem:s9], [sflag:$0x2] =	stream.linear.gather [hbm4b:s8+s4], $0x400, $0x38;
	[tilespmem:$0x1C500] =	vst v63  }
0x93: {  	s12 =	simm.s32 $0x15100;
	s13 =	rddreg [dreg:$0x1e]  }
0x94: {  	[tilespmem:s12], [sflag:$0x2] =	stream.linear.gather [hbm4b:s11+s4], $0x400, $0x38;
	[tilespmem:$0x1C500] =	vst v63  }
0x95: {  	s14 =	simm.s32 $0x16100;
	s16 =	rddreg [dreg:$0x1f]  }
0x96: {  	[tilespmem:s14], [sflag:$0x2] =	stream.linear.gather [hbm4b:s13+s4], $0x400, $0x38;
	[tilespmem:$0x1C500] =	vst v63  }
0x97: {  	s17 =	simm.s32 $0x17100;
	s19 =	sld [smem:$0x7D9]  }
0x98: {  	[tilespmem:s17], [sflag:$0x2] =	stream.linear.gather [hbm4b:s16+s4], $0x400, $0x38;
	[tilespmem:$0x1C500] =	vst v63  }
0x99: {  	s20 =	simm.s32 $0x18100;
	s22 =	sld [smem:$0x7DA]  }
0x9a: {  	[tilespmem:s20], [sflag:$0x2] =	stream.linear.gather [hbm4b:s19+s4], $0x400, $0x38;
	[tilespmem:$0x1C500] =	vst v63  }
0x9b: {  	s24 =	simm.s32 $0x19100;
	s3 =	sld [smem:$0x7DB]  }
0x9c: {  	[tilespmem:s24], [sflag:$0x2] =	stream.linear.gather [hbm4b:s22+s4], $0x400, $0x38;
	[tilespmem:$0x1C500] =	vst v63  }
0x9d: {  	s7 =	simm.s32 $0x1A100;
	s8 =	sld [smem:$0x7DD]  }
0x9e: {  	[tilespmem:s7], [sflag:$0x2] =	stream.linear.gather [hbm4b:s3+s4], $0x400, $0x38;
	[tilespmem:$0x1C500] =	vst v63  }
0x9f: {  	s9 =	simm.s32 $0x1B100;
	s11 =	rddreg [dreg:$0x6]  }
0xa0: {  	[tilespmem:s9], [sflag:$0x2] =	stream.linear.gather [hbm4b:s8+s4], $0x400, $0x38;
	[tilespmem:$0x1C500] =	vst v63  }
0xa1: {  	s12 =	simm.s32 $0x14500;
	s13 =	sld [smem:$0x7DE]  }
0xa2: {  	[tilespmem:s12], [sflag:$0x2] =	stream.linear.gather [hbm4b:s11+s4], $0x400, $0x38;
	[tilespmem:$0x1C500] =	vst v63  }
0xa3: {  	s14 =	simm.s32 $0x15500;
	s16 =	sld [smem:$0x7DF]  }
0xa4: {  	[tilespmem:s14], [sflag:$0x2] =	stream.linear.gather [hbm4b:s13+s4], $0x400, $0x38;
	[tilespmem:$0x1C500] =	vst v63  }
0xa5: {  	s17 =	simm.s32 $0x16500;
	s19 =	sld [smem:$0x7E0]  }
0xa6: {  	[tilespmem:s17], [sflag:$0x2] =	stream.linear.gather [hbm4b:s16+s4], $0x400, $0x38;
	[tilespmem:$0x1C500] =	vst v63  }
0xa7: {  	s20 =	simm.s32 $0x17500;
	s22 =	sld [smem:$0x7E1]  }
0xa8: {  	[tilespmem:s20], [sflag:$0x2] =	stream.linear.gather [hbm4b:s19+s4], $0x400, $0x38;
	[tilespmem:$0x1C500] =	vst v63  }
0xa9: {  	s24 =	simm.s32 $0x18500;
	s3 =	sld [smem:$0x7E2]  }
0xaa: {  	[tilespmem:s24], [sflag:$0x2] =	stream.linear.gather [hbm4b:s22+s4], $0x400, $0x38;
	[tilespmem:$0x1C500] =	vst v63  }
0xab: {  	s7 =	simm.s32 $0x19500;
	s8 =	sld [smem:$0x7E3]  }
0xac: {  	[tilespmem:s7], [sflag:$0x2] =	stream.linear.gather [hbm4b:s3+s4], $0x400, $0x38;
	[tilespmem:$0x1C500] =	vst v63  }
0xad: {  	s9 =	simm.s32 $0x1A500;
	s11 =	sld [smem:$0x7E4]  }
0xae: {  	[tilespmem:s9], [sflag:$0x2] =	stream.linear.gather [hbm4b:s8+s4], $0x400, $0x38;
	[tilespmem:$0x1C500] =	vst v63  }
0xaf: {  	s12 =	simm.s32 $0x1B500;
	s13 =	rddreg [dreg:$0x7]  }
0xb0: {  	[tilespmem:s12], [sflag:$0x2] =	stream.linear.gather [hbm4b:s11+s4], $0x400, $0x38;
	[tilespmem:$0x1C500] =	vst v63  }
0xb1: {  	s14 =	simm.s32 $0x14900;
	s16 =	sld [smem:$0x7EB]  }
0xb2: {  	[tilespmem:s14], [sflag:$0x2] =	stream.linear.gather [hbm4b:s13+s4], $0x400, $0x38;
	[tilespmem:$0x1C500] =	vst v63  }
0xb3: {  	s17 =	simm.s32 $0x15900;
	s19 =	sld [smem:$0x7E5]  }
0xb4: {  	[tilespmem:s17], [sflag:$0x2] =	stream.linear.gather [hbm4b:s16+s4], $0x400, $0x38;
	[tilespmem:$0x1C500] =	vst v63  }
0xb5: {  	s20 =	simm.s32 $0x16900;
	s22 =	sld [smem:$0x7E6]  }
0xb6: {  	[tilespmem:s20], [sflag:$0x2] =	stream.linear.gather [hbm4b:s19+s4], $0x400, $0x38;
	[tilespmem:$0x1C500] =	vst v63  }
0xb7: {  	s24 =	simm.s32 $0x17900;
	s3 =	sld [smem:$0x7E7]  }
0xb8: {  	[tilespmem:s24], [sflag:$0x2] =	stream.linear.gather [hbm4b:s22+s4], $0x400, $0x38;
	[tilespmem:$0x1C500] =	vst v63  }
0xb9: {  	s7 =	simm.s32 $0x18900;
	s8 =	sld [smem:$0x7E8]  }
0xba: {  	[tilespmem:s7], [sflag:$0x2] =	stream.linear.gather [hbm4b:s3+s4], $0x400, $0x38;
	[tilespmem:$0x1C500] =	vst v63  }
0xbb: {  	s9 =	simm.s32 $0x19900;
	s11 =	sld [smem:$0x7E9]  }
0xbc: {  	[tilespmem:s9], [sflag:$0x2] =	stream.linear.gather [hbm4b:s8+s4], $0x400, $0x38;
	[tilespmem:$0x1C500] =	vst v63  }
0xbd: {  	s12 =	simm.s32 $0x1A900;
	s13 =	sld [smem:$0x7EA]  }
0xbe: {  	[tilespmem:s12], [sflag:$0x2] =	stream.linear.gather [hbm4b:s11+s4], $0x400, $0x38;
	[tilespmem:$0x1C500] =	vst v63  }
0xbf: {  	s14 =	simm.s32 $0x1B900;
	s16 =	rddreg [dreg:$0x8]  }
0xc0: {  	[tilespmem:s14], [sflag:$0x2] =	stream.linear.gather [hbm4b:s13+s4], $0x400, $0x38;
	[tilespmem:$0x1C500] =	vst v63  }
0xc1: {  	s17 =	simm.s32 $0x14D00;
	s19 =	sld [smem:$0x7EC]  }
0xc2: {  	[tilespmem:s17], [sflag:$0x2] =	stream.linear.gather [hbm4b:s16+s4], $0x400, $0x38;
	[tilespmem:$0x1C500] =	vst v63  }
0xc3: {  	s20 =	simm.s32 $0x15D00;
	s22 =	sld [smem:$0x7ED]  }
0xc4: {  	[tilespmem:s20], [sflag:$0x2] =	stream.linear.gather [hbm4b:s19+s4], $0x400, $0x38;
	[tilespmem:$0x1C500] =	vst v63  }
0xc5: {  	s1 =	sld [smem:$0x7EF];
	s24 =	simm.s32 $0x16D00  }
0xc6: {  	[tilespmem:s24], [sflag:$0x2] =	stream.linear.gather [hbm4b:s22+s4], $0x400, $0x38;
	[tilespmem:$0x1C500] =	vst v63  }
0xc7: {  	s3 =	simm.s32 $0x17D00;
	s7 =	sld [smem:$0x7F0]  }
0xc8: {  	[tilespmem:s3], [sflag:$0x2] =	stream.linear.gather [hbm4b:s1+s4], $0x400, $0x38;
	[tilespmem:$0x1C500] =	vst v63  }
0xc9: {  	s8 =	simm.s32 $0x18D00;
	s9 =	sld [smem:$0x7F4]  }
0xca: {  	[tilespmem:s8], [sflag:$0x2] =	stream.linear.gather [hbm4b:s7+s4], $0x400, $0x38;
	[tilespmem:$0x1C500] =	vst v63  }
0xcb: {  	s11 =	simm.s32 $0x19D00;
	s12 =	sld [smem:$0x7F2]  }
0xcc: {  	[tilespmem:s11], [sflag:$0x2] =	stream.linear.gather [hbm4b:s9+s4], $0x400, $0x38;
	[tilespmem:$0x1C500] =	vst v63  }
0xcd: {  	s13 =	simm.s32 $0x1AD00;
	s14 =	sld [smem:$0x7F3]  }
0xce: {  	[tilespmem:s13], [sflag:$0x2] =	stream.linear.gather [hbm4b:s12+s4], $0x400, $0x38;
	[tilespmem:$0x1C500] =	vst v63  }
0xcf: {  	s16 =	simm.s32 $0x1BD00  }
0xd0: {  	[tilespmem:s16], [sflag:$0x2] =	stream.linear.gather [hbm4b:s14+s4], $0x400, $0x38;
	[tilespmem:$0x1C500] =	vst v63  }
0xd1: {  	s17 =	rddreg [dreg:$0x0];
	s19 =	simm.s32 $0x4  }
0xd2: {  	[tilespmem:s4], [sflag:$0x4] =	stream.linear.gather [hbm4b:s17+s4], $0x4000, $0x38;
	[tilespmem:$0x1C500] =	vst v63  }
0xd3: {  	_ =	swait.ge [sflag:s19], $0x4000  }
0xd4: {  	[sflag:s19] =	ssyncset.done $0x0  }
0xd5: {  	[sflag:s19] =	ssyncadd.s32 $0xFFFFC000  }
0xd6: {  	[tilespmem:$0xC000] =	vst v4  }
0xd7: {  	[tilespmem:$0xC010] =	vst v4  }
0xd8: {  	[tilespmem:$0xC020] =	vst v4  }
0xd9: {  	[tilespmem:$0xC030] =	vst v4  }
0xda: {  	[tilespmem:$0xC040] =	vst v4  }
0xdb: {  	[tilespmem:$0xC050] =	vst v4  }
0xdc: {  	[tilespmem:$0xC060] =	vst v4  }
0xdd: {  	[tilespmem:$0xC070] =	vst v4  }
0xde: {  	[tilespmem:$0xC080] =	vst v4  }
0xdf: {  	[tilespmem:$0xC090] =	vst v4  }
0xe0: {  	[tilespmem:$0xC0A0] =	vst v4  }
0xe1: {  	[tilespmem:$0xC0B0] =	vst v4  }
0xe2: {  	[tilespmem:$0xC0C0] =	vst v4  }
0xe3: {  	[tilespmem:$0xC0D0] =	vst v4  }
0xe4: {  	[tilespmem:$0xC0E0] =	vst v4  }
0xe5: {  	s20 =	simm.s32 $0x10;
	[tilespmem:$0xC0F0] =	vst v4  }
0xe6: {  	v13 =	vld [tilespmem:s20+$0xFFFFFFF0];
	_ =	sdelay $0x4  }
0xe7: {  	v14 =	vshra.s32 v13, $0x7  }
0xe8: {  	vm0 =	vge.s32 v14, v3;
	vm1 =	vlt.s32 v14, v2  }
0xe9: {  	vm0 =	vmand vm0, vm1  }
0xea: {  	v14 =	vsub.s32 v14, v3  }
0xeb: {  	v15 =	vmpcnt.ones.xlane vm0;
	_ =	sdelay $0x1  }
0xec: {  	[tilespmem:s4+$0x4000] =	vst.msk vm0, v13;
	v13 =	vor.u32 s4, v5;
	(v2sf) =	vpush v15, $0x0  }
0xed: {  	[tilespmem:s4+$0x8000] =	vst.msk vm0, v13  }
0xee: {  	[tilespmem:v14+s23+$0x0] =	vst.idx.msk vm0, v6  }
0xef: {  	v13 =	vld [tilespmem:s20+$0x0];
	_ =	sdelay $0x4  }
0xf0: {  	v14 =	vshra.s32 v13, $0x7  }
0xf1: {  	vm0 =	vge.s32 v14, v3;
	vm1 =	vlt.s32 v14, v2  }
0xf2: {  	vm0 =	vmand vm0, vm1  }
0xf3: {  	v15 =	vmpcnt.ones.xlane vm0;
	_ =	sdelay $0x1  }
0xf4: {  	(v2sf) =	vpush v15, $0x0  }
0xf5: {  	v14 =	vsub.s32 v14, v3  }
0xf6: {  	s22 =	spop (v2sf)  }
0xf7: {  	s24 =	simm.s32 $0x10;
	s7 =	sadd.s32 $0x0, s22  }
0xf8: {  	[tilespmem:s7+$0x4000] =	vst.msk vm0, v13;
	v13 =	vor.u32 s24, v5  }
0xf9: {  	[tilespmem:s7+$0x8000] =	vst.msk vm0, v13  }
0xfa: {  	s1 =	simm.s32 $0x30;
	[tilespmem:v14+s23+$0x0] =	vst.idx.msk vm0, v6  }
0xfb: {  	v13 =	vld [tilespmem:s1+$0xFFFFFFF0];
	_ =	sdelay $0x4  }
0xfc: {  	v14 =	vshra.s32 v13, $0x7  }
0xfd: {  	vm0 =	vge.s32 v14, v3;
	vm1 =	vlt.s32 v14, v2  }
0xfe: {  	vm0 =	vmand vm0, vm1  }
0xff: {  	s0 =	simm.s32 $0x20;
	s3 =	simm.s32 $0x40;
	v14 =	vsub.s32 v14, v3;
	v15 =	vmpcnt.ones.xlane vm0;
	s8 =	spop (v2sf)  }
.LBB2_2:
0x100: {  	p0 =	sne.s32 s3, $0x3FE0  }
0x101: {  	(v2sf) =	vpush v15, $0x0;
	s7 =	sadd.s32 s7, s8;
	s8 =	smov.u32 s3;
	s3 =	sadd.s32 $0x20, s3  }
0x102: {  	[tilespmem:s7+$0x4000] =	vst.msk vm0, v13;
	v13 =	vor.u32 s0, v5  }
0x103: {  	[tilespmem:s7+$0x8000] =	vst.msk vm0, v13  }
0x104: {  	[tilespmem:v14+s23+$0x0] =	vst.idx.msk vm0, v6  }
0x105: {  	v13 =	vld [tilespmem:s1+$0x0];
	_ =	sdelay $0x4  }
0x106: {  	v14 =	vshra.s32 v13, $0x7  }
0x107: {  	vm0 =	vge.s32 v14, v3;
	vm1 =	vlt.s32 v14, v2  }
0x108: {  	vm0 =	vmand vm0, vm1  }
0x109: {  	v15 =	vmpcnt.ones.xlane vm0;
	_ =	sdelay $0x1  }
0x10a: {  	v14 =	vsub.s32 v14, v3;
	(v2sf) =	vpush v15, $0x0  }
0x10b: {  	s9 =	spop (v2sf)  }
0x10c: {  	s7 =	sadd.s32 s7, s9;
	s9 =	sadd.s32 $0x10, s0;
	s0 =	smov.u32 s8  }
0x10d: {  	[tilespmem:s7+$0x4000] =	vst.msk vm0, v13;
	v13 =	vor.u32 s9, v5  }
0x10e: {  	[tilespmem:s7+$0x8000] =	vst.msk vm0, v13  }
0x10f: {  	s1 =	sadd.s32 $0x20, s1;
	[tilespmem:v14+s23+$0x0] =	vst.idx.msk vm0, v6  }
0x110: {  	v13 =	vld [tilespmem:s1+$0xFFFFFFF0];
	_ =	sdelay $0x4  }
.Ltmp2:
0x111: {  	v14 =	vshra.s32 v13, $0x7;
	(pc) =	sbr.rel @p0 .LBB2_2-.Ltmp2, $4  }
0x112: {  	vm0 =	vge.s32 v14, v3;
	vm1 =	vlt.s32 v14, v2  }
0x113: {  	vm0 =	vmand vm0, vm1  }
0x114: {  	v14 =	vsub.s32 v14, v3;
	v15 =	vmpcnt.ones.xlane vm0  }
0x115: {  	s8 =	spop (v2sf)  }
0x116: {  	_ =	sdelay $0x1  }
0x117: {  	s3 =	sadd.s32 s7, s8  }
0x118: {  	[tilespmem:s3+$0x4000] =	vst.msk vm0, v13;
	v13 =	vor.u32 s0, v5  }
0x119: {  	[tilespmem:s3+$0x8000] =	vst.msk vm0, v13  }
0x11a: {  	[tilespmem:v14+s23+$0x0] =	vst.idx.msk vm0, v6  }
0x11b: {  	v13 =	vld [tilespmem:s1+$0x0];
	_ =	sdelay $0x4  }
0x11c: {  	v14 =	vshra.s32 v13, $0x7  }
0x11d: {  	vm15 =	vge.s32 v14, v3;
	vm1 =	vlt.s32 v14, v2  }
0x11e: {  	vm0 =	vmand vm15, vm1  }
0x11f: {  	v16 =	vmpcnt.ones.xlane vm0  }
0x120: {  	(v2sf) =	vpush v15, $0x0  }
0x121: {  	(v2sf) =	vpush v16, $0x0;
	_ =	sdelay $0xc  }
0x122: {  	v14 =	vsub.s32 v14, v3  }
0x123: {  	s20 =	spop (v2sf)  }
0x124: {  	s22 =	sadd.s32 $0x10, s0;
	s1 =	sadd.s32 s3, s20;
	s24 =	spop (v2sf)  }
0x125: {  	[tilespmem:s1+$0x4000] =	vst.msk vm0, v13;
	v13 =	vor.u32 s22, v5;
	s0 =	sadd.s32 s1, s24  }
0x126: {  	[tilespmem:s1+$0x8000] =	vst.msk vm0, v13;
	p0 =	sgt.s32 s0, $0x3FFF  }
0x127: {  	[tilespmem:v14+s23+$0x0] =	vst.idx.msk vm0, v6;
	s1 =	sand.u32 @!p0 $0xFFFFFFF0, s0  }
0x128: {  	v13 =	vld @!p0 [tilespmem:s1+$0x4000];
	_ =	sdelay $0x1  }
.Ltmp3:
0x129: {  	s3 =	sand.u32 @!p0 $0xF, s0;
	v14 =	vlaneseq.u32 @!p0;
	(pc) =	sbr.rel .LBB2_4-.Ltmp3, $4  }
0x12a: {  	v15 =	vmov @!p0 s3;
	v14 =	vadd.s32 @!p0 $0x1, v14  }
0x12b: {  	s0 =	sadd.s32 $0xF, s0;
	vm0 =	vlt.u32 @!p0 v15, v14  }
0x12c: {  	s12 =	simm.s32 $0x4;
	s9 =	simm.s32 $0x4;
	s0 =	sshra.s32 s0, $0x4;
	v13 =	vsel @!p0 vm0, $0x7FFF0000, v13  }
0x12d: {  	s3 =	simm.s32 $0x0;
	[tilespmem:s1+$0x4000] =	vst @!p0 v13;
	p0 =	slt.s32 s0, $0x1;
	s1 =	simm.s32 $0x0  }
.LBB2_24:
0x12e: {  	s14 =	sadd.s32 $0xC, s7  }
0x12f: {  	v13 =	vmov s14  }
0x130: {  	v13 =	vand.u32 $0xFFFFFFFC, v13  }
0x131: {  	v13 =	vbroadcast v13, $0x0;
	_ =	sdelay $0x5  }
0x132: {  	v13 =	vld.idx.msk [tilespmem:v13+s23+$0x0], $0xffff;
	_ =	sdelay $0x4  }
0x133: {  	(v2sf) =	vpush v13, $0x0;
	_ =	sdelay $0xe  }
0x134: {  	s12 =	spop (v2sf)  }
0x135: {  	p1 =	slt.s32 s12, $0x1  }
0x136: {  	s16 =	sadd.s32 @!p1 s5, s14  }
0x137: {  	s16 =	sshll.u32 @!p1 s16, $0x7  }
0x138: {  	s16 =	sand.u32 @!p1 $0x1FFFFF80, s16  }
0x139: {  	s17 =	simm.s32 @!p1 $0x0;
	s19 =	simm.s32 @!p1 $0x14100;
	s16 =	sadd.s32 @!p1 s2, s16  }
0x13a: {  	[tilespmem:s19], [sflag:$0x2] =	stream.linear.gather @!p1 [hbm4b:s16+s17], $0x400, $0x38;
	[tilespmem:$0x1C500] =	vst v63  }
0x13b: {  	s20 =	simm.s32 @!p1 $0x15100;
	s19 =	sadd.s32 @!p1 $0xF4280, s16  }
0x13c: {  	[tilespmem:s20], [sflag:$0x2] =	stream.linear.gather @!p1 [hbm4b:s19+s17], $0x400, $0x38;
	[tilespmem:$0x1C500] =	vst v63  }
0x13d: {  	s19 =	sadd.s32 @!p1 $0x1E8500, s16;
	s20 =	simm.s32 @!p1 $0x16100  }
0x13e: {  	[tilespmem:s20], [sflag:$0x2] =	stream.linear.gather @!p1 [hbm4b:s19+s17], $0x400, $0x38;
	[tilespmem:$0x1C500] =	vst v63  }
0x13f: {  	s22 =	sadd.s32 $0xD, s7;
	s19 =	sadd.s32 @!p1 $0x2DC780, s16;
	s20 =	simm.s32 @!p1 $0x17100  }
0x140: {  	[tilespmem:s20], [sflag:$0x2] =	stream.linear.gather @!p1 [hbm4b:s19+s17], $0x400, $0x38;
	[tilespmem:$0x1C500] =	vst v63  }
0x141: {  	v13 =	vmov s22;
	s24 =	simm.s32 @!p1 $0x18100;
	s20 =	sadd.s32 @!p1 $0x3D0A00, s16  }
0x142: {  	v13 =	vand.u32 $0xFFFFFFFD, v13;
	[tilespmem:s24], [sflag:$0x2] =	stream.linear.gather @!p1 [hbm4b:s20+s17], $0x400, $0x38;
	[tilespmem:$0x1C500] =	vst v63  }
0x143: {  	v13 =	vbroadcast v13, $0x0;
	s19 =	sadd.s32 @!p1 $0x4C4C80, s16;
	s20 =	simm.s32 @!p1 $0x19100  }
0x144: {  	[tilespmem:s20], [sflag:$0x2] =	stream.linear.gather @!p1 [hbm4b:s19+s17], $0x400, $0x38;
	[tilespmem:$0x1C500] =	vst v63  }
0x145: {  	s19 =	sadd.s32 @!p1 $0x5B8F00, s16;
	s20 =	simm.s32 @!p1 $0x1A100  }
0x146: {  	[tilespmem:s20], [sflag:$0x2] =	stream.linear.gather @!p1 [hbm4b:s19+s17], $0x400, $0x38;
	[tilespmem:$0x1C500] =	vst v63  }
0x147: {  	s16 =	sadd.s32 @!p1 $0x6AD180, s16;
	s19 =	simm.s32 @!p1 $0x1B100  }
0x148: {  	[tilespmem:s19], [sflag:$0x2] =	stream.linear.gather @!p1 [hbm4b:s16+s17], $0x400, $0x38;
	[tilespmem:$0x1C500] =	vst v63  }
0x149: {  	v13 =	vld.idx.msk [tilespmem:v13+s23+$0x0], $0xffff;
	_ =	sdelay $0x4  }
0x14a: {  	(v2sf) =	vpush v13, $0x0;
	_ =	sdelay $0xe  }
0x14b: {  	s16 =	spop (v2sf)  }
0x14c: {  	p1 =	slt.s32 s16, $0x1  }
0x14d: {  	s17 =	sadd.s32 @!p1 s5, s14  }
0x14e: {  	s17 =	sshll.u32 @!p1 s17, $0x7  }
0x14f: {  	s19 =	simm.s32 @!p1 $0x0;
	s20 =	simm.s32 @!p1 $0x14500;
	s17 =	sadd.s32 @!p1 s17, s15  }
0x150: {  	[tilespmem:s20], [sflag:$0x2] =	stream.linear.gather @!p1 [hbm4b:s17+s19], $0x400, $0x38;
	[tilespmem:$0x1C500] =	vst v63  }
0x151: {  	s24 =	simm.s32 @!p1 $0x15500;
	s20 =	sadd.s32 @!p1 $0xF4280, s17  }
0x152: {  	[tilespmem:s24], [sflag:$0x2] =	stream.linear.gather @!p1 [hbm4b:s20+s19], $0x400, $0x38;
	[tilespmem:$0x1C500] =	vst v63  }
0x153: {  	s20 =	sadd.s32 @!p1 $0x1E8500, s17;
	s24 =	simm.s32 @!p1 $0x16500  }
0x154: {  	[tilespmem:s24], [sflag:$0x2] =	stream.linear.gather @!p1 [hbm4b:s20+s19], $0x400, $0x38;
	[tilespmem:$0x1C500] =	vst v63  }
0x155: {  	s20 =	sadd.s32 @!p1 $0x2DC780, s17;
	s24 =	simm.s32 @!p1 $0x17500  }
0x156: {  	[tilespmem:s24], [sflag:$0x2] =	stream.linear.gather @!p1 [hbm4b:s20+s19], $0x400, $0x38;
	[tilespmem:$0x1C500] =	vst v63  }
0x157: {  	s20 =	sadd.s32 $0xE, s7  }
0x158: {  	s22 =	simm.s32 @!p1 $0x18500;
	s24 =	sadd.s32 @!p1 $0x3D0A00, s17;
	v13 =	vmov s20  }
0x159: {  	[tilespmem:s22], [sflag:$0x2] =	stream.linear.gather @!p1 [hbm4b:s24+s19], $0x400, $0x38;
	v13 =	vand.u32 $0xFFFFFFFE, v13;
	[tilespmem:$0x1C500] =	vst v63  }
0x15a: {  	s20 =	sadd.s32 @!p1 $0x4C4C80, s17;
	s22 =	simm.s32 @!p1 $0x19500;
	v13 =	vbroadcast v13, $0x0  }
0x15b: {  	[tilespmem:s22], [sflag:$0x2] =	stream.linear.gather @!p1 [hbm4b:s20+s19], $0x400, $0x38;
	[tilespmem:$0x1C500] =	vst v63  }
0x15c: {  	s20 =	sadd.s32 @!p1 $0x5B8F00, s17;
	s22 =	simm.s32 @!p1 $0x1A500  }
0x15d: {  	[tilespmem:s22], [sflag:$0x2] =	stream.linear.gather @!p1 [hbm4b:s20+s19], $0x400, $0x38;
	[tilespmem:$0x1C500] =	vst v63  }
0x15e: {  	s17 =	sadd.s32 @!p1 $0x6AD180, s17;
	s20 =	simm.s32 @!p1 $0x1B500  }
0x15f: {  	[tilespmem:s20], [sflag:$0x2] =	stream.linear.gather @!p1 [hbm4b:s17+s19], $0x400, $0x38;
	[tilespmem:$0x1C500] =	vst v63  }
0x160: {  	v13 =	vld.idx.msk [tilespmem:v13+s23+$0x0], $0xffff;
	_ =	sdelay $0x4  }
0x161: {  	(v2sf) =	vpush v13, $0x0;
	_ =	sdelay $0xe  }
0x162: {  	s17 =	spop (v2sf)  }
0x163: {  	p1 =	slt.s32 s17, $0x1  }
0x164: {  	s19 =	sadd.s32 @!p1 s5, s14  }
0x165: {  	s19 =	sshll.u32 @!p1 s19, $0x7  }
0x166: {  	s20 =	simm.s32 @!p1 $0x0;
	s22 =	simm.s32 @!p1 $0x14900;
	s19 =	sadd.s32 @!p1 s19, s18  }
0x167: {  	[tilespmem:s22], [sflag:$0x2] =	stream.linear.gather @!p1 [hbm4b:s19+s20], $0x400, $0x38;
	[tilespmem:$0x1C500] =	vst v63  }
0x168: {  	s24 =	simm.s32 @!p1 $0x15900;
	s22 =	sadd.s32 @!p1 $0xF4280, s19  }
0x169: {  	[tilespmem:s24], [sflag:$0x2] =	stream.linear.gather @!p1 [hbm4b:s22+s20], $0x400, $0x38;
	[tilespmem:$0x1C500] =	vst v63  }
0x16a: {  	s22 =	sadd.s32 @!p1 $0x1E8500, s19;
	s24 =	simm.s32 @!p1 $0x16900  }
0x16b: {  	[tilespmem:s24], [sflag:$0x2] =	stream.linear.gather @!p1 [hbm4b:s22+s20], $0x400, $0x38;
	[tilespmem:$0x1C500] =	vst v63  }
0x16c: {  	s22 =	sadd.s32 @!p1 $0x2DC780, s19;
	s24 =	simm.s32 @!p1 $0x17900  }
0x16d: {  	[tilespmem:s24], [sflag:$0x2] =	stream.linear.gather @!p1 [hbm4b:s22+s20], $0x400, $0x38;
	[tilespmem:$0x1C500] =	vst v63  }
0x16e: {  	s22 =	sadd.s32 @!p1 $0x3D0A00, s19;
	s24 =	simm.s32 @!p1 $0x18900  }
0x16f: {  	[tilespmem:s24], [sflag:$0x2] =	stream.linear.gather @!p1 [hbm4b:s22+s20], $0x400, $0x38;
	[tilespmem:$0x1C500] =	vst v63  }
0x170: {  	s7 =	sadd.s32 $0xF, s7;
	s22 =	sadd.s32 @!p1 $0x4C4C80, s19;
	s24 =	simm.s32 @!p1 $0x19900  }
0x171: {  	v13 =	vmov s7;
	[tilespmem:s24], [sflag:$0x2] =	stream.linear.gather @!p1 [hbm4b:s22+s20], $0x400, $0x38;
	[tilespmem:$0x1C500] =	vst v63  }
0x172: {  	s7 =	sadd.s32 @!p1 $0x5B8F00, s19;
	s22 =	simm.s32 @!p1 $0x1A900  }
0x173: {  	[tilespmem:s22], [sflag:$0x2] =	stream.linear.gather @!p1 [hbm4b:s7+s20], $0x400, $0x38;
	[tilespmem:$0x1C500] =	vst v63  }
0x174: {  	s7 =	sadd.s32 @!p1 $0x6AD180, s19;
	s19 =	simm.s32 @!p1 $0x1B900  }
0x175: {  	[tilespmem:s19], [sflag:$0x2] =	stream.linear.gather @!p1 [hbm4b:s7+s20], $0x400, $0x38;
	[tilespmem:$0x1C500] =	vst v63  }
0x176: {  	v13 =	vld.idx.msk [tilespmem:v13+s23+$0x0], $0xffff;
	_ =	sdelay $0x4  }
0x177: {  	(v2sf) =	vpush v13, $0x0;
	_ =	sdelay $0xe  }
0x178: {  	s7 =	spop (v2sf)  }
0x179: {  	p1 =	slt.s32 s7, $0x1  }
0x17a: {  	s14 =	sadd.s32 @!p1 s5, s14  }
0x17b: {  	s14 =	sshll.u32 @!p1 s14, $0x7  }
0x17c: {  	s19 =	simm.s32 @!p1 $0x0;
	s20 =	simm.s32 @!p1 $0x14D00;
	s14 =	sadd.s32 @!p1 s14, s10  }
0x17d: {  	[tilespmem:s20], [sflag:$0x2] =	stream.linear.gather @!p1 [hbm4b:s14+s19], $0x400, $0x38;
	[tilespmem:$0x1C500] =	vst v63  }
0x17e: {  	s22 =	simm.s32 @!p1 $0x15D00;
	s20 =	sadd.s32 @!p1 $0xF4280, s14  }
0x17f: {  	[tilespmem:s22], [sflag:$0x2] =	stream.linear.gather @!p1 [hbm4b:s20+s19], $0x400, $0x38;
	[tilespmem:$0x1C500] =	vst v63  }
0x180: {  	s20 =	sadd.s32 @!p1 $0x1E8500, s14;
	s22 =	simm.s32 @!p1 $0x16D00  }
0x181: {  	[tilespmem:s22], [sflag:$0x2] =	stream.linear.gather @!p1 [hbm4b:s20+s19], $0x400, $0x38;
	[tilespmem:$0x1C500] =	vst v63  }
0x182: {  	s20 =	sadd.s32 @!p1 $0x2DC780, s14;
	s22 =	simm.s32 @!p1 $0x17D00  }
0x183: {  	[tilespmem:s22], [sflag:$0x2] =	stream.linear.gather @!p1 [hbm4b:s20+s19], $0x400, $0x38;
	[tilespmem:$0x1C500] =	vst v63  }
0x184: {  	s20 =	sadd.s32 @!p1 $0x3D0A00, s14;
	s22 =	simm.s32 @!p1 $0x18D00  }
0x185: {  	[tilespmem:s22], [sflag:$0x2] =	stream.linear.gather @!p1 [hbm4b:s20+s19], $0x400, $0x38;
	[tilespmem:$0x1C500] =	vst v63  }
0x186: {  	s20 =	sadd.s32 @!p1 $0x4C4C80, s14;
	s22 =	simm.s32 @!p1 $0x19D00  }
0x187: {  	[tilespmem:s22], [sflag:$0x2] =	stream.linear.gather @!p1 [hbm4b:s20+s19], $0x400, $0x38;
	[tilespmem:$0x1C500] =	vst v63  }
0x188: {  	s20 =	sadd.s32 @!p1 $0x5B8F00, s14;
	s22 =	simm.s32 @!p1 $0x1AD00  }
0x189: {  	[tilespmem:s22], [sflag:$0x2] =	stream.linear.gather @!p1 [hbm4b:s20+s19], $0x400, $0x38;
	[tilespmem:$0x1C500] =	vst v63  }
0x18a: {  	s1 =	sadd.s32 $0x1, s1;
	s14 =	sadd.s32 @!p1 $0x6AD180, s14;
	s20 =	simm.s32 @!p1 $0x1BD00  }
0x18b: {  	[tilespmem:s20], [sflag:$0x2] =	stream.linear.gather @!p1 [hbm4b:s14+s19], $0x400, $0x38;
	[tilespmem:$0x1C500] =	vst v63  }
0x18c: {  	p1 =	seq.s32 s1, $0x1F  }
.Ltmp4:
0x18d: {  	_ = 	snop;
	(pc) =	sbr.rel @p1 .LBB2_25-.Ltmp4, $4  }
0x18e: {  	_ = 	snop  }
0x18f: {  	s8 =	sadd.s32 s8, s9;
	s24 =	sadd.s32 s12, s16  }
0x190: {  	s11 =	sadd.s32 s11, s8;
	s8 =	sadd.s32 s17, s24  }
0x191: {  	s9 =	sadd.s32 s13, s11;
	s12 =	sadd.s32 s7, s8  }
.LBB2_4:
0x192: {  	p1 =	slt.s32 s9, $0x1  }
.Ltmp5:
0x193: {  	_ = 	snop;
	(pc) =	sbr.rel @p1 .LBB2_8-.Ltmp5, $1  }
0x194: {  	_ =	sdelay $0x3  }
0x195: {  	p1 =	sne.s32 s9, $0x1  }
.Ltmp6:
0x196: {  	_ = 	snop;
	(pc) =	sbr.rel @!p1 .LBB2_7-.Ltmp6, $3  }
0x197: {  	_ =	sdelay $0x1  }
0x198: {  	_ =	swait.ge [sflag:s25], $0x2000  }
0x199: {  	s7 =	sadd.s32 $0xFFFFFFFF, s9;
	[sflag:s25] =	ssyncset.done $0x0  }
.LBB2_6:
0x19a: {  	p1 =	sne.s32 s7, $0x1;
	s7 =	sadd.s32 $0xFFFFFFFF, s7;
	[sflag:s25] =	ssyncadd.s32 $0xFFFFE000  }
.Ltmp7:
0x19b: {  	(pc) =	sbr.rel @p1 .LBB2_6-.Ltmp7, $3  }
0x19c: {  	_ =	sdelay $0x1  }
0x19d: {  	_ =	swait.ge [sflag:s25], $0x2000  }
0x19e: {  	[sflag:s25] =	ssyncset.done $0x0  }
.LBB2_7:
0x19f: {  	[sflag:s25] =	ssyncadd.s32 $0xFFFFE000  }
.LBB2_8:
.Ltmp8:
0x1a0: {  	(pc) =	sbr.rel @p0 .LBB2_14-.Ltmp8, $2  }
0x1a1: {  	_ =	sdelay $0x2  }
0x1a2: {  	s7 =	sshll.u32 s1, $0x3  }
.Ltmp9:
0x1a3: {  	(pc) =	sbr.rel .LBB2_10-.Ltmp9, $4  }
0x1a4: {  	_ = 	snop  }
0x1a5: {  	s9 =	sadd.s32 s5, s7  }
0x1a6: {  	s11 =	sadd.s32 $0x4, s9  }
0x1a7: {  	s8 =	sshll.u32 s9, $0x7;
	v13 =	vmov s9;
	s9 =	simm.s32 $0x0;
	v14 =	vmov s11  }
.LBB2_13:
0x1a8: {  	s9 =	sadd.s32 $0x1, s9  }
0x1a9: {  	p1 =	sne.s32 s9, s0  }
.Ltmp10:
0x1aa: {  	_ = 	snop;
	(pc) =	sbr.rel @!p1 .LBB2_14-.Ltmp10, $1  }
0x1ab: {  	_ =	sdelay $0x3  }
.LBB2_10:
0x1ac: {  	s11 =	sshll.u32 s9, $0x4  }
0x1ad: {  	v15 =	vld [tilespmem:s11+$0x4000];
	_ =	sdelay $0x4  }
0x1ae: {  	v15 =	vshra.s32 v15, $0x7  }
0x1af: {  	vm0 =	vge.s32 v15, v13;
	vm1 =	vlt.s32 v15, v14  }
0x1b0: {  	vm0 =	vmand vm0, vm1  }
0x1b1: {  	v15 =	vmpcnt.ones.xlane vm0;
	_ =	sdelay $0x1  }
0x1b2: {  	(v2sf) =	vpush v15, $0x0;
	_ =	sdelay $0xe  }
0x1b3: {  	s13 =	spop (v2sf)  }
0x1b4: {  	p1 =	slt.s32 s13, $0x1  }
.Ltmp11:
0x1b5: {  	_ = 	snop;
	(pc) =	sbr.rel @p1 .LBB2_13-.Ltmp11, $1  }
0x1b6: {  	_ =	sdelay $0x3  }
0x1b7: {  	s13 =	sshll.u32 s3, $0x7  }
.LBB2_12:
0x1b8: {  	v15 =	vmctz.xlane vm0;
	_ =	sdelay $0x1  }
0x1b9: {  	(v2sf) =	vpush v15, $0x0;
	_ =	sdelay $0xe  }
0x1ba: {  	s14 =	spop (v2sf)  }
0x1bb: {  	s14 =	sadd.s32 s11, s14  }
0x1bc: {  	v16 =	vmov s14;
	_ =	sdelay $0x4  }
0x1bd: {  	v17 =	vld.idx.msk [tilespmem:v16+s26+$0x0], $0xffff;
	_ =	sdelay $0x4  }
0x1be: {  	(v2sf) =	vpush v17, $0x0;
	_ =	sdelay $0x1  }
0x1bf: {  	v16 =	vld.idx.msk [tilespmem:v16+s28+$0x0], $0xffff;
	_ =	sdelay $0x4  }
0x1c0: {  	(v2sf) =	vpush v16, $0x0;
	_ =	sdelay $0x7  }
0x1c1: {  	s19 =	spop (v2sf)  }
0x1c2: {  	s14 =	ssub.s32 s19, s8  }
0x1c3: {  	v61 =	vmov s14  }
0x1c4: {  	v62 =	vshll.u32 v61, $0x3  }
0x1c5: {  	v16 =	vand.u32 $0x7F, v61;
	v17 =	vand.u32 $0xFFFFFC00, v62  }
0x1c6: {  	v16 =	vor.u32 v16, v17  }
0x1c7: {  	p1 =	slt.s32 s3, $0x8;
	v17 =	vadd.s32 v0, v16  }
0x1c8: {  	s16 =	simm.s32 @!p1 $0x3;
	s20 =	spop (v2sf)  }
0x1c9: {  	v15 =	vbroadcast v15, $0x0;
	_ =	swait.ge @!p1 [sflag:s16], $0x80  }
0x1ca: {  	[sflag:s16] =	ssyncset.done @!p1 $0x0  }
0x1cb: {  	vm1 =	vne.s32 v15, v5;
	[sflag:s16] =	ssyncadd.s32 @!p1 $0xFFFFFF80  }
0x1cc: {  	vm0 =	vmand vm0, vm1;
	v17 =	vld.idx.msk [tilespmem:v17+s21+$0x0], $0xffff  }
0x1cd: {  	v63 =	vmpcnt.ones.xlane vm0;
	v18 =	vadd.s32 v1, v16;
	_ =	sdelay $0x1  }
0x1ce: {  	(v2sf) =	vpush v63, $0x0  }
0x1cf: {  	s22 =	sand.u32 $0x380, s13  }
0x1d0: {  	[tilespmem:s22+$0x1C100] =	vst v17  }
0x1d1: {  	v17 =	vld.idx.msk [tilespmem:v18+s21+$0x0], $0xffff  }
0x1d2: {  	v15 =	vadd.s32 v7, v16;
	_ =	sdelay $0x3  }
0x1d3: {  	[tilespmem:s22+$0x1C110] =	vst v17  }
0x1d4: {  	v15 =	vld.idx.msk [tilespmem:v15+s21+$0x0], $0xffff  }
0x1d5: {  	v16 =	vadd.s32 v8, v16;
	_ =	sdelay $0x3  }
0x1d6: {  	[tilespmem:s22+$0x1C120] =	vst v15  }
0x1d7: {  	s24 =	spop (v2sf);
	v15 =	vld.idx.msk [tilespmem:v16+s21+$0x0], $0xffff  }
0x1d8: {  	p1 =	sgt.s32 s24, $0x0  }
.Ltmp12:
0x1d9: {  	_ = 	snop;
	(pc) =	sbr.rel @p1 .LBB2_12-.Ltmp12, $4  }
0x1da: {  	s14 =	sshll.u32 s20, $0x4  }
0x1db: {  	s3 =	sadd.s32 $0x1, s3;
	s14 =	sand.u32 $0x1FFFFFF0, s14  }
0x1dc: {  	s13 =	sadd.s32 $0x80, s13;
	s17 =	sadd.s32 $0x1C100, s22;
	s14 =	sadd.s32 s6, s14;
	[tilespmem:s22+$0x1C130] =	vst v15  }
0x1dd: {  	[hbm4b:s14+s4] =	stream.linear.scatter [tilespmem:s17], [sflag:$0x3], $0x80, $0x38;
	[tilespmem:$0x1C500] =	vst v63  }
.Ltmp13:
0x1de: {  	_ = 	snop;
	(pc) =	sbr.rel .LBB2_13-.Ltmp13, $1  }
0x1df: {  	_ =	sdelay $0x3  }
.LBB2_14:
0x1e0: {  	s14 =	sadd.s32 $0x8, s7  }
0x1e1: {  	v13 =	vmov s14  }
0x1e2: {  	v13 =	vand.u32 $0xFFFFFFF8, v13  }
0x1e3: {  	v13 =	vbroadcast v13, $0x0;
	_ =	sdelay $0x5  }
0x1e4: {  	v13 =	vld.idx.msk [tilespmem:v13+s23+$0x0], $0xffff;
	_ =	sdelay $0x4  }
0x1e5: {  	(v2sf) =	vpush v13, $0x0;
	_ =	sdelay $0xe  }
0x1e6: {  	s8 =	spop (v2sf)  }
0x1e7: {  	p1 =	slt.s32 s8, $0x1  }
0x1e8: {  	s9 =	sadd.s32 @!p1 s5, s14  }
0x1e9: {  	s9 =	sshll.u32 @!p1 s9, $0x7  }
0x1ea: {  	s9 =	sand.u32 @!p1 $0x1FFFFF80, s9  }
0x1eb: {  	s11 =	simm.s32 @!p1 $0x0;
	s13 =	simm.s32 @!p1 $0xC100;
	s9 =	sadd.s32 @!p1 s2, s9  }
0x1ec: {  	[tilespmem:s13], [sflag:$0x1] =	stream.linear.gather @!p1 [hbm4b:s9+s11], $0x400, $0x38;
	[tilespmem:$0x1C500] =	vst v63  }
0x1ed: {  	s16 =	simm.s32 @!p1 $0xD100;
	s13 =	sadd.s32 @!p1 $0xF4280, s9  }
0x1ee: {  	[tilespmem:s16], [sflag:$0x1] =	stream.linear.gather @!p1 [hbm4b:s13+s11], $0x400, $0x38;
	[tilespmem:$0x1C500] =	vst v63  }
0x1ef: {  	s13 =	sadd.s32 @!p1 $0x1E8500, s9;
	s16 =	simm.s32 @!p1 $0xE100  }
0x1f0: {  	[tilespmem:s16], [sflag:$0x1] =	stream.linear.gather @!p1 [hbm4b:s13+s11], $0x400, $0x38;
	[tilespmem:$0x1C500] =	vst v63  }
0x1f1: {  	s20 =	sadd.s32 $0x9, s7;
	s13 =	sadd.s32 @!p1 $0x2DC780, s9;
	s16 =	simm.s32 @!p1 $0xF100  }
0x1f2: {  	[tilespmem:s16], [sflag:$0x1] =	stream.linear.gather @!p1 [hbm4b:s13+s11], $0x400, $0x38;
	[tilespmem:$0x1C500] =	vst v63  }
0x1f3: {  	v13 =	vmov s20;
	s17 =	simm.s32 @!p1 $0x10100;
	s16 =	sadd.s32 @!p1 $0x3D0A00, s9  }
0x1f4: {  	v13 =	vand.u32 $0xFFFFFFF9, v13;
	[tilespmem:s17], [sflag:$0x1] =	stream.linear.gather @!p1 [hbm4b:s16+s11], $0x400, $0x38;
	[tilespmem:$0x1C500] =	vst v63  }
0x1f5: {  	v13 =	vbroadcast v13, $0x0;
	s13 =	sadd.s32 @!p1 $0x4C4C80, s9;
	s16 =	simm.s32 @!p1 $0x11100  }
0x1f6: {  	[tilespmem:s16], [sflag:$0x1] =	stream.linear.gather @!p1 [hbm4b:s13+s11], $0x400, $0x38;
	[tilespmem:$0x1C500] =	vst v63  }
0x1f7: {  	s13 =	sadd.s32 @!p1 $0x5B8F00, s9;
	s16 =	simm.s32 @!p1 $0x12100  }
0x1f8: {  	[tilespmem:s16], [sflag:$0x1] =	stream.linear.gather @!p1 [hbm4b:s13+s11], $0x400, $0x38;
	[tilespmem:$0x1C500] =	vst v63  }
0x1f9: {  	s9 =	sadd.s32 @!p1 $0x6AD180, s9;
	s13 =	simm.s32 @!p1 $0x13100  }
0x1fa: {  	[tilespmem:s13], [sflag:$0x1] =	stream.linear.gather @!p1 [hbm4b:s9+s11], $0x400, $0x38;
	[tilespmem:$0x1C500] =	vst v63  }
0x1fb: {  	v13 =	vld.idx.msk [tilespmem:v13+s23+$0x0], $0xffff;
	_ =	sdelay $0x4  }
0x1fc: {  	(v2sf) =	vpush v13, $0x0;
	_ =	sdelay $0xe  }
0x1fd: {  	s9 =	spop (v2sf)  }
0x1fe: {  	p1 =	slt.s32 s9, $0x1  }
0x1ff: {  	s11 =	sadd.s32 @!p1 s5, s14  }
0x200: {  	s11 =	sshll.u32 @!p1 s11, $0x7  }
0x201: {  	s13 =	simm.s32 @!p1 $0x0;
	s16 =	simm.s32 @!p1 $0xC500;
	s11 =	sadd.s32 @!p1 s11, s15  }
0x202: {  	[tilespmem:s16], [sflag:$0x1] =	stream.linear.gather @!p1 [hbm4b:s11+s13], $0x400, $0x38;
	[tilespmem:$0x1C500] =	vst v63  }
0x203: {  	s17 =	simm.s32 @!p1 $0xD500;
	s16 =	sadd.s32 @!p1 $0xF4280, s11  }
0x204: {  	[tilespmem:s17], [sflag:$0x1] =	stream.linear.gather @!p1 [hbm4b:s16+s13], $0x400, $0x38;
	[tilespmem:$0x1C500] =	vst v63  }
0x205: {  	s16 =	sadd.s32 @!p1 $0x1E8500, s11;
	s17 =	simm.s32 @!p1 $0xE500  }
0x206: {  	[tilespmem:s17], [sflag:$0x1] =	stream.linear.gather @!p1 [hbm4b:s16+s13], $0x400, $0x38;
	[tilespmem:$0x1C500] =	vst v63  }
0x207: {  	s22 =	sadd.s32 $0xA, s7;
	s16 =	sadd.s32 @!p1 $0x2DC780, s11;
	s17 =	simm.s32 @!p1 $0xF500  }
0x208: {  	[tilespmem:s17], [sflag:$0x1] =	stream.linear.gather @!p1 [hbm4b:s16+s13], $0x400, $0x38;
	[tilespmem:$0x1C500] =	vst v63  }
0x209: {  	v13 =	vmov s22;
	s19 =	simm.s32 @!p1 $0x10500;
	s17 =	sadd.s32 @!p1 $0x3D0A00, s11  }
0x20a: {  	v13 =	vand.u32 $0xFFFFFFFA, v13;
	[tilespmem:s19], [sflag:$0x1] =	stream.linear.gather @!p1 [hbm4b:s17+s13], $0x400, $0x38;
	[tilespmem:$0x1C500] =	vst v63  }
0x20b: {  	v13 =	vbroadcast v13, $0x0;
	s16 =	sadd.s32 @!p1 $0x4C4C80, s11;
	s17 =	simm.s32 @!p1 $0x11500  }
0x20c: {  	[tilespmem:s17], [sflag:$0x1] =	stream.linear.gather @!p1 [hbm4b:s16+s13], $0x400, $0x38;
	[tilespmem:$0x1C500] =	vst v63  }
0x20d: {  	s16 =	sadd.s32 @!p1 $0x5B8F00, s11;
	s17 =	simm.s32 @!p1 $0x12500  }
0x20e: {  	[tilespmem:s17], [sflag:$0x1] =	stream.linear.gather @!p1 [hbm4b:s16+s13], $0x400, $0x38;
	[tilespmem:$0x1C500] =	vst v63  }
0x20f: {  	s11 =	sadd.s32 @!p1 $0x6AD180, s11;
	s16 =	simm.s32 @!p1 $0x13500  }
0x210: {  	[tilespmem:s16], [sflag:$0x1] =	stream.linear.gather @!p1 [hbm4b:s11+s13], $0x400, $0x38;
	[tilespmem:$0x1C500] =	vst v63  }
0x211: {  	v13 =	vld.idx.msk [tilespmem:v13+s23+$0x0], $0xffff;
	_ =	sdelay $0x4  }
0x212: {  	(v2sf) =	vpush v13, $0x0;
	_ =	sdelay $0xe  }
0x213: {  	s11 =	spop (v2sf)  }
0x214: {  	p1 =	slt.s32 s11, $0x1  }
0x215: {  	s13 =	sadd.s32 @!p1 s5, s14  }
0x216: {  	s13 =	sshll.u32 @!p1 s13, $0x7  }
0x217: {  	s16 =	simm.s32 @!p1 $0x0;
	s17 =	simm.s32 @!p1 $0xC900;
	s13 =	sadd.s32 @!p1 s13, s18  }
0x218: {  	[tilespmem:s17], [sflag:$0x1] =	stream.linear.gather @!p1 [hbm4b:s13+s16], $0x400, $0x38;
	[tilespmem:$0x1C500] =	vst v63  }
0x219: {  	s19 =	simm.s32 @!p1 $0xD900;
	s17 =	sadd.s32 @!p1 $0xF4280, s13  }
0x21a: {  	[tilespmem:s19], [sflag:$0x1] =	stream.linear.gather @!p1 [hbm4b:s17+s16], $0x400, $0x38;
	[tilespmem:$0x1C500] =	vst v63  }
0x21b: {  	s17 =	sadd.s32 @!p1 $0x1E8500, s13;
	s19 =	simm.s32 @!p1 $0xE900  }
0x21c: {  	[tilespmem:s19], [sflag:$0x1] =	stream.linear.gather @!p1 [hbm4b:s17+s16], $0x400, $0x38;
	[tilespmem:$0x1C500] =	vst v63  }
0x21d: {  	s24 =	sadd.s32 $0xB, s7;
	s17 =	sadd.s32 @!p1 $0x2DC780, s13;
	s19 =	simm.s32 @!p1 $0xF900  }
0x21e: {  	[tilespmem:s19], [sflag:$0x1] =	stream.linear.gather @!p1 [hbm4b:s17+s16], $0x400, $0x38;
	[tilespmem:$0x1C500] =	vst v63  }
0x21f: {  	v13 =	vmov s24;
	s19 =	sadd.s32 @!p1 $0x3D0A00, s13;
	s17 =	simm.s32 @!p1 $0x10900  }
0x220: {  	v13 =	vand.u32 $0xFFFFFFFB, v13;
	[tilespmem:s17], [sflag:$0x1] =	stream.linear.gather @!p1 [hbm4b:s19+s16], $0x400, $0x38;
	[tilespmem:$0x1C500] =	vst v63  }
0x221: {  	v13 =	vbroadcast v13, $0x0;
	s17 =	sadd.s32 @!p1 $0x4C4C80, s13;
	s19 =	simm.s32 @!p1 $0x11900  }
0x222: {  	[tilespmem:s19], [sflag:$0x1] =	stream.linear.gather @!p1 [hbm4b:s17+s16], $0x400, $0x38;
	[tilespmem:$0x1C500] =	vst v63  }
0x223: {  	s17 =	sadd.s32 @!p1 $0x5B8F00, s13;
	s19 =	simm.s32 @!p1 $0x12900  }
0x224: {  	[tilespmem:s19], [sflag:$0x1] =	stream.linear.gather @!p1 [hbm4b:s17+s16], $0x400, $0x38;
	[tilespmem:$0x1C500] =	vst v63  }
0x225: {  	s13 =	sadd.s32 @!p1 $0x6AD180, s13;
	s17 =	simm.s32 @!p1 $0x13900  }
0x226: {  	[tilespmem:s17], [sflag:$0x1] =	stream.linear.gather @!p1 [hbm4b:s13+s16], $0x400, $0x38;
	[tilespmem:$0x1C500] =	vst v63  }
0x227: {  	v13 =	vld.idx.msk [tilespmem:v13+s23+$0x0], $0xffff;
	_ =	sdelay $0x4  }
0x228: {  	(v2sf) =	vpush v13, $0x0;
	_ =	sdelay $0xe  }
0x229: {  	s13 =	spop (v2sf)  }
0x22a: {  	p1 =	slt.s32 s13, $0x1  }
0x22b: {  	s14 =	sadd.s32 @!p1 s5, s14  }
0x22c: {  	s14 =	sshll.u32 @!p1 s14, $0x7  }
0x22d: {  	s16 =	simm.s32 @!p1 $0x0;
	s17 =	simm.s32 @!p1 $0xCD00;
	s14 =	sadd.s32 @!p1 s14, s10  }
0x22e: {  	[tilespmem:s17], [sflag:$0x1] =	stream.linear.gather @!p1 [hbm4b:s14+s16], $0x400, $0x38;
	[tilespmem:$0x1C500] =	vst v63  }
0x22f: {  	s19 =	simm.s32 @!p1 $0xDD00;
	s17 =	sadd.s32 @!p1 $0xF4280, s14  }
0x230: {  	[tilespmem:s19], [sflag:$0x1] =	stream.linear.gather @!p1 [hbm4b:s17+s16], $0x400, $0x38;
	[tilespmem:$0x1C500] =	vst v63  }
0x231: {  	s17 =	sadd.s32 @!p1 $0x1E8500, s14;
	s19 =	simm.s32 @!p1 $0xED00  }
0x232: {  	[tilespmem:s19], [sflag:$0x1] =	stream.linear.gather @!p1 [hbm4b:s17+s16], $0x400, $0x38;
	[tilespmem:$0x1C500] =	vst v63  }
0x233: {  	s17 =	sadd.s32 @!p1 $0x2DC780, s14;
	s19 =	simm.s32 @!p1 $0xFD00  }
0x234: {  	[tilespmem:s19], [sflag:$0x1] =	stream.linear.gather @!p1 [hbm4b:s17+s16], $0x400, $0x38;
	[tilespmem:$0x1C500] =	vst v63  }
0x235: {  	s17 =	sadd.s32 @!p1 $0x3D0A00, s14;
	s19 =	simm.s32 @!p1 $0x10D00  }
0x236: {  	[tilespmem:s19], [sflag:$0x1] =	stream.linear.gather @!p1 [hbm4b:s17+s16], $0x400, $0x38;
	[tilespmem:$0x1C500] =	vst v63  }
0x237: {  	s17 =	sadd.s32 @!p1 $0x4C4C80, s14;
	s19 =	simm.s32 @!p1 $0x11D00  }
0x238: {  	[tilespmem:s19], [sflag:$0x1] =	stream.linear.gather @!p1 [hbm4b:s17+s16], $0x400, $0x38;
	[tilespmem:$0x1C500] =	vst v63  }
0x239: {  	s17 =	sadd.s32 @!p1 $0x5B8F00, s14;
	s19 =	simm.s32 @!p1 $0x12D00  }
0x23a: {  	[tilespmem:s19], [sflag:$0x1] =	stream.linear.gather @!p1 [hbm4b:s17+s16], $0x400, $0x38;
	[tilespmem:$0x1C500] =	vst v63  }
0x23b: {  	s14 =	sadd.s32 @!p1 $0x6AD180, s14;
	s17 =	simm.s32 @!p1 $0x13D00  }
0x23c: {  	[tilespmem:s17], [sflag:$0x1] =	stream.linear.gather @!p1 [hbm4b:s14+s16], $0x400, $0x38;
	[tilespmem:$0x1C500] =	vst v63  }
0x23d: {  	p1 =	slt.s32 s12, $0x1  }
.Ltmp14:
0x23e: {  	_ = 	snop;
	(pc) =	sbr.rel @p1 .LBB2_18-.Ltmp14, $1  }
0x23f: {  	_ =	sdelay $0x3  }
0x240: {  	p1 =	sne.s32 s12, $0x1  }
.Ltmp15:
0x241: {  	_ = 	snop;
	(pc) =	sbr.rel @!p1 .LBB2_17-.Ltmp15, $3  }
0x242: {  	_ =	sdelay $0x1  }
0x243: {  	_ =	swait.ge [sflag:s29], $0x2000  }
0x244: {  	s12 =	sadd.s32 $0xFFFFFFFF, s12;
	[sflag:s29] =	ssyncset.done $0x0  }
.LBB2_16:
0x245: {  	p1 =	sne.s32 s12, $0x1;
	s12 =	sadd.s32 $0xFFFFFFFF, s12;
	[sflag:s29] =	ssyncadd.s32 $0xFFFFE000  }
.Ltmp16:
0x246: {  	(pc) =	sbr.rel @p1 .LBB2_16-.Ltmp16, $3  }
0x247: {  	_ =	sdelay $0x1  }
0x248: {  	_ =	swait.ge [sflag:s29], $0x2000  }
0x249: {  	[sflag:s29] =	ssyncset.done $0x0  }
.LBB2_17:
0x24a: {  	[sflag:s29] =	ssyncadd.s32 $0xFFFFE000  }
.LBB2_18:
.Ltmp17:
0x24b: {  	(pc) =	sbr.rel @p0 .LBB2_24-.Ltmp17, $1  }
0x24c: {  	_ =	sdelay $0x3  }
.Ltmp18:
0x24d: {  	(pc) =	sbr.rel .LBB2_20-.Ltmp18, $4  }
0x24e: {  	s12 =	sadd.s32 s7, s5  }
0x24f: {  	s14 =	sadd.s32 $0x4, s12  }
0x250: {  	s16 =	sadd.s32 $0x4, s14  }
0x251: {  	s12 =	sshll.u32 s14, $0x7;
	v13 =	vmov s14;
	s14 =	simm.s32 $0x0;
	v14 =	vmov s16  }
.LBB2_23:
0x252: {  	s14 =	sadd.s32 $0x1, s14  }
0x253: {  	p1 =	sne.s32 s14, s0  }
.Ltmp19:
0x254: {  	_ = 	snop;
	(pc) =	sbr.rel @!p1 .LBB2_24-.Ltmp19, $1  }
0x255: {  	_ =	sdelay $0x3  }
.LBB2_20:
0x256: {  	s16 =	sshll.u32 s14, $0x4  }
0x257: {  	v15 =	vld [tilespmem:s16+$0x4000];
	_ =	sdelay $0x4  }
0x258: {  	v15 =	vshra.s32 v15, $0x7  }
0x259: {  	vm0 =	vge.s32 v15, v13;
	vm1 =	vlt.s32 v15, v14  }
0x25a: {  	vm0 =	vmand vm0, vm1  }
0x25b: {  	v15 =	vmpcnt.ones.xlane vm0;
	_ =	sdelay $0x1  }
0x25c: {  	(v2sf) =	vpush v15, $0x0;
	_ =	sdelay $0xe  }
0x25d: {  	s17 =	spop (v2sf)  }
0x25e: {  	p1 =	slt.s32 s17, $0x1  }
.Ltmp20:
0x25f: {  	_ = 	snop;
	(pc) =	sbr.rel @p1 .LBB2_23-.Ltmp20, $1  }
0x260: {  	_ =	sdelay $0x3  }
0x261: {  	s17 =	sshll.u32 s3, $0x7  }
.LBB2_22:
0x262: {  	v15 =	vmctz.xlane vm0;
	_ =	sdelay $0x1  }
0x263: {  	(v2sf) =	vpush v15, $0x0;
	_ =	sdelay $0xe  }
0x264: {  	s19 =	spop (v2sf)  }
0x265: {  	s19 =	sadd.s32 s16, s19  }
0x266: {  	v16 =	vmov s19;
	_ =	sdelay $0x4  }
0x267: {  	v17 =	vld.idx.msk [tilespmem:v16+s26+$0x0], $0xffff;
	_ =	sdelay $0x4  }
0x268: {  	(v2sf) =	vpush v17, $0x0;
	_ =	sdelay $0x1  }
0x269: {  	v16 =	vld.idx.msk [tilespmem:v16+s28+$0x0], $0xffff;
	_ =	sdelay $0x4  }
0x26a: {  	(v2sf) =	vpush v16, $0x0;
	_ =	sdelay $0x7  }
0x26b: {  	s22 =	spop (v2sf)  }
0x26c: {  	s19 =	ssub.s32 s22, s12  }
0x26d: {  	v61 =	vmov s19  }
0x26e: {  	v62 =	vshll.u32 v61, $0x3  }
0x26f: {  	v16 =	vand.u32 $0x7F, v61;
	v17 =	vand.u32 $0xFFFFFC00, v62  }
0x270: {  	v16 =	vor.u32 v16, v17  }
0x271: {  	p1 =	slt.s32 s3, $0x8;
	v17 =	vadd.s32 v9, v16  }
0x272: {  	s20 =	simm.s32 @!p1 $0x3;
	s24 =	spop (v2sf)  }
0x273: {  	_ =	swait.ge @!p1 [sflag:s20], $0x80  }
0x274: {  	[sflag:s20] =	ssyncset.done @!p1 $0x0  }
0x275: {  	[sflag:s20] =	ssyncadd.s32 @!p1 $0xFFFFFF80  }
0x276: {  	v17 =	vld.idx.msk [tilespmem:v17+s21+$0x0], $0xffff  }
0x277: {  	v18 =	vadd.s32 v10, v16;
	_ =	sdelay $0x2  }
0x278: {  	v15 =	vbroadcast v15, $0x0;
	s22 =	sand.u32 $0x380, s17  }
0x279: {  	[tilespmem:s22+$0x1C100] =	vst v17  }
0x27a: {  	vm1 =	vne.s32 v15, v5;
	v17 =	vld.idx.msk [tilespmem:v18+s21+$0x0], $0xffff  }
0x27b: {  	vm0 =	vmand vm0, vm1;
	v15 =	vadd.s32 v11, v16  }
0x27c: {  	v63 =	vmpcnt.ones.xlane vm0;
	_ =	sdelay $0x1  }
0x27d: {  	(v2sf) =	vpush v63, $0x0  }
0x27e: {  	[tilespmem:s22+$0x1C110] =	vst v17  }
0x27f: {  	v15 =	vld.idx.msk [tilespmem:v15+s21+$0x0], $0xffff  }
0x280: {  	v16 =	vadd.s32 v12, v16;
	_ =	sdelay $0x3  }
0x281: {  	[tilespmem:s22+$0x1C120] =	vst v15  }
0x282: {  	v15 =	vld.idx.msk [tilespmem:v16+s21+$0x0], $0xffff;
	_ =	sdelay $0x2  }
0x283: {  	s19 =	sshll.u32 s24, $0x4  }
0x284: {  	s19 =	sand.u32 $0x1FFFFFF0, s19  }
0x285: {  	s24 =	sadd.s32 $0x1C100, s22;
	s19 =	sadd.s32 s6, s19;
	[tilespmem:s22+$0x1C130] =	vst v15  }
0x286: {  	[hbm4b:s19+s4] =	stream.linear.scatter [tilespmem:s24], [sflag:$0x3], $0x80, $0x38;
	[tilespmem:$0x1C500] =	vst v63  }
0x287: {  	s24 =	spop (v2sf)  }
0x288: {  	p1 =	sgt.s32 s24, $0x0  }
.Ltmp21:
0x289: {  	_ = 	snop;
	(pc) =	sbr.rel @p1 .LBB2_22-.Ltmp21, $2  }
0x28a: {  	_ =	sdelay $0x2  }
0x28b: {  	s3 =	sadd.s32 $0x1, s3;
	s17 =	sadd.s32 $0x80, s17  }
.Ltmp22:
0x28c: {  	_ = 	snop;
	(pc) =	sbr.rel .LBB2_23-.Ltmp22, $1  }
0x28d: {  	_ =	sdelay $0x3  }
.LBB2_25:
0x28e: {  	p0 =	slt.s32 s9, $0x1  }
.Ltmp23:
0x28f: {  	_ = 	snop;
	(pc) =	sbr.rel @p0 .LBB2_29-.Ltmp23, $1  }
0x290: {  	_ =	sdelay $0x3  }
0x291: {  	s0 =	sadd.s32 s13, s11  }
0x292: {  	p0 =	seq.s32 s0, $0x1  }
.Ltmp24:
0x293: {  	_ = 	snop;
	(pc) =	sbr.rel @p0 .LBB2_28-.Ltmp24, $3  }
0x294: {  	_ =	sdelay $0x1  }
0x295: {  	_ =	swait.ge [sflag:s25], $0x2000  }
0x296: {  	s0 =	sadd.s32 $0xFFFFFFFF, s0;
	[sflag:s25] =	ssyncset.done $0x0  }
.LBB2_27:
0x297: {  	p0 =	seq.s32 s0, $0x1;
	s0 =	sadd.s32 $0xFFFFFFFF, s0;
	[sflag:s25] =	ssyncadd.s32 $0xFFFFE000  }
.Ltmp25:
0x298: {  	(pc) =	sbr.rel @!p0 .LBB2_27-.Ltmp25, $3  }
0x299: {  	_ =	sdelay $0x1  }
0x29a: {  	_ =	swait.ge [sflag:s25], $0x2000  }
0x29b: {  	[sflag:s25] =	ssyncset.done $0x0  }
.LBB2_28:
0x29c: {  	[sflag:s25] =	ssyncadd.s32 $0xFFFFE000  }
.LBB2_29:
0x29d: {  	p0 =	slt.s32 s12, $0x1  }
.Ltmp26:
0x29e: {  	_ = 	snop;
	(pc) =	sbr.rel @p0 .LBB2_33-.Ltmp26, $1  }
0x29f: {  	_ =	sdelay $0x3  }
0x2a0: {  	s0 =	sadd.s32 s7, s8  }
0x2a1: {  	p0 =	sne.s32 s0, $0x1  }
.Ltmp27:
0x2a2: {  	_ = 	snop;
	(pc) =	sbr.rel @!p0 .LBB2_32-.Ltmp27, $3  }
0x2a3: {  	_ =	sdelay $0x1  }
0x2a4: {  	_ =	swait.ge [sflag:s29], $0x2000  }
0x2a5: {  	s0 =	sadd.s32 $0xFFFFFFFF, s0;
	[sflag:s29] =	ssyncset.done $0x0  }
.LBB2_31:
0x2a6: {  	p0 =	sne.s32 s0, $0x1;
	s0 =	sadd.s32 $0xFFFFFFFF, s0;
	[sflag:s29] =	ssyncadd.s32 $0xFFFFE000  }
.Ltmp28:
0x2a7: {  	(pc) =	sbr.rel @p0 .LBB2_31-.Ltmp28, $3  }
0x2a8: {  	_ =	sdelay $0x1  }
0x2a9: {  	_ =	swait.ge [sflag:s29], $0x2000  }
0x2aa: {  	[sflag:s29] =	ssyncset.done $0x0  }
.LBB2_32:
0x2ab: {  	[sflag:s29] =	ssyncadd.s32 $0xFFFFE000  }
.LBB2_33:
0x2ac: {  	p0 =	slt.s32 s3, $0x1  }
.Ltmp29:
0x2ad: {  	_ = 	snop;
	(pc) =	sbr.rel @p0 .LBB2_37-.Ltmp29, $1  }
0x2ae: {  	_ =	sdelay $0x3  }
0x2af: {  	p0 =	slt.s32 s3, $0x8  }
0x2b0: {  	s3 =	simm.s32 @!p0 $0x8  }
0x2b1: {  	p0 =	sne.s32 s3, $0x1  }
.Ltmp30:
0x2b2: {  	_ = 	snop;
	(pc) =	sbr.rel @!p0 .LBB2_36-.Ltmp30, $3  }
0x2b3: {  	_ =	sdelay $0x1  }
0x2b4: {  	_ =	swait.ge [sflag:s30], $0x80  }
0x2b5: {  	[sflag:s30] =	ssyncset.done $0x0;
	s0 =	sadd.s32 $0xFFFFFFFF, s3  }
.LBB2_35:
0x2b6: {  	p0 =	sne.s32 s0, $0x1;
	s0 =	sadd.s32 $0xFFFFFFFF, s0;
	[sflag:s30] =	ssyncadd.s32 $0xFFFFFF80  }
.Ltmp31:
0x2b7: {  	(pc) =	sbr.rel @p0 .LBB2_35-.Ltmp31, $3  }
0x2b8: {  	_ =	sdelay $0x1  }
0x2b9: {  	_ =	swait.ge [sflag:s30], $0x80  }
0x2ba: {  	[sflag:s30] =	ssyncset.done $0x0  }
.Ltmp32:
0x2bb: {  	_ = 	snop;
	(pc) =	sbr.rel .LBB2_36-.Ltmp32, $1  }
0x2bc: {  	_ =	sdelay $0x3  }
.LBB2_38:
0x2bd: {  	_ =	sfence.sel $0x180000  }
0x2be: {  	[bflag:$0x0] =	sbarrier.arrive $0xFFFF  }
0x2bf: {  	_ =	strace $0x90000047  }
0x2c0: {  	s0 =	stileid.u32;
	[bflag:$0x2] =	sbarrier.arrive $0xFFFF  }
0x2c1: {  	p0 =	sne.s32 s0, $0x0;
	s0 =	rddreg [dreg:$0x3]  }
0x2c2: {  	s0 =	sadd.s32 @!p0 $0x100000, s0  }
0x2c3: {  	[sflag:s0] =	ssyncadd.tile.s32 @!p0 $0x1;
	_ =	shalt  }
.Lfunc_end2:
_tile_overlayer_lowered:
.L_overlay_start_2:
0x2c4: {  	(tag) =	ssettag $0x2  }
0x2c5: {  	s0 =	rddreg [dreg:$0x0];
	s2 =	stileid.u32  }
0x2c6: {  	s1 =	rddreg [dreg:$0x1];
	p0 =	sne.s32 s2, $0x0  }
0x2c7: {  	s3 =	rddreg [dreg:$0x2];
	[bflag:$0x3] =	sbarrier.arrive $0xFFFF;
	s2 =	simm.s32 @!p0 $0x1C04  }
0x2c8: {  	[timem:s3], [sflag:s2] =	dma.local @!p0 [hbm:s0], s1  }
0x2c9: {  	s0 =	simm.s32 @!p0 $0x4  }
0x2ca: {  	_ =	swait.ge @!p0 [sflag:s0], s1  }
0x2cb: {  	s1 =	ssub.s32 @!p0 $0x0, s1;
	[sflag:s0] =	ssyncset.done @!p0 $0x0  }
0x2cc: {  	[sflag:s0] =	ssyncadd.s32 @!p0 s1  }
0x2cd: {  	[bflag:$0x3] =	sbarrier.arrive $0xFFFF  }
0x2ce: {  	_ =	shalt  }

</sc_bundles>
